<compile_context>
chip_gen: v7x
topology: tpu7x:2x2x1
jax: 0.10.2.dev20260603
libtpu: 0.0.44.dev20260713+nightly
codegen_flags: <defaults>
</compile_context>

<pallas_src>
import functools

import jax
import jax.numpy as jnp
from jax import lax
from jax.experimental import pallas as pl
from jax.experimental.pallas import tpu as pltpu
from jax.experimental.pallas import tpu_sc as plsc

N = 10000
E = 160000
H = 128
NS = 16
CB = 128
CH = 80
EPAD = NS * CH * CB
RPT = 624
RTAIL = N - NS * RPT
RB = 1000
NBUF = 2
PH = 40

_f32 = jnp.float32


def _aggr_body(g0, g1, src, dst, out0, out1, src_v, dst_v,
               rows_v0, rows_v1, acc, gsem0, gsem1):
    rows = (rows_v0, rows_v1)
    gsems = (gsem0, gsem1)
    c = lax.axis_index("c")
    s = lax.axis_index("s")
    row0 = s * RPT

    @pl.when(c == 0)
    def _():
        pltpu.sync_copy(g0.at[pl.ds(row0, RPT)], acc.at[pl.ds(row0, RPT)])

    @pl.when(c == 1)
    def _():
        pltpu.sync_copy(g1.at[pl.ds(row0, RPT)], acc.at[pl.ds(row0, RPT)])

    @pl.when(jnp.logical_and(c == 0, s == NS - 1))
    def _():
        pltpu.sync_copy(g0.at[pl.ds(NS * RPT, RTAIL)],
                        acc.at[pl.ds(NS * RPT, RTAIL)])

    @pl.when(jnp.logical_and(c == 1, s == NS - 1))
    def _():
        pltpu.sync_copy(g1.at[pl.ds(NS * RPT, RTAIL)],
                        acc.at[pl.ds(NS * RPT, RTAIL)])
    plsc.subcore_barrier()

    def _pipeline(gref):
        def phase(p, carry):
            pltpu.sync_copy(src.at[s, pl.ds(p * PH, PH)], src_v)
            pltpu.sync_copy(dst.at[s, pl.ds(p * PH, PH)], dst_v)

            def chunk(i, carry2):
                j = i * NBUF
                gds = [pltpu.async_copy(gref.at[src_v.at[j + b]], rows[b],
                                        gsems[b]) for b in range(NBUF)]
                for b in range(NBUF):
                    gds[b].wait()
                    pltpu.sync_copy(rows[b], acc.at[dst_v.at[j + b]],
                                    add=True)
                return carry2

            lax.fori_loop(0, PH // NBUF, chunk, 0)
            return carry

        lax.fori_loop(0, CH // PH, phase, 0)

    @pl.when(c == 0)
    def _():
        _pipeline(g0)

    @pl.when(c == 1)
    def _():
        _pipeline(g1)
    plsc.subcore_barrier()

    @pl.when(c == 0)
    def _():
        pltpu.sync_copy(acc.at[pl.ds(row0, RPT)], out0.at[pl.ds(row0, RPT)])

    @pl.when(c == 1)
    def _():
        pltpu.sync_copy(acc.at[pl.ds(row0, RPT)], out1.at[pl.ds(row0, RPT)])

    @pl.when(jnp.logical_and(c == 0, s == NS - 1))
    def _():
        pltpu.sync_copy(acc.at[pl.ds(NS * RPT, RTAIL)],
                        out0.at[pl.ds(NS * RPT, RTAIL)])

    @pl.when(jnp.logical_and(c == 1, s == NS - 1))
    def _():
        pltpu.sync_copy(acc.at[pl.ds(NS * RPT, RTAIL)],
                        out1.at[pl.ds(NS * RPT, RTAIL)])


def _aggregate(g0, g1, src, dst):
    mesh = plsc.VectorSubcoreMesh(core_axis_name="c", subcore_axis_name="s")
    f = pl.kernel(
        _aggr_body,
        out_type=(
            jax.ShapeDtypeStruct((N, H), _f32),
            jax.ShapeDtypeStruct((N, H), _f32),
        ),
        mesh=mesh,
        scratch_types=[
            pltpu.VMEM((PH, CB), jnp.int32),
            pltpu.VMEM((PH, CB), jnp.int32),
            pltpu.VMEM((CB, H), _f32),
            pltpu.VMEM((CB, H), _f32),
            pltpu.VMEM_SHARED((N + 8, H), _f32),
            pltpu.SemaphoreType.DMA,
            pltpu.SemaphoreType.DMA,
        ],
    )
    return f(g0, g1, src, dst)


def _fold_body(w1_ref, wemb_ref, bemb_ref, m_ref, c_ref):
    m_ref[...] = jnp.dot(w1_ref[...], wemb_ref[...],
                         preferred_element_type=_f32)
    c_ref[...] = lax.dot_general(bemb_ref[...], w1_ref[...],
                                 (((1,), (1,)), ((), ())),
                                 preferred_element_type=_f32)


def _fold(W1, W_emb, b_emb):
    return pl.pallas_call(
        _fold_body,
        out_shape=[
            jax.ShapeDtypeStruct((256, 768), _f32),
            jax.ShapeDtypeStruct((1, 256), _f32),
        ],
    )(W1, W_emb, b_emb.reshape(1, 256))


def _mm_first_body(x_ref, m_ref, c_ref, o0_ref, o1_ref):
    g = lax.dot_general(x_ref[...], m_ref[...], (((1,), (1,)), ((), ())),
                        preferred_element_type=_f32)
    g = g + c_ref[...]
    o0_ref[...] = g[:, :H]
    o1_ref[...] = g[:, H:]


def _mm_first(x, M, c):
    return pl.pallas_call(
        _mm_first_body,
        grid=(N // RB,),
        in_specs=[
            pl.BlockSpec((RB, 768), lambda i: (i, 0)),
            pl.BlockSpec((256, 768), lambda i: (0, 0)),
            pl.BlockSpec((1, 256), lambda i: (0, 0)),
        ],
        out_specs=[pl.BlockSpec((RB, H), lambda i: (i, 0))] * 2,
        out_shape=[jax.ShapeDtypeStruct((N, H), _f32)] * 2,
    )(x, M, c)


def _mm_layer_body(a0_ref, a1_ref, b_ref, w_ref, o0_ref, o1_ref):
    h = jnp.concatenate([a0_ref[...], a1_ref[...]], axis=1) + b_ref[...]
    h = jnp.maximum(h, 0.0)
    g = lax.dot_general(h, w_ref[...], (((1,), (1,)), ((), ())),
                        preferred_element_type=_f32)
    o0_ref[...] = g[:, :H]
    o1_ref[...] = g[:, H:]


def _mm_layer(a0, a1, b, W):
    return pl.pallas_call(
        _mm_layer_body,
        grid=(N // RB,),
        in_specs=[
            pl.BlockSpec((RB, H), lambda i: (i, 0)),
            pl.BlockSpec((RB, H), lambda i: (i, 0)),
            pl.BlockSpec((1, 256), lambda i: (0, 0)),
            pl.BlockSpec((256, 256), lambda i: (0, 0)),
        ],
        out_specs=[pl.BlockSpec((RB, H), lambda i: (i, 0))] * 2,
        out_shape=[jax.ShapeDtypeStruct((N, H), _f32)] * 2,
    )(a0, a1, b.reshape(1, 256), W)


def _final_body(a0_ref, a1_ref, b_ref, wout_ref, bout_ref, o_ref, acc_ref):
    i = pl.program_id(0)
    h = jnp.concatenate([a0_ref[...], a1_ref[...]], axis=1) + b_ref[...]
    h = jnp.maximum(h, 0.0)
    psum = jnp.sum(h, axis=0, keepdims=True)

    @pl.when(i == 0)
    def _():
        acc_ref[...] = psum

    @pl.when(i > 0)
    def _():
        acc_ref[...] = acc_ref[...] + psum

    @pl.when(i == pl.num_programs(0) - 1)
    def _():
        pooled = jnp.maximum(acc_ref[...], 0.0)
        logits = lax.dot_general(pooled, wout_ref[...],
                                 (((1,), (1,)), ((), ())),
                                 preferred_element_type=_f32)
        logits = logits + bout_ref[...]
        m = jnp.max(logits, axis=1, keepdims=True)
        z = logits - m
        o_ref[...] = z - jnp.log(jnp.sum(jnp.exp(z), axis=1, keepdims=True))


def _final(a0, a1, b, W_out, b_out):
    return pl.pallas_call(
        _final_body,
        grid=(N // RB,),
        in_specs=[
            pl.BlockSpec((RB, H), lambda i: (i, 0)),
            pl.BlockSpec((RB, H), lambda i: (i, 0)),
            pl.BlockSpec((1, 256), lambda i: (0, 0)),
            pl.BlockSpec((100, 256), lambda i: (0, 0)),
            pl.BlockSpec((1, 100), lambda i: (0, 0)),
        ],
        out_specs=pl.BlockSpec((1, 100), lambda i: (0, 0)),
        out_shape=jax.ShapeDtypeStruct((1, 100), _f32),
        scratch_shapes=[pltpu.VMEM((1, 256), _f32)],
    )(a0, a1, b.reshape(1, 256), W_out, b_out.reshape(1, 100))


def kernel(x, edge_index, W_emb, b_emb, W1, b1, W2, b2, W3, b3, W_out, b_out):
    npad = EPAD - E
    src = jnp.concatenate(
        [edge_index[0], jnp.zeros((npad,), jnp.int32)]).reshape(NS, CH, CB)
    dst = jnp.concatenate(
        [edge_index[1], jnp.full((npad,), N, jnp.int32)]).reshape(NS, CH, CB)

    M, c1 = _fold(W1, W_emb, b_emb)
    g0, g1 = _mm_first(x, M, c1)
    a0, a1 = _aggregate(g0, g1, src, dst)
    g0, g1 = _mm_layer(a0, a1, b1, W2)
    a0, a1 = _aggregate(g0, g1, src, dst)
    g0, g1 = _mm_layer(a0, a1, b2, W3)
    a0, a1 = _aggregate(g0, g1, src, dst)
    return _final(a0, a1, b3, W_out, b_out)

# --- scband reference (transcript-rebuilt; emitter-appended) ---
"""Pipeline reference for scband-gnnclassifier-61426622267457 (READ-ONLY COPY).

The authoritative reference and input builder live on the scoring server;
editing this copy changes nothing except your own understanding.
"""

import jax, jax.numpy as jnp
import numpy as np

N = 10000
E = 160000
IN_C = 256
HID = 256
NUM_CLASSES = 100


def _gnn_layer(x, src, dst, W, b):
    # message: x_j (gather source node features), aggr='add' at dst, update: relu(lin(aggr))
    msgs = jnp.take(x, src, axis=0)
    aggr = jax.ops.segment_sum(msgs, dst, num_segments=x.shape[0])
    return jax.nn.relu(aggr @ W.T + b)


def setup_inputs(seed: int = 0):
    key = jax.random.key(seed)
    ks = jax.random.split(key, 12)
    x = jax.random.normal(ks[0], (N, 768), dtype=jnp.float32)
    edge_index = jax.random.randint(ks[1], (2, E), 0, N, dtype=jnp.int32)
    W_emb = jax.random.normal(ks[2], (IN_C, 768), dtype=jnp.float32) * (1.0 / np.sqrt(768))
    b_emb = jnp.zeros((IN_C,), dtype=jnp.float32)
    W1 = jax.random.normal(ks[3], (HID, IN_C), dtype=jnp.float32) * (1.0 / np.sqrt(IN_C))
    b1 = jnp.zeros((HID,), dtype=jnp.float32)
    W2 = jax.random.normal(ks[4], (HID, HID), dtype=jnp.float32) * (1.0 / np.sqrt(HID))
    b2 = jnp.zeros((HID,), dtype=jnp.float32)
    W3 = jax.random.normal(ks[5], (HID, HID), dtype=jnp.float32) * (1.0 / np.sqrt(HID))
    b3 = jnp.zeros((HID,), dtype=jnp.float32)
    W_out = jax.random.normal(ks[6], (NUM_CLASSES, HID), dtype=jnp.float32) * (1.0 / np.sqrt(HID))
    b_out = jnp.zeros((NUM_CLASSES,), dtype=jnp.float32)
    return {"x": x, "edge_index": edge_index, "W_emb": W_emb, "b_emb": b_emb,
            "W1": W1, "b1": b1, "W2": W2, "b2": b2, "W3": W3, "b3": b3,
            "W_out": W_out, "b_out": b_out}


def reference(x, edge_index, W_emb, b_emb, W1, b1, W2, b2, W3, b3, W_out, b_out):
    n = x.shape[0]
    # add_self_loops
    self_idx = jnp.arange(n, dtype=edge_index.dtype)
    src = jnp.concatenate([edge_index[0], self_idx])
    dst = jnp.concatenate([edge_index[1], self_idx])
    h = x @ W_emb.T + b_emb
    h = _gnn_layer(h, src, dst, W1, b1)
    h = _gnn_layer(h, src, dst, W2, b2)
    h = _gnn_layer(h, src, dst, W3, b3)
    # global_add_pool with batch=None -> sum over all nodes, keep batch dim of 1
    pooled = jnp.sum(h, axis=0, keepdims=True)
    pooled = jax.nn.relu(pooled)
    logits = pooled @ W_out.T + b_out
    return jax.nn.log_softmax(logits, axis=1)

if __name__ == "__main__":
    import jax
    _d = setup_inputs()
    print(jax.jit(kernel)(*tuple(_d.values())))

</pallas_src>

<mosaic_0001>
#map = affine_map<(d0, d1) -> (0, 0)>
#map1 = affine_map<(d0, d1) -> (0, 0, 0)>
module attributes {stable_mosaic.version = 14 : i64} {
  func.func @_aggr_body(%arg0: i32, %arg1: i32, %arg2: memref<10000x128xf32, #tpu.memory_space<hbm>>, %arg3: memref<10000x128xf32, #tpu.memory_space<hbm>>, %arg4: memref<16x80x128xi32, #tpu.memory_space<hbm>>, %arg5: memref<16x80x128xi32, #tpu.memory_space<hbm>>, %arg6: memref<10000x128xf32, #tpu.memory_space<hbm>>, %arg7: memref<10000x128xf32, #tpu.memory_space<hbm>>, %arg8: memref<40x128xi32, #tpu.memory_space<vmem>>, %arg9: memref<40x128xi32, #tpu.memory_space<vmem>>, %arg10: memref<128x128xf32, #tpu.memory_space<vmem>>, %arg11: memref<128x128xf32, #tpu.memory_space<vmem>>, %arg12: memref<10008x128xf32, #tpu.memory_space<vmem_shared>>, %arg13: memref<!tpu.dma_semaphore, #tpu.memory_space<semaphore_mem>>, %arg14: memref<!tpu.dma_semaphore, #tpu.memory_space<semaphore_mem>>) attributes {dimension_semantics = [#tpu.dimension_semantics<core_parallel>, #tpu.dimension_semantics<subcore_parallel>], iteration_bounds = array<i64: 2, 16>, scalar_prefetch = 0 : i64, scratch_operands = 7 : i64, tpu.core_type = #tpu.core_type<sc_vector_subcore>, window_params = [{transform_indices = #map}, {transform_indices = #map}, {transform_indices = #map1}, {transform_indices = #map1}, {transform_indices = #map}, {transform_indices = #map}]} {
    %mul3A = arith.constant 624 : i32
    %mul3A_0 = arith.muli %arg1, %mul3A : i32
    %eq3A = arith.constant 0 : i32
    %eq3A_1 = arith.cmpi eq, %arg0, %eq3A : i32
    %convert_element_type3A = arith.extui %eq3A_1 : i1 to i32
    %cond3A = arith.constant 0 : i32
    %cond3A_2 = arith.cmpi ne, %convert_element_type3A, %cond3A : i32
    scf.if %cond3A_2 {
      "tpu.region"() ({
        %run_scoped3A = tpu.sem_alloc : memref<!tpu.dma_semaphore, #tpu.memory_space<semaphore_mem>>
        %dma_start3A = arith.constant 0 : i32
        %dma_start3A_60 = tpu.memref_slice %arg12[%mul3A_0, %dma_start3A] : memref<10008x128xf32, #tpu.memory_space<vmem_shared>> -> memref<624x128xf32, #tpu.memory_space<vmem_shared>>
        %dma_start3A_61 = arith.constant 0 : i32
        %dma_start3A_62 = tpu.memref_slice %arg2[%mul3A_0, %dma_start3A_61] : memref<10000x128xf32, #tpu.memory_space<hbm>> -> memref<624x128xf32, #tpu.memory_space<hbm>>
        tpu.enqueue_dma source(%dma_start3A_62 : memref<624x128xf32, #tpu.memory_space<hbm>>) target(%dma_start3A_60 : memref<624x128xf32, #tpu.memory_space<vmem_shared>>) target_semaphore(%run_scoped3A : memref<!tpu.dma_semaphore, #tpu.memory_space<semaphore_mem>>)
        %dma_wait3A = arith.constant 0 : i32
        %dma_wait3A_63 = tpu.memref_slice %arg12[%mul3A_0, %dma_wait3A] : memref<10008x128xf32, #tpu.memory_space<vmem_shared>> -> memref<624x128xf32, #tpu.memory_space<vmem_shared>>
        %dma_wait3A_64 = arith.constant 0 : i32
        %dma_wait3A_65 = tpu.memref_slice %arg2[%mul3A_0, %dma_wait3A_64] : memref<10000x128xf32, #tpu.memory_space<hbm>> -> memref<624x128xf32, #tpu.memory_space<hbm>>
        tpu.wait_dma2 semaphore(%run_scoped3A : memref<!tpu.dma_semaphore, #tpu.memory_space<semaphore_mem>>) src(%dma_wait3A_65 : memref<624x128xf32, #tpu.memory_space<hbm>>) dst(%dma_wait3A_63 : memref<624x128xf32, #tpu.memory_space<vmem_shared>>)
        tpu.yield
      }) : () -> ()
    } else {
    }
    %eq3A_3 = arith.constant 1 : i32
    %eq3A_4 = arith.cmpi eq, %arg0, %eq3A_3 : i32
    %convert_element_type3A_5 = arith.extui %eq3A_4 : i1 to i32
    %cond3A_6 = arith.constant 0 : i32
    %cond3A_7 = arith.cmpi ne, %convert_element_type3A_5, %cond3A_6 : i32
    scf.if %cond3A_7 {
      "tpu.region"() ({
        %run_scoped3A = tpu.sem_alloc : memref<!tpu.dma_semaphore, #tpu.memory_space<semaphore_mem>>
        %dma_start3A = arith.constant 0 : i32
        %dma_start3A_60 = tpu.memref_slice %arg12[%mul3A_0, %dma_start3A] : memref<10008x128xf32, #tpu.memory_space<vmem_shared>> -> memref<624x128xf32, #tpu.memory_space<vmem_shared>>
        %dma_start3A_61 = arith.constant 0 : i32
        %dma_start3A_62 = tpu.memref_slice %arg3[%mul3A_0, %dma_start3A_61] : memref<10000x128xf32, #tpu.memory_space<hbm>> -> memref<624x128xf32, #tpu.memory_space<hbm>>
        tpu.enqueue_dma source(%dma_start3A_62 : memref<624x128xf32, #tpu.memory_space<hbm>>) target(%dma_start3A_60 : memref<624x128xf32, #tpu.memory_space<vmem_shared>>) target_semaphore(%run_scoped3A : memref<!tpu.dma_semaphore, #tpu.memory_space<semaphore_mem>>)
        %dma_wait3A = arith.constant 0 : i32
        %dma_wait3A_63 = tpu.memref_slice %arg12[%mul3A_0, %dma_wait3A] : memref<10008x128xf32, #tpu.memory_space<vmem_shared>> -> memref<624x128xf32, #tpu.memory_space<vmem_shared>>
        %dma_wait3A_64 = arith.constant 0 : i32
        %dma_wait3A_65 = tpu.memref_slice %arg3[%mul3A_0, %dma_wait3A_64] : memref<10000x128xf32, #tpu.memory_space<hbm>> -> memref<624x128xf32, #tpu.memory_space<hbm>>
        tpu.wait_dma2 semaphore(%run_scoped3A : memref<!tpu.dma_semaphore, #tpu.memory_space<semaphore_mem>>) src(%dma_wait3A_65 : memref<624x128xf32, #tpu.memory_space<hbm>>) dst(%dma_wait3A_63 : memref<624x128xf32, #tpu.memory_space<vmem_shared>>)
        tpu.yield
      }) : () -> ()
    } else {
    }
    %eq3A_8 = arith.constant 0 : i32
    %eq3A_9 = arith.cmpi eq, %arg0, %eq3A_8 : i32
    %eq3A_10 = arith.constant 15 : i32
    %eq3A_11 = arith.cmpi eq, %arg1, %eq3A_10 : i32
    %and3A = arith.andi %eq3A_9, %eq3A_11 : i1
    %convert_element_type3A_12 = arith.extui %and3A : i1 to i32
    %cond3A_13 = arith.constant 0 : i32
    %cond3A_14 = arith.cmpi ne, %convert_element_type3A_12, %cond3A_13 : i32
    scf.if %cond3A_14 {
      "tpu.region"() ({
        %run_scoped3A = tpu.sem_alloc : memref<!tpu.dma_semaphore, #tpu.memory_space<semaphore_mem>>
        %dma_start3A = arith.constant 9984 : i32
        %dma_start3A_60 = arith.constant 0 : i32
        %dma_start3A_61 = tpu.memref_slice %arg12[%dma_start3A, %dma_start3A_60] : memref<10008x128xf32, #tpu.memory_space<vmem_shared>> -> memref<16x128xf32, #tpu.memory_space<vmem_shared>>
        %dma_start3A_62 = arith.constant 9984 : i32
        %dma_start3A_63 = arith.constant 0 : i32
        %dma_start3A_64 = tpu.memref_slice %arg2[%dma_start3A_62, %dma_start3A_63] : memref<10000x128xf32, #tpu.memory_space<hbm>> -> memref<16x128xf32, #tpu.memory_space<hbm>>
        tpu.enqueue_dma source(%dma_start3A_64 : memref<16x128xf32, #tpu.memory_space<hbm>>) target(%dma_start3A_61 : memref<16x128xf32, #tpu.memory_space<vmem_shared>>) target_semaphore(%run_scoped3A : memref<!tpu.dma_semaphore, #tpu.memory_space<semaphore_mem>>)
        %dma_wait3A = arith.constant 9984 : i32
        %dma_wait3A_65 = arith.constant 0 : i32
        %dma_wait3A_66 = tpu.memref_slice %arg12[%dma_wait3A, %dma_wait3A_65] : memref<10008x128xf32, #tpu.memory_space<vmem_shared>> -> memref<16x128xf32, #tpu.memory_space<vmem_shared>>
        %dma_wait3A_67 = arith.constant 9984 : i32
        %dma_wait3A_68 = arith.constant 0 : i32
        %dma_wait3A_69 = tpu.memref_slice %arg2[%dma_wait3A_67, %dma_wait3A_68] : memref<10000x128xf32, #tpu.memory_space<hbm>> -> memref<16x128xf32, #tpu.memory_space<hbm>>
        tpu.wait_dma2 semaphore(%run_scoped3A : memref<!tpu.dma_semaphore, #tpu.memory_space<semaphore_mem>>) src(%dma_wait3A_69 : memref<16x128xf32, #tpu.memory_space<hbm>>) dst(%dma_wait3A_66 : memref<16x128xf32, #tpu.memory_space<vmem_shared>>)
        tpu.yield
      }) : () -> ()
    } else {
    }
    %eq3A_15 = arith.constant 1 : i32
    %eq3A_16 = arith.cmpi eq, %arg0, %eq3A_15 : i32
    %eq3A_17 = arith.constant 15 : i32
    %eq3A_18 = arith.cmpi eq, %arg1, %eq3A_17 : i32
    %and3A_19 = arith.andi %eq3A_16, %eq3A_18 : i1
    %convert_element_type3A_20 = arith.extui %and3A_19 : i1 to i32
    %cond3A_21 = arith.constant 0 : i32
    %cond3A_22 = arith.cmpi ne, %convert_element_type3A_20, %cond3A_21 : i32
    scf.if %cond3A_22 {
      "tpu.region"() ({
        %run_scoped3A = tpu.sem_alloc : memref<!tpu.dma_semaphore, #tpu.memory_space<semaphore_mem>>
        %dma_start3A = arith.constant 9984 : i32
        %dma_start3A_60 = arith.constant 0 : i32
        %dma_start3A_61 = tpu.memref_slice %arg12[%dma_start3A, %dma_start3A_60] : memref<10008x128xf32, #tpu.memory_space<vmem_shared>> -> memref<16x128xf32, #tpu.memory_space<vmem_shared>>
        %dma_start3A_62 = arith.constant 9984 : i32
        %dma_start3A_63 = arith.constant 0 : i32
        %dma_start3A_64 = tpu.memref_slice %arg3[%dma_start3A_62, %dma_start3A_63] : memref<10000x128xf32, #tpu.memory_space<hbm>> -> memref<16x128xf32, #tpu.memory_space<hbm>>
        tpu.enqueue_dma source(%dma_start3A_64 : memref<16x128xf32, #tpu.memory_space<hbm>>) target(%dma_start3A_61 : memref<16x128xf32, #tpu.memory_space<vmem_shared>>) target_semaphore(%run_scoped3A : memref<!tpu.dma_semaphore, #tpu.memory_space<semaphore_mem>>)
        %dma_wait3A = arith.constant 9984 : i32
        %dma_wait3A_65 = arith.constant 0 : i32
        %dma_wait3A_66 = tpu.memref_slice %arg12[%dma_wait3A, %dma_wait3A_65] : memref<10008x128xf32, #tpu.memory_space<vmem_shared>> -> memref<16x128xf32, #tpu.memory_space<vmem_shared>>
        %dma_wait3A_67 = arith.constant 9984 : i32
        %dma_wait3A_68 = arith.constant 0 : i32
        %dma_wait3A_69 = tpu.memref_slice %arg3[%dma_wait3A_67, %dma_wait3A_68] : memref<10000x128xf32, #tpu.memory_space<hbm>> -> memref<16x128xf32, #tpu.memory_space<hbm>>
        tpu.wait_dma2 semaphore(%run_scoped3A : memref<!tpu.dma_semaphore, #tpu.memory_space<semaphore_mem>>) src(%dma_wait3A_69 : memref<16x128xf32, #tpu.memory_space<hbm>>) dst(%dma_wait3A_66 : memref<16x128xf32, #tpu.memory_space<vmem_shared>>)
        tpu.yield
      }) : () -> ()
    } else {
    }
    %barrier3A = arith.constant 0 : index
    tpu.barrier barrier_id(%barrier3A)
    %eq3A_23 = arith.constant 0 : i32
    %eq3A_24 = arith.cmpi eq, %arg0, %eq3A_23 : i32
    %convert_element_type3A_25 = arith.extui %eq3A_24 : i1 to i32
    %cond3A_26 = arith.constant 0 : i32
    %cond3A_27 = arith.cmpi ne, %convert_element_type3A_25, %cond3A_26 : i32
    scf.if %cond3A_27 {
      %scan3A = arith.constant 0 : i32
      %scan3A_60 = arith.constant 0 : i32
      %scan3A_61 = arith.constant 2 : i32
      %scan3A_62 = arith.addi %scan3A_60, %scan3A_61 : i32
      %scan3A_63 = arith.constant 1 : i32
      scf.for %scan3A_65 = %scan3A_60 to %scan3A_62 step %scan3A_63  : i32 {
        %mul3A_66 = arith.constant 40 : i32
        %mul3A_67 = arith.muli %scan3A_65, %mul3A_66 : i32
        "tpu.region"() ({
          %run_scoped3A = tpu.sem_alloc : memref<!tpu.dma_semaphore, #tpu.memory_space<semaphore_mem>>
          %dma_start3A = arith.constant 0 : i32
          %dma_start3A_76 = tpu.memref_slice %arg4[%arg1, %mul3A_67, %dma_start3A] : memref<16x80x128xi32, #tpu.memory_space<hbm>> -> memref<1x40x128xi32, #tpu.memory_space<hbm>>
          %dma_start3A_77 = tpu.memref_squeeze %dma_start3A_76 : memref<1x40x128xi32, #tpu.memory_space<hbm>> -> memref<40x128xi32, #tpu.memory_space<hbm>>
          %dma_start3A_78 = arith.constant 0 : i32
          %dma_start3A_79 = tpu.memref_slice %arg4[%arg1, %mul3A_67, %dma_start3A_78] : memref<16x80x128xi32, #tpu.memory_space<hbm>> -> memref<1x40x128xi32, #tpu.memory_space<hbm>>
          %dma_start3A_80 = tpu.memref_squeeze %dma_start3A_79 : memref<1x40x128xi32, #tpu.memory_space<hbm>> -> memref<40x128xi32, #tpu.memory_space<hbm>>
          tpu.enqueue_dma source(%dma_start3A_80 : memref<40x128xi32, #tpu.memory_space<hbm>>) target(%arg8 : memref<40x128xi32, #tpu.memory_space<vmem>>) target_semaphore(%run_scoped3A : memref<!tpu.dma_semaphore, #tpu.memory_space<semaphore_mem>>)
          %dma_wait3A = arith.constant 0 : i32
          %dma_wait3A_81 = tpu.memref_slice %arg4[%arg1, %mul3A_67, %dma_wait3A] : memref<16x80x128xi32, #tpu.memory_space<hbm>> -> memref<1x40x128xi32, #tpu.memory_space<hbm>>
          %dma_wait3A_82 = tpu.memref_squeeze %dma_wait3A_81 : memref<1x40x128xi32, #tpu.memory_space<hbm>> -> memref<40x128xi32, #tpu.memory_space<hbm>>
          %dma_wait3A_83 = arith.constant 0 : i32
          %dma_wait3A_84 = tpu.memref_slice %arg4[%arg1, %mul3A_67, %dma_wait3A_83] : memref<16x80x128xi32, #tpu.memory_space<hbm>> -> memref<1x40x128xi32, #tpu.memory_space<hbm>>
          %dma_wait3A_85 = tpu.memref_squeeze %dma_wait3A_84 : memref<1x40x128xi32, #tpu.memory_space<hbm>> -> memref<40x128xi32, #tpu.memory_space<hbm>>
          tpu.wait_dma2 semaphore(%run_scoped3A : memref<!tpu.dma_semaphore, #tpu.memory_space<semaphore_mem>>) src(%dma_wait3A_85 : memref<40x128xi32, #tpu.memory_space<hbm>>) dst(%arg8 : memref<40x128xi32, #tpu.memory_space<vmem>>)
          tpu.yield
        }) : () -> ()
        %mul3A_68 = arith.constant 40 : i32
        %mul3A_69 = arith.muli %scan3A_65, %mul3A_68 : i32
        "tpu.region"() ({
          %run_scoped3A = tpu.sem_alloc : memref<!tpu.dma_semaphore, #tpu.memory_space<semaphore_mem>>
          %dma_start3A = arith.constant 0 : i32
          %dma_start3A_76 = tpu.memref_slice %arg5[%arg1, %mul3A_69, %dma_start3A] : memref<16x80x128xi32, #tpu.memory_space<hbm>> -> memref<1x40x128xi32, #tpu.memory_space<hbm>>
          %dma_start3A_77 = tpu.memref_squeeze %dma_start3A_76 : memref<1x40x128xi32, #tpu.memory_space<hbm>> -> memref<40x128xi32, #tpu.memory_space<hbm>>
          %dma_start3A_78 = arith.constant 0 : i32
          %dma_start3A_79 = tpu.memref_slice %arg5[%arg1, %mul3A_69, %dma_start3A_78] : memref<16x80x128xi32, #tpu.memory_space<hbm>> -> memref<1x40x128xi32, #tpu.memory_space<hbm>>
          %dma_start3A_80 = tpu.memref_squeeze %dma_start3A_79 : memref<1x40x128xi32, #tpu.memory_space<hbm>> -> memref<40x128xi32, #tpu.memory_space<hbm>>
          tpu.enqueue_dma source(%dma_start3A_80 : memref<40x128xi32, #tpu.memory_space<hbm>>) target(%arg9 : memref<40x128xi32, #tpu.memory_space<vmem>>) target_semaphore(%run_scoped3A : memref<!tpu.dma_semaphore, #tpu.memory_space<semaphore_mem>>)
          %dma_wait3A = arith.constant 0 : i32
          %dma_wait3A_81 = tpu.memref_slice %arg5[%arg1, %mul3A_69, %dma_wait3A] : memref<16x80x128xi32, #tpu.memory_space<hbm>> -> memref<1x40x128xi32, #tpu.memory_space<hbm>>
          %dma_wait3A_82 = tpu.memref_squeeze %dma_wait3A_81 : memref<1x40x128xi32, #tpu.memory_space<hbm>> -> memref<40x128xi32, #tpu.memory_space<hbm>>
          %dma_wait3A_83 = arith.constant 0 : i32
          %dma_wait3A_84 = tpu.memref_slice %arg5[%arg1, %mul3A_69, %dma_wait3A_83] : memref<16x80x128xi32, #tpu.memory_space<hbm>> -> memref<1x40x128xi32, #tpu.memory_space<hbm>>
          %dma_wait3A_85 = tpu.memref_squeeze %dma_wait3A_84 : memref<1x40x128xi32, #tpu.memory_space<hbm>> -> memref<40x128xi32, #tpu.memory_space<hbm>>
          tpu.wait_dma2 semaphore(%run_scoped3A : memref<!tpu.dma_semaphore, #tpu.memory_space<semaphore_mem>>) src(%dma_wait3A_85 : memref<40x128xi32, #tpu.memory_space<hbm>>) dst(%arg9 : memref<40x128xi32, #tpu.memory_space<vmem>>)
          tpu.yield
        }) : () -> ()
        %scan3A_70 = arith.constant 0 : i32
        %scan3A_71 = arith.constant 0 : i32
        %scan3A_72 = arith.constant 20 : i32
        %scan3A_73 = arith.addi %scan3A_71, %scan3A_72 : i32
        %scan3A_74 = arith.constant 1 : i32
        scf.for %scan3A_76 = %scan3A_71 to %scan3A_73 step %scan3A_74  : i32 {
          %mul3A_77 = arith.constant 2 : i32
          %mul3A_78 = arith.muli %scan3A_76, %mul3A_77 : i32
          %add3A = arith.constant 0 : i32
          %add3A_79 = arith.addi %mul3A_78, %add3A : i32
          %dma_start3A = arith.constant 0 : i32
          %dma_start3A_80 = tpu.memref_slice %arg8[%add3A_79, %dma_start3A] : memref<40x128xi32, #tpu.memory_space<vmem>> -> memref<1x128xi32, #tpu.memory_space<vmem>>
          %dma_start3A_81 = tpu.memref_squeeze %dma_start3A_80 : memref<1x128xi32, #tpu.memory_space<vmem>> -> memref<128xi32, #tpu.memory_space<vmem>>
          %dma_start3A_82 = arith.constant 0 : i32
          %dma_start3A_83 = arith.constant 0 : i32
          %dma_start3A_84 = tpu.memref_slice %arg2[%dma_start3A_82, %dma_start3A_83] : memref<10000x128xf32, #tpu.memory_space<hbm>> -> memref<10000x128xf32, #tpu.memory_space<hbm>>
          tpu.enqueue_indirect_dma source(%dma_start3A_84 : memref<10000x128xf32, #tpu.memory_space<hbm>>) target(%arg10 : memref<128x128xf32, #tpu.memory_space<vmem>>) offsets(%dma_start3A_81 : memref<128xi32, #tpu.memory_space<vmem>>) semaphore(%arg13 : memref<!tpu.dma_semaphore, #tpu.memory_space<semaphore_mem>>)
          %add3A_85 = arith.constant 1 : i32
          %add3A_86 = arith.addi %mul3A_78, %add3A_85 : i32
          %dma_start3A_87 = arith.constant 0 : i32
          %dma_start3A_88 = tpu.memref_slice %arg8[%add3A_86, %dma_start3A_87] : memref<40x128xi32, #tpu.memory_space<vmem>> -> memref<1x128xi32, #tpu.memory_space<vmem>>
          %dma_start3A_89 = tpu.memref_squeeze %dma_start3A_88 : memref<1x128xi32, #tpu.memory_space<vmem>> -> memref<128xi32, #tpu.memory_space<vmem>>
          %dma_start3A_90 = arith.constant 0 : i32
          %dma_start3A_91 = arith.constant 0 : i32
          %dma_start3A_92 = tpu.memref_slice %arg2[%dma_start3A_90, %dma_start3A_91] : memref<10000x128xf32, #tpu.memory_space<hbm>> -> memref<10000x128xf32, #tpu.memory_space<hbm>>
          tpu.enqueue_indirect_dma source(%dma_start3A_92 : memref<10000x128xf32, #tpu.memory_space<hbm>>) target(%arg11 : memref<128x128xf32, #tpu.memory_space<vmem>>) offsets(%dma_start3A_89 : memref<128xi32, #tpu.memory_space<vmem>>) semaphore(%arg14 : memref<!tpu.dma_semaphore, #tpu.memory_space<semaphore_mem>>)
          %dma_wait3A = arith.constant 0 : i32
          %dma_wait3A_93 = tpu.memref_slice %arg8[%add3A_79, %dma_wait3A] : memref<40x128xi32, #tpu.memory_space<vmem>> -> memref<1x128xi32, #tpu.memory_space<vmem>>
          %dma_wait3A_94 = tpu.memref_squeeze %dma_wait3A_93 : memref<1x128xi32, #tpu.memory_space<vmem>> -> memref<128xi32, #tpu.memory_space<vmem>>
          %dma_wait3A_95 = arith.constant 0 : i32
          %dma_wait3A_96 = arith.constant 0 : i32
          %dma_wait3A_97 = tpu.memref_slice %arg2[%dma_wait3A_95, %dma_wait3A_96] : memref<10000x128xf32, #tpu.memory_space<hbm>> -> memref<10000x128xf32, #tpu.memory_space<hbm>>
          tpu.wait_indirect_dma semaphore(%arg13 : memref<!tpu.dma_semaphore, #tpu.memory_space<semaphore_mem>>) src(%dma_wait3A_97 : memref<10000x128xf32, #tpu.memory_space<hbm>>) dst(%arg10 : memref<128x128xf32, #tpu.memory_space<vmem>>)
          %add3A_98 = arith.constant 0 : i32
          %add3A_99 = arith.addi %mul3A_78, %add3A_98 : i32
          "tpu.region"() ({
            %run_scoped3A = tpu.sem_alloc : memref<!tpu.dma_semaphore, #tpu.memory_space<semaphore_mem>>
            %dma_start3A_108 = arith.constant 0 : i32
            %dma_start3A_109 = tpu.memref_slice %arg9[%add3A_99, %dma_start3A_108] : memref<40x128xi32, #tpu.memory_space<vmem>> -> memref<1x128xi32, #tpu.memory_space<vmem>>
            %dma_start3A_110 = tpu.memref_squeeze %dma_start3A_109 : memref<1x128xi32, #tpu.memory_space<vmem>> -> memref<128xi32, #tpu.memory_space<vmem>>
            %dma_start3A_111 = arith.constant 0 : i32
            %dma_start3A_112 = arith.constant 0 : i32
            %dma_start3A_113 = tpu.memref_slice %arg12[%dma_start3A_111, %dma_start3A_112] : memref<10008x128xf32, #tpu.memory_space<vmem_shared>> -> memref<10008x128xf32, #tpu.memory_space<vmem_shared>>
            tpu.enqueue_indirect_dma source(%arg10 : memref<128x128xf32, #tpu.memory_space<vmem>>) target(%dma_start3A_113 : memref<10008x128xf32, #tpu.memory_space<vmem_shared>>) offsets(%dma_start3A_110 : memref<128xi32, #tpu.memory_space<vmem>>) semaphore(%run_scoped3A : memref<!tpu.dma_semaphore, #tpu.memory_space<semaphore_mem>>) {add = true}
            %dma_wait3A_114 = arith.constant 0 : i32
            %dma_wait3A_115 = tpu.memref_slice %arg9[%add3A_99, %dma_wait3A_114] : memref<40x128xi32, #tpu.memory_space<vmem>> -> memref<1x128xi32, #tpu.memory_space<vmem>>
            %dma_wait3A_116 = tpu.memref_squeeze %dma_wait3A_115 : memref<1x128xi32, #tpu.memory_space<vmem>> -> memref<128xi32, #tpu.memory_space<vmem>>
            %dma_wait3A_117 = arith.constant 0 : i32
            %dma_wait3A_118 = arith.constant 0 : i32
            %dma_wait3A_119 = tpu.memref_slice %arg12[%dma_wait3A_117, %dma_wait3A_118] : memref<10008x128xf32, #tpu.memory_space<vmem_shared>> -> memref<10008x128xf32, #tpu.memory_space<vmem_shared>>
            tpu.wait_indirect_dma semaphore(%run_scoped3A : memref<!tpu.dma_semaphore, #tpu.memory_space<semaphore_mem>>) src(%arg10 : memref<128x128xf32, #tpu.memory_space<vmem>>) dst(%dma_wait3A_119 : memref<10008x128xf32, #tpu.memory_space<vmem_shared>>)
            tpu.yield
          }) : () -> ()
          %dma_wait3A_100 = arith.constant 0 : i32
          %dma_wait3A_101 = tpu.memref_slice %arg8[%add3A_86, %dma_wait3A_100] : memref<40x128xi32, #tpu.memory_space<vmem>> -> memref<1x128xi32, #tpu.memory_space<vmem>>
          %dma_wait3A_102 = tpu.memref_squeeze %dma_wait3A_101 : memref<1x128xi32, #tpu.memory_space<vmem>> -> memref<128xi32, #tpu.memory_space<vmem>>
          %dma_wait3A_103 = arith.constant 0 : i32
          %dma_wait3A_104 = arith.constant 0 : i32
          %dma_wait3A_105 = tpu.memref_slice %arg2[%dma_wait3A_103, %dma_wait3A_104] : memref<10000x128xf32, #tpu.memory_space<hbm>> -> memref<10000x128xf32, #tpu.memory_space<hbm>>
          tpu.wait_indirect_dma semaphore(%arg14 : memref<!tpu.dma_semaphore, #tpu.memory_space<semaphore_mem>>) src(%dma_wait3A_105 : memref<10000x128xf32, #tpu.memory_space<hbm>>) dst(%arg11 : memref<128x128xf32, #tpu.memory_space<vmem>>)
          %add3A_106 = arith.constant 1 : i32
          %add3A_107 = arith.addi %mul3A_78, %add3A_106 : i32
          "tpu.region"() ({
            %run_scoped3A = tpu.sem_alloc : memref<!tpu.dma_semaphore, #tpu.memory_space<semaphore_mem>>
            %dma_start3A_108 = arith.constant 0 : i32
            %dma_start3A_109 = tpu.memref_slice %arg9[%add3A_107, %dma_start3A_108] : memref<40x128xi32, #tpu.memory_space<vmem>> -> memref<1x128xi32, #tpu.memory_space<vmem>>
            %dma_start3A_110 = tpu.memref_squeeze %dma_start3A_109 : memref<1x128xi32, #tpu.memory_space<vmem>> -> memref<128xi32, #tpu.memory_space<vmem>>
            %dma_start3A_111 = arith.constant 0 : i32
            %dma_start3A_112 = arith.constant 0 : i32
            %dma_start3A_113 = tpu.memref_slice %arg12[%dma_start3A_111, %dma_start3A_112] : memref<10008x128xf32, #tpu.memory_space<vmem_shared>> -> memref<10008x128xf32, #tpu.memory_space<vmem_shared>>
            tpu.enqueue_indirect_dma source(%arg11 : memref<128x128xf32, #tpu.memory_space<vmem>>) target(%dma_start3A_113 : memref<10008x128xf32, #tpu.memory_space<vmem_shared>>) offsets(%dma_start3A_110 : memref<128xi32, #tpu.memory_space<vmem>>) semaphore(%run_scoped3A : memref<!tpu.dma_semaphore, #tpu.memory_space<semaphore_mem>>) {add = true}
            %dma_wait3A_114 = arith.constant 0 : i32
            %dma_wait3A_115 = tpu.memref_slice %arg9[%add3A_107, %dma_wait3A_114] : memref<40x128xi32, #tpu.memory_space<vmem>> -> memref<1x128xi32, #tpu.memory_space<vmem>>
            %dma_wait3A_116 = tpu.memref_squeeze %dma_wait3A_115 : memref<1x128xi32, #tpu.memory_space<vmem>> -> memref<128xi32, #tpu.memory_space<vmem>>
            %dma_wait3A_117 = arith.constant 0 : i32
            %dma_wait3A_118 = arith.constant 0 : i32
            %dma_wait3A_119 = tpu.memref_slice %arg12[%dma_wait3A_117, %dma_wait3A_118] : memref<10008x128xf32, #tpu.memory_space<vmem_shared>> -> memref<10008x128xf32, #tpu.memory_space<vmem_shared>>
            tpu.wait_indirect_dma semaphore(%run_scoped3A : memref<!tpu.dma_semaphore, #tpu.memory_space<semaphore_mem>>) src(%arg11 : memref<128x128xf32, #tpu.memory_space<vmem>>) dst(%dma_wait3A_119 : memref<10008x128xf32, #tpu.memory_space<vmem_shared>>)
            tpu.yield
          }) : () -> ()
        }
        %scan3A_75 = arith.constant 20 : i32
      }
      %scan3A_64 = arith.constant 2 : i32
    } else {
    }
    %eq3A_28 = arith.constant 1 : i32
    %eq3A_29 = arith.cmpi eq, %arg0, %eq3A_28 : i32
    %convert_element_type3A_30 = arith.extui %eq3A_29 : i1 to i32
    %cond3A_31 = arith.constant 0 : i32
    %cond3A_32 = arith.cmpi ne, %convert_element_type3A_30, %cond3A_31 : i32
    scf.if %cond3A_32 {
      %scan3A = arith.constant 0 : i32
      %scan3A_60 = arith.constant 0 : i32
      %scan3A_61 = arith.constant 2 : i32
      %scan3A_62 = arith.addi %scan3A_60, %scan3A_61 : i32
      %scan3A_63 = arith.constant 1 : i32
      scf.for %scan3A_65 = %scan3A_60 to %scan3A_62 step %scan3A_63  : i32 {
        %mul3A_66 = arith.constant 40 : i32
        %mul3A_67 = arith.muli %scan3A_65, %mul3A_66 : i32
        "tpu.region"() ({
          %run_scoped3A = tpu.sem_alloc : memref<!tpu.dma_semaphore, #tpu.memory_space<semaphore_mem>>
          %dma_start3A = arith.constant 0 : i32
          %dma_start3A_76 = tpu.memref_slice %arg4[%arg1, %mul3A_67, %dma_start3A] : memref<16x80x128xi32, #tpu.memory_space<hbm>> -> memref<1x40x128xi32, #tpu.memory_space<hbm>>
          %dma_start3A_77 = tpu.memref_squeeze %dma_start3A_76 : memref<1x40x128xi32, #tpu.memory_space<hbm>> -> memref<40x128xi32, #tpu.memory_space<hbm>>
          %dma_start3A_78 = arith.constant 0 : i32
          %dma_start3A_79 = tpu.memref_slice %arg4[%arg1, %mul3A_67, %dma_start3A_78] : memref<16x80x128xi32, #tpu.memory_space<hbm>> -> memref<1x40x128xi32, #tpu.memory_space<hbm>>
          %dma_start3A_80 = tpu.memref_squeeze %dma_start3A_79 : memref<1x40x128xi32, #tpu.memory_space<hbm>> -> memref<40x128xi32, #tpu.memory_space<hbm>>
          tpu.enqueue_dma source(%dma_start3A_80 : memref<40x128xi32, #tpu.memory_space<hbm>>) target(%arg8 : memref<40x128xi32, #tpu.memory_space<vmem>>) target_semaphore(%run_scoped3A : memref<!tpu.dma_semaphore, #tpu.memory_space<semaphore_mem>>)
          %dma_wait3A = arith.constant 0 : i32
          %dma_wait3A_81 = tpu.memref_slice %arg4[%arg1, %mul3A_67, %dma_wait3A] : memref<16x80x128xi32, #tpu.memory_space<hbm>> -> memref<1x40x128xi32, #tpu.memory_space<hbm>>
          %dma_wait3A_82 = tpu.memref_squeeze %dma_wait3A_81 : memref<1x40x128xi32, #tpu.memory_space<hbm>> -> memref<40x128xi32, #tpu.memory_space<hbm>>
          %dma_wait3A_83 = arith.constant 0 : i32
          %dma_wait3A_84 = tpu.memref_slice %arg4[%arg1, %mul3A_67, %dma_wait3A_83] : memref<16x80x128xi32, #tpu.memory_space<hbm>> -> memref<1x40x128xi32, #tpu.memory_space<hbm>>
          %dma_wait3A_85 = tpu.memref_squeeze %dma_wait3A_84 : memref<1x40x128xi32, #tpu.memory_space<hbm>> -> memref<40x128xi32, #tpu.memory_space<hbm>>
          tpu.wait_dma2 semaphore(%run_scoped3A : memref<!tpu.dma_semaphore, #tpu.memory_space<semaphore_mem>>) src(%dma_wait3A_85 : memref<40x128xi32, #tpu.memory_space<hbm>>) dst(%arg8 : memref<40x128xi32, #tpu.memory_space<vmem>>)
          tpu.yield
        }) : () -> ()
        %mul3A_68 = arith.constant 40 : i32
        %mul3A_69 = arith.muli %scan3A_65, %mul3A_68 : i32
        "tpu.region"() ({
          %run_scoped3A = tpu.sem_alloc : memref<!tpu.dma_semaphore, #tpu.memory_space<semaphore_mem>>
          %dma_start3A = arith.constant 0 : i32
          %dma_start3A_76 = tpu.memref_slice %arg5[%arg1, %mul3A_69, %dma_start3A] : memref<16x80x128xi32, #tpu.memory_space<hbm>> -> memref<1x40x128xi32, #tpu.memory_space<hbm>>
          %dma_start3A_77 = tpu.memref_squeeze %dma_start3A_76 : memref<1x40x128xi32, #tpu.memory_space<hbm>> -> memref<40x128xi32, #tpu.memory_space<hbm>>
          %dma_start3A_78 = arith.constant 0 : i32
          %dma_start3A_79 = tpu.memref_slice %arg5[%arg1, %mul3A_69, %dma_start3A_78] : memref<16x80x128xi32, #tpu.memory_space<hbm>> -> memref<1x40x128xi32, #tpu.memory_space<hbm>>
          %dma_start3A_80 = tpu.memref_squeeze %dma_start3A_79 : memref<1x40x128xi32, #tpu.memory_space<hbm>> -> memref<40x128xi32, #tpu.memory_space<hbm>>
          tpu.enqueue_dma source(%dma_start3A_80 : memref<40x128xi32, #tpu.memory_space<hbm>>) target(%arg9 : memref<40x128xi32, #tpu.memory_space<vmem>>) target_semaphore(%run_scoped3A : memref<!tpu.dma_semaphore, #tpu.memory_space<semaphore_mem>>)
          %dma_wait3A = arith.constant 0 : i32
          %dma_wait3A_81 = tpu.memref_slice %arg5[%arg1, %mul3A_69, %dma_wait3A] : memref<16x80x128xi32, #tpu.memory_space<hbm>> -> memref<1x40x128xi32, #tpu.memory_space<hbm>>
          %dma_wait3A_82 = tpu.memref_squeeze %dma_wait3A_81 : memref<1x40x128xi32, #tpu.memory_space<hbm>> -> memref<40x128xi32, #tpu.memory_space<hbm>>
          %dma_wait3A_83 = arith.constant 0 : i32
          %dma_wait3A_84 = tpu.memref_slice %arg5[%arg1, %mul3A_69, %dma_wait3A_83] : memref<16x80x128xi32, #tpu.memory_space<hbm>> -> memref<1x40x128xi32, #tpu.memory_space<hbm>>
          %dma_wait3A_85 = tpu.memref_squeeze %dma_wait3A_84 : memref<1x40x128xi32, #tpu.memory_space<hbm>> -> memref<40x128xi32, #tpu.memory_space<hbm>>
          tpu.wait_dma2 semaphore(%run_scoped3A : memref<!tpu.dma_semaphore, #tpu.memory_space<semaphore_mem>>) src(%dma_wait3A_85 : memref<40x128xi32, #tpu.memory_space<hbm>>) dst(%arg9 : memref<40x128xi32, #tpu.memory_space<vmem>>)
          tpu.yield
        }) : () -> ()
        %scan3A_70 = arith.constant 0 : i32
        %scan3A_71 = arith.constant 0 : i32
        %scan3A_72 = arith.constant 20 : i32
        %scan3A_73 = arith.addi %scan3A_71, %scan3A_72 : i32
        %scan3A_74 = arith.constant 1 : i32
        scf.for %scan3A_76 = %scan3A_71 to %scan3A_73 step %scan3A_74  : i32 {
          %mul3A_77 = arith.constant 2 : i32
          %mul3A_78 = arith.muli %scan3A_76, %mul3A_77 : i32
          %add3A = arith.constant 0 : i32
          %add3A_79 = arith.addi %mul3A_78, %add3A : i32
          %dma_start3A = arith.constant 0 : i32
          %dma_start3A_80 = tpu.memref_slice %arg8[%add3A_79, %dma_start3A] : memref<40x128xi32, #tpu.memory_space<vmem>> -> memref<1x128xi32, #tpu.memory_space<vmem>>
          %dma_start3A_81 = tpu.memref_squeeze %dma_start3A_80 : memref<1x128xi32, #tpu.memory_space<vmem>> -> memref<128xi32, #tpu.memory_space<vmem>>
          %dma_start3A_82 = arith.constant 0 : i32
          %dma_start3A_83 = arith.constant 0 : i32
          %dma_start3A_84 = tpu.memref_slice %arg3[%dma_start3A_82, %dma_start3A_83] : memref<10000x128xf32, #tpu.memory_space<hbm>> -> memref<10000x128xf32, #tpu.memory_space<hbm>>
          tpu.enqueue_indirect_dma source(%dma_start3A_84 : memref<10000x128xf32, #tpu.memory_space<hbm>>) target(%arg10 : memref<128x128xf32, #tpu.memory_space<vmem>>) offsets(%dma_start3A_81 : memref<128xi32, #tpu.memory_space<vmem>>) semaphore(%arg13 : memref<!tpu.dma_semaphore, #tpu.memory_space<semaphore_mem>>)
          %add3A_85 = arith.constant 1 : i32
          %add3A_86 = arith.addi %mul3A_78, %add3A_85 : i32
          %dma_start3A_87 = arith.constant 0 : i32
          %dma_start3A_88 = tpu.memref_slice %arg8[%add3A_86, %dma_start3A_87] : memref<40x128xi32, #tpu.memory_space<vmem>> -> memref<1x128xi32, #tpu.memory_space<vmem>>
          %dma_start3A_89 = tpu.memref_squeeze %dma_start3A_88 : memref<1x128xi32, #tpu.memory_space<vmem>> -> memref<128xi32, #tpu.memory_space<vmem>>
          %dma_start3A_90 = arith.constant 0 : i32
          %dma_start3A_91 = arith.constant 0 : i32
          %dma_start3A_92 = tpu.memref_slice %arg3[%dma_start3A_90, %dma_start3A_91] : memref<10000x128xf32, #tpu.memory_space<hbm>> -> memref<10000x128xf32, #tpu.memory_space<hbm>>
          tpu.enqueue_indirect_dma source(%dma_start3A_92 : memref<10000x128xf32, #tpu.memory_space<hbm>>) target(%arg11 : memref<128x128xf32, #tpu.memory_space<vmem>>) offsets(%dma_start3A_89 : memref<128xi32, #tpu.memory_space<vmem>>) semaphore(%arg14 : memref<!tpu.dma_semaphore, #tpu.memory_space<semaphore_mem>>)
          %dma_wait3A = arith.constant 0 : i32
          %dma_wait3A_93 = tpu.memref_slice %arg8[%add3A_79, %dma_wait3A] : memref<40x128xi32, #tpu.memory_space<vmem>> -> memref<1x128xi32, #tpu.memory_space<vmem>>
          %dma_wait3A_94 = tpu.memref_squeeze %dma_wait3A_93 : memref<1x128xi32, #tpu.memory_space<vmem>> -> memref<128xi32, #tpu.memory_space<vmem>>
          %dma_wait3A_95 = arith.constant 0 : i32
          %dma_wait3A_96 = arith.constant 0 : i32
          %dma_wait3A_97 = tpu.memref_slice %arg3[%dma_wait3A_95, %dma_wait3A_96] : memref<10000x128xf32, #tpu.memory_space<hbm>> -> memref<10000x128xf32, #tpu.memory_space<hbm>>
          tpu.wait_indirect_dma semaphore(%arg13 : memref<!tpu.dma_semaphore, #tpu.memory_space<semaphore_mem>>) src(%dma_wait3A_97 : memref<10000x128xf32, #tpu.memory_space<hbm>>) dst(%arg10 : memref<128x128xf32, #tpu.memory_space<vmem>>)
          %add3A_98 = arith.constant 0 : i32
          %add3A_99 = arith.addi %mul3A_78, %add3A_98 : i32
          "tpu.region"() ({
            %run_scoped3A = tpu.sem_alloc : memref<!tpu.dma_semaphore, #tpu.memory_space<semaphore_mem>>
            %dma_start3A_108 = arith.constant 0 : i32
            %dma_start3A_109 = tpu.memref_slice %arg9[%add3A_99, %dma_start3A_108] : memref<40x128xi32, #tpu.memory_space<vmem>> -> memref<1x128xi32, #tpu.memory_space<vmem>>
            %dma_start3A_110 = tpu.memref_squeeze %dma_start3A_109 : memref<1x128xi32, #tpu.memory_space<vmem>> -> memref<128xi32, #tpu.memory_space<vmem>>
            %dma_start3A_111 = arith.constant 0 : i32
            %dma_start3A_112 = arith.constant 0 : i32
            %dma_start3A_113 = tpu.memref_slice %arg12[%dma_start3A_111, %dma_start3A_112] : memref<10008x128xf32, #tpu.memory_space<vmem_shared>> -> memref<10008x128xf32, #tpu.memory_space<vmem_shared>>
            tpu.enqueue_indirect_dma source(%arg10 : memref<128x128xf32, #tpu.memory_space<vmem>>) target(%dma_start3A_113 : memref<10008x128xf32, #tpu.memory_space<vmem_shared>>) offsets(%dma_start3A_110 : memref<128xi32, #tpu.memory_space<vmem>>) semaphore(%run_scoped3A : memref<!tpu.dma_semaphore, #tpu.memory_space<semaphore_mem>>) {add = true}
            %dma_wait3A_114 = arith.constant 0 : i32
            %dma_wait3A_115 = tpu.memref_slice %arg9[%add3A_99, %dma_wait3A_114] : memref<40x128xi32, #tpu.memory_space<vmem>> -> memref<1x128xi32, #tpu.memory_space<vmem>>
            %dma_wait3A_116 = tpu.memref_squeeze %dma_wait3A_115 : memref<1x128xi32, #tpu.memory_space<vmem>> -> memref<128xi32, #tpu.memory_space<vmem>>
            %dma_wait3A_117 = arith.constant 0 : i32
            %dma_wait3A_118 = arith.constant 0 : i32
            %dma_wait3A_119 = tpu.memref_slice %arg12[%dma_wait3A_117, %dma_wait3A_118] : memref<10008x128xf32, #tpu.memory_space<vmem_shared>> -> memref<10008x128xf32, #tpu.memory_space<vmem_shared>>
            tpu.wait_indirect_dma semaphore(%run_scoped3A : memref<!tpu.dma_semaphore, #tpu.memory_space<semaphore_mem>>) src(%arg10 : memref<128x128xf32, #tpu.memory_space<vmem>>) dst(%dma_wait3A_119 : memref<10008x128xf32, #tpu.memory_space<vmem_shared>>)
            tpu.yield
          }) : () -> ()
          %dma_wait3A_100 = arith.constant 0 : i32
          %dma_wait3A_101 = tpu.memref_slice %arg8[%add3A_86, %dma_wait3A_100] : memref<40x128xi32, #tpu.memory_space<vmem>> -> memref<1x128xi32, #tpu.memory_space<vmem>>
          %dma_wait3A_102 = tpu.memref_squeeze %dma_wait3A_101 : memref<1x128xi32, #tpu.memory_space<vmem>> -> memref<128xi32, #tpu.memory_space<vmem>>
          %dma_wait3A_103 = arith.constant 0 : i32
          %dma_wait3A_104 = arith.constant 0 : i32
          %dma_wait3A_105 = tpu.memref_slice %arg3[%dma_wait3A_103, %dma_wait3A_104] : memref<10000x128xf32, #tpu.memory_space<hbm>> -> memref<10000x128xf32, #tpu.memory_space<hbm>>
          tpu.wait_indirect_dma semaphore(%arg14 : memref<!tpu.dma_semaphore, #tpu.memory_space<semaphore_mem>>) src(%dma_wait3A_105 : memref<10000x128xf32, #tpu.memory_space<hbm>>) dst(%arg11 : memref<128x128xf32, #tpu.memory_space<vmem>>)
          %add3A_106 = arith.constant 1 : i32
          %add3A_107 = arith.addi %mul3A_78, %add3A_106 : i32
          "tpu.region"() ({
            %run_scoped3A = tpu.sem_alloc : memref<!tpu.dma_semaphore, #tpu.memory_space<semaphore_mem>>
            %dma_start3A_108 = arith.constant 0 : i32
            %dma_start3A_109 = tpu.memref_slice %arg9[%add3A_107, %dma_start3A_108] : memref<40x128xi32, #tpu.memory_space<vmem>> -> memref<1x128xi32, #tpu.memory_space<vmem>>
            %dma_start3A_110 = tpu.memref_squeeze %dma_start3A_109 : memref<1x128xi32, #tpu.memory_space<vmem>> -> memref<128xi32, #tpu.memory_space<vmem>>
            %dma_start3A_111 = arith.constant 0 : i32
            %dma_start3A_112 = arith.constant 0 : i32
            %dma_start3A_113 = tpu.memref_slice %arg12[%dma_start3A_111, %dma_start3A_112] : memref<10008x128xf32, #tpu.memory_space<vmem_shared>> -> memref<10008x128xf32, #tpu.memory_space<vmem_shared>>
            tpu.enqueue_indirect_dma source(%arg11 : memref<128x128xf32, #tpu.memory_space<vmem>>) target(%dma_start3A_113 : memref<10008x128xf32, #tpu.memory_space<vmem_shared>>) offsets(%dma_start3A_110 : memref<128xi32, #tpu.memory_space<vmem>>) semaphore(%run_scoped3A : memref<!tpu.dma_semaphore, #tpu.memory_space<semaphore_mem>>) {add = true}
            %dma_wait3A_114 = arith.constant 0 : i32
            %dma_wait3A_115 = tpu.memref_slice %arg9[%add3A_107, %dma_wait3A_114] : memref<40x128xi32, #tpu.memory_space<vmem>> -> memref<1x128xi32, #tpu.memory_space<vmem>>
            %dma_wait3A_116 = tpu.memref_squeeze %dma_wait3A_115 : memref<1x128xi32, #tpu.memory_space<vmem>> -> memref<128xi32, #tpu.memory_space<vmem>>
            %dma_wait3A_117 = arith.constant 0 : i32
            %dma_wait3A_118 = arith.constant 0 : i32
            %dma_wait3A_119 = tpu.memref_slice %arg12[%dma_wait3A_117, %dma_wait3A_118] : memref<10008x128xf32, #tpu.memory_space<vmem_shared>> -> memref<10008x128xf32, #tpu.memory_space<vmem_shared>>
            tpu.wait_indirect_dma semaphore(%run_scoped3A : memref<!tpu.dma_semaphore, #tpu.memory_space<semaphore_mem>>) src(%arg11 : memref<128x128xf32, #tpu.memory_space<vmem>>) dst(%dma_wait3A_119 : memref<10008x128xf32, #tpu.memory_space<vmem_shared>>)
            tpu.yield
          }) : () -> ()
        }
        %scan3A_75 = arith.constant 20 : i32
      }
      %scan3A_64 = arith.constant 2 : i32
    } else {
    }
    %barrier3A_33 = arith.constant 0 : index
    tpu.barrier barrier_id(%barrier3A_33)
    %eq3A_34 = arith.constant 0 : i32
    %eq3A_35 = arith.cmpi eq, %arg0, %eq3A_34 : i32
    %convert_element_type3A_36 = arith.extui %eq3A_35 : i1 to i32
    %cond3A_37 = arith.constant 0 : i32
    %cond3A_38 = arith.cmpi ne, %convert_element_type3A_36, %cond3A_37 : i32
    scf.if %cond3A_38 {
      "tpu.region"() ({
        %run_scoped3A = tpu.sem_alloc : memref<!tpu.dma_semaphore, #tpu.memory_space<semaphore_mem>>
        %dma_start3A = arith.constant 0 : i32
        %dma_start3A_60 = tpu.memref_slice %arg6[%mul3A_0, %dma_start3A] : memref<10000x128xf32, #tpu.memory_space<hbm>> -> memref<624x128xf32, #tpu.memory_space<hbm>>
        %dma_start3A_61 = arith.constant 0 : i32
        %dma_start3A_62 = tpu.memref_slice %arg12[%mul3A_0, %dma_start3A_61] : memref<10008x128xf32, #tpu.memory_space<vmem_shared>> -> memref<624x128xf32, #tpu.memory_space<vmem_shared>>
        tpu.enqueue_dma source(%dma_start3A_62 : memref<624x128xf32, #tpu.memory_space<vmem_shared>>) target(%dma_start3A_60 : memref<624x128xf32, #tpu.memory_space<hbm>>) target_semaphore(%run_scoped3A : memref<!tpu.dma_semaphore, #tpu.memory_space<semaphore_mem>>)
        %dma_wait3A = arith.constant 0 : i32
        %dma_wait3A_63 = tpu.memref_slice %arg6[%mul3A_0, %dma_wait3A] : memref<10000x128xf32, #tpu.memory_space<hbm>> -> memref<624x128xf32, #tpu.memory_space<hbm>>
        %dma_wait3A_64 = arith.constant 0 : i32
        %dma_wait3A_65 = tpu.memref_slice %arg12[%mul3A_0, %dma_wait3A_64] : memref<10008x128xf32, #tpu.memory_space<vmem_shared>> -> memref<624x128xf32, #tpu.memory_space<vmem_shared>>
        tpu.wait_dma2 semaphore(%run_scoped3A : memref<!tpu.dma_semaphore, #tpu.memory_space<semaphore_mem>>) src(%dma_wait3A_65 : memref<624x128xf32, #tpu.memory_space<vmem_shared>>) dst(%dma_wait3A_63 : memref<624x128xf32, #tpu.memory_space<hbm>>)
        tpu.yield
      }) : () -> ()
    } else {
    }
    %eq3A_39 = arith.constant 1 : i32
    %eq3A_40 = arith.cmpi eq, %arg0, %eq3A_39 : i32
    %convert_element_type3A_41 = arith.extui %eq3A_40 : i1 to i32
    %cond3A_42 = arith.constant 0 : i32
    %cond3A_43 = arith.cmpi ne, %convert_element_type3A_41, %cond3A_42 : i32
    scf.if %cond3A_43 {
      "tpu.region"() ({
        %run_scoped3A = tpu.sem_alloc : memref<!tpu.dma_semaphore, #tpu.memory_space<semaphore_mem>>
        %dma_start3A = arith.constant 0 : i32
        %dma_start3A_60 = tpu.memref_slice %arg7[%mul3A_0, %dma_start3A] : memref<10000x128xf32, #tpu.memory_space<hbm>> -> memref<624x128xf32, #tpu.memory_space<hbm>>
        %dma_start3A_61 = arith.constant 0 : i32
        %dma_start3A_62 = tpu.memref_slice %arg12[%mul3A_0, %dma_start3A_61] : memref<10008x128xf32, #tpu.memory_space<vmem_shared>> -> memref<624x128xf32, #tpu.memory_space<vmem_shared>>
        tpu.enqueue_dma source(%dma_start3A_62 : memref<624x128xf32, #tpu.memory_space<vmem_shared>>) target(%dma_start3A_60 : memref<624x128xf32, #tpu.memory_space<hbm>>) target_semaphore(%run_scoped3A : memref<!tpu.dma_semaphore, #tpu.memory_space<semaphore_mem>>)
        %dma_wait3A = arith.constant 0 : i32
        %dma_wait3A_63 = tpu.memref_slice %arg7[%mul3A_0, %dma_wait3A] : memref<10000x128xf32, #tpu.memory_space<hbm>> -> memref<624x128xf32, #tpu.memory_space<hbm>>
        %dma_wait3A_64 = arith.constant 0 : i32
        %dma_wait3A_65 = tpu.memref_slice %arg12[%mul3A_0, %dma_wait3A_64] : memref<10008x128xf32, #tpu.memory_space<vmem_shared>> -> memref<624x128xf32, #tpu.memory_space<vmem_shared>>
        tpu.wait_dma2 semaphore(%run_scoped3A : memref<!tpu.dma_semaphore, #tpu.memory_space<semaphore_mem>>) src(%dma_wait3A_65 : memref<624x128xf32, #tpu.memory_space<vmem_shared>>) dst(%dma_wait3A_63 : memref<624x128xf32, #tpu.memory_space<hbm>>)
        tpu.yield
      }) : () -> ()
    } else {
    }
    %eq3A_44 = arith.constant 0 : i32
    %eq3A_45 = arith.cmpi eq, %arg0, %eq3A_44 : i32
    %eq3A_46 = arith.constant 15 : i32
    %eq3A_47 = arith.cmpi eq, %arg1, %eq3A_46 : i32
    %and3A_48 = arith.andi %eq3A_45, %eq3A_47 : i1
    %convert_element_type3A_49 = arith.extui %and3A_48 : i1 to i32
    %cond3A_50 = arith.constant 0 : i32
    %cond3A_51 = arith.cmpi ne, %convert_element_type3A_49, %cond3A_50 : i32
    scf.if %cond3A_51 {
      "tpu.region"() ({
        %run_scoped3A = tpu.sem_alloc : memref<!tpu.dma_semaphore, #tpu.memory_space<semaphore_mem>>
        %dma_start3A = arith.constant 9984 : i32
        %dma_start3A_60 = arith.constant 0 : i32
        %dma_start3A_61 = tpu.memref_slice %arg6[%dma_start3A, %dma_start3A_60] : memref<10000x128xf32, #tpu.memory_space<hbm>> -> memref<16x128xf32, #tpu.memory_space<hbm>>
        %dma_start3A_62 = arith.constant 9984 : i32
        %dma_start3A_63 = arith.constant 0 : i32
        %dma_start3A_64 = tpu.memref_slice %arg12[%dma_start3A_62, %dma_start3A_63] : memref<10008x128xf32, #tpu.memory_space<vmem_shared>> -> memref<16x128xf32, #tpu.memory_space<vmem_shared>>
        tpu.enqueue_dma source(%dma_start3A_64 : memref<16x128xf32, #tpu.memory_space<vmem_shared>>) target(%dma_start3A_61 : memref<16x128xf32, #tpu.memory_space<hbm>>) target_semaphore(%run_scoped3A : memref<!tpu.dma_semaphore, #tpu.memory_space<semaphore_mem>>)
        %dma_wait3A = arith.constant 9984 : i32
        %dma_wait3A_65 = arith.constant 0 : i32
        %dma_wait3A_66 = tpu.memref_slice %arg6[%dma_wait3A, %dma_wait3A_65] : memref<10000x128xf32, #tpu.memory_space<hbm>> -> memref<16x128xf32, #tpu.memory_space<hbm>>
        %dma_wait3A_67 = arith.constant 9984 : i32
        %dma_wait3A_68 = arith.constant 0 : i32
        %dma_wait3A_69 = tpu.memref_slice %arg12[%dma_wait3A_67, %dma_wait3A_68] : memref<10008x128xf32, #tpu.memory_space<vmem_shared>> -> memref<16x128xf32, #tpu.memory_space<vmem_shared>>
        tpu.wait_dma2 semaphore(%run_scoped3A : memref<!tpu.dma_semaphore, #tpu.memory_space<semaphore_mem>>) src(%dma_wait3A_69 : memref<16x128xf32, #tpu.memory_space<vmem_shared>>) dst(%dma_wait3A_66 : memref<16x128xf32, #tpu.memory_space<hbm>>)
        tpu.yield
      }) : () -> ()
    } else {
    }
    %eq3A_52 = arith.constant 1 : i32
    %eq3A_53 = arith.cmpi eq, %arg0, %eq3A_52 : i32
    %eq3A_54 = arith.constant 15 : i32
    %eq3A_55 = arith.cmpi eq, %arg1, %eq3A_54 : i32
    %and3A_56 = arith.andi %eq3A_53, %eq3A_55 : i1
    %convert_element_type3A_57 = arith.extui %and3A_56 : i1 to i32
    %cond3A_58 = arith.constant 0 : i32
    %cond3A_59 = arith.cmpi ne, %convert_element_type3A_57, %cond3A_58 : i32
    scf.if %cond3A_59 {
      "tpu.region"() ({
        %run_scoped3A = tpu.sem_alloc : memref<!tpu.dma_semaphore, #tpu.memory_space<semaphore_mem>>
        %dma_start3A = arith.constant 9984 : i32
        %dma_start3A_60 = arith.constant 0 : i32
        %dma_start3A_61 = tpu.memref_slice %arg7[%dma_start3A, %dma_start3A_60] : memref<10000x128xf32, #tpu.memory_space<hbm>> -> memref<16x128xf32, #tpu.memory_space<hbm>>
        %dma_start3A_62 = arith.constant 9984 : i32
        %dma_start3A_63 = arith.constant 0 : i32
        %dma_start3A_64 = tpu.memref_slice %arg12[%dma_start3A_62, %dma_start3A_63] : memref<10008x128xf32, #tpu.memory_space<vmem_shared>> -> memref<16x128xf32, #tpu.memory_space<vmem_shared>>
        tpu.enqueue_dma source(%dma_start3A_64 : memref<16x128xf32, #tpu.memory_space<vmem_shared>>) target(%dma_start3A_61 : memref<16x128xf32, #tpu.memory_space<hbm>>) target_semaphore(%run_scoped3A : memref<!tpu.dma_semaphore, #tpu.memory_space<semaphore_mem>>)
        %dma_wait3A = arith.constant 9984 : i32
        %dma_wait3A_65 = arith.constant 0 : i32
        %dma_wait3A_66 = tpu.memref_slice %arg7[%dma_wait3A, %dma_wait3A_65] : memref<10000x128xf32, #tpu.memory_space<hbm>> -> memref<16x128xf32, #tpu.memory_space<hbm>>
        %dma_wait3A_67 = arith.constant 9984 : i32
        %dma_wait3A_68 = arith.constant 0 : i32
        %dma_wait3A_69 = tpu.memref_slice %arg12[%dma_wait3A_67, %dma_wait3A_68] : memref<10008x128xf32, #tpu.memory_space<vmem_shared>> -> memref<16x128xf32, #tpu.memory_space<vmem_shared>>
        tpu.wait_dma2 semaphore(%run_scoped3A : memref<!tpu.dma_semaphore, #tpu.memory_space<semaphore_mem>>) src(%dma_wait3A_69 : memref<16x128xf32, #tpu.memory_space<vmem_shared>>) dst(%dma_wait3A_66 : memref<16x128xf32, #tpu.memory_space<hbm>>)
        tpu.yield
      }) : () -> ()
    } else {
    }
    return
  }
}

#map = affine_map<(d0, d1) -> (0, 0)>
#map1 = affine_map<(d0, d1) -> (0, 0, 0)>
module attributes {stable_mosaic.version = 14 : i64} {
  func.func @_aggr_body(%arg0: i32, %arg1: i32, %arg2: memref<10000x128xf32, #tpu.memory_space<hbm>>, %arg3: memref<10000x128xf32, #tpu.memory_space<hbm>>, %arg4: memref<16x80x128xi32, #tpu.memory_space<hbm>>, %arg5: memref<16x80x128xi32, #tpu.memory_space<hbm>>, %arg6: memref<10000x128xf32, #tpu.memory_space<hbm>>, %arg7: memref<10000x128xf32, #tpu.memory_space<hbm>>, %arg8: memref<40x128xi32, #tpu.memory_space<vmem>>, %arg9: memref<40x128xi32, #tpu.memory_space<vmem>>, %arg10: memref<128x128xf32, #tpu.memory_space<vmem>>, %arg11: memref<128x128xf32, #tpu.memory_space<vmem>>, %arg12: memref<10008x128xf32, #tpu.memory_space<vmem_shared>>, %arg13: memref<!tpu.dma_semaphore, #tpu.memory_space<semaphore_mem>>, %arg14: memref<!tpu.dma_semaphore, #tpu.memory_space<semaphore_mem>>) attributes {dimension_semantics = [#tpu.dimension_semantics<core_parallel>, #tpu.dimension_semantics<subcore_parallel>], iteration_bounds = array<i64: 2, 16>, scalar_prefetch = 0 : i64, scratch_operands = 7 : i64, tpu.core_type = #tpu.core_type<sc_vector_subcore>, window_params = [{transform_indices = #map}, {transform_indices = #map}, {transform_indices = #map1}, {transform_indices = #map1}, {transform_indices = #map}, {transform_indices = #map}]} {
    %mul3A = arith.constant 624 : i32
    %mul3A_0 = arith.muli %arg1, %mul3A : i32
    %eq3A = arith.constant 0 : i32
    %eq3A_1 = arith.cmpi eq, %arg0, %eq3A : i32
    %convert_element_type3A = arith.extui %eq3A_1 : i1 to i32
    %cond3A = arith.constant 0 : i32
    %cond3A_2 = arith.cmpi ne, %convert_element_type3A, %cond3A : i32
    scf.if %cond3A_2 {
      "tpu.region"() ({
        %run_scoped3A = tpu.sem_alloc : memref<!tpu.dma_semaphore, #tpu.memory_space<semaphore_mem>>
        %dma_start3A = arith.constant 0 : i32
        %dma_start3A_60 = tpu.memref_slice %arg12[%mul3A_0, %dma_start3A] : memref<10008x128xf32, #tpu.memory_space<vmem_shared>> -> memref<624x128xf32, #tpu.memory_space<vmem_shared>>
        %dma_start3A_61 = arith.constant 0 : i32
        %dma_start3A_62 = tpu.memref_slice %arg2[%mul3A_0, %dma_start3A_61] : memref<10000x128xf32, #tpu.memory_space<hbm>> -> memref<624x128xf32, #tpu.memory_space<hbm>>
        tpu.enqueue_dma source(%dma_start3A_62 : memref<624x128xf32, #tpu.memory_space<hbm>>) target(%dma_start3A_60 : memref<624x128xf32, #tpu.memory_space<vmem_shared>>) target_semaphore(%run_scoped3A : memref<!tpu.dma_semaphore, #tpu.memory_space<semaphore_mem>>)
        %dma_wait3A = arith.constant 0 : i32
        %dma_wait3A_63 = tpu.memref_slice %arg12[%mul3A_0, %dma_wait3A] : memref<10008x128xf32, #tpu.memory_space<vmem_shared>> -> memref<624x128xf32, #tpu.memory_space<vmem_shared>>
        %dma_wait3A_64 = arith.constant 0 : i32
        %dma_wait3A_65 = tpu.memref_slice %arg2[%mul3A_0, %dma_wait3A_64] : memref<10000x128xf32, #tpu.memory_space<hbm>> -> memref<624x128xf32, #tpu.memory_space<hbm>>
        tpu.wait_dma2 semaphore(%run_scoped3A : memref<!tpu.dma_semaphore, #tpu.memory_space<semaphore_mem>>) src(%dma_wait3A_65 : memref<624x128xf32, #tpu.memory_space<hbm>>) dst(%dma_wait3A_63 : memref<624x128xf32, #tpu.memory_space<vmem_shared>>)
        tpu.yield
      }) : () -> ()
    } else {
    }
    %eq3A_3 = arith.constant 1 : i32
    %eq3A_4 = arith.cmpi eq, %arg0, %eq3A_3 : i32
    %convert_element_type3A_5 = arith.extui %eq3A_4 : i1 to i32
    %cond3A_6 = arith.constant 0 : i32
    %cond3A_7 = arith.cmpi ne, %convert_element_type3A_5, %cond3A_6 : i32
    scf.if %cond3A_7 {
      "tpu.region"() ({
        %run_scoped3A = tpu.sem_alloc : memref<!tpu.dma_semaphore, #tpu.memory_space<semaphore_mem>>
        %dma_start3A = arith.constant 0 : i32
        %dma_start3A_60 = tpu.memref_slice %arg12[%mul3A_0, %dma_start3A] : memref<10008x128xf32, #tpu.memory_space<vmem_shared>> -> memref<624x128xf32, #tpu.memory_space<vmem_shared>>
        %dma_start3A_61 = arith.constant 0 : i32
        %dma_start3A_62 = tpu.memref_slice %arg3[%mul3A_0, %dma_start3A_61] : memref<10000x128xf32, #tpu.memory_space<hbm>> -> memref<624x128xf32, #tpu.memory_space<hbm>>
        tpu.enqueue_dma source(%dma_start3A_62 : memref<624x128xf32, #tpu.memory_space<hbm>>) target(%dma_start3A_60 : memref<624x128xf32, #tpu.memory_space<vmem_shared>>) target_semaphore(%run_scoped3A : memref<!tpu.dma_semaphore, #tpu.memory_space<semaphore_mem>>)
        %dma_wait3A = arith.constant 0 : i32
        %dma_wait3A_63 = tpu.memref_slice %arg12[%mul3A_0, %dma_wait3A] : memref<10008x128xf32, #tpu.memory_space<vmem_shared>> -> memref<624x128xf32, #tpu.memory_space<vmem_shared>>
        %dma_wait3A_64 = arith.constant 0 : i32
        %dma_wait3A_65 = tpu.memref_slice %arg3[%mul3A_0, %dma_wait3A_64] : memref<10000x128xf32, #tpu.memory_space<hbm>> -> memref<624x128xf32, #tpu.memory_space<hbm>>
        tpu.wait_dma2 semaphore(%run_scoped3A : memref<!tpu.dma_semaphore, #tpu.memory_space<semaphore_mem>>) src(%dma_wait3A_65 : memref<624x128xf32, #tpu.memory_space<hbm>>) dst(%dma_wait3A_63 : memref<624x128xf32, #tpu.memory_space<vmem_shared>>)
        tpu.yield
      }) : () -> ()
    } else {
    }
    %eq3A_8 = arith.constant 0 : i32
    %eq3A_9 = arith.cmpi eq, %arg0, %eq3A_8 : i32
    %eq3A_10 = arith.constant 15 : i32
    %eq3A_11 = arith.cmpi eq, %arg1, %eq3A_10 : i32
    %and3A = arith.andi %eq3A_9, %eq3A_11 : i1
    %convert_element_type3A_12 = arith.extui %and3A : i1 to i32
    %cond3A_13 = arith.constant 0 : i32
    %cond3A_14 = arith.cmpi ne, %convert_element_type3A_12, %cond3A_13 : i32
    scf.if %cond3A_14 {
      "tpu.region"() ({
        %run_scoped3A = tpu.sem_alloc : memref<!tpu.dma_semaphore, #tpu.memory_space<semaphore_mem>>
        %dma_start3A = arith.constant 9984 : i32
        %dma_start3A_60 = arith.constant 0 : i32
        %dma_start3A_61 = tpu.memref_slice %arg12[%dma_start3A, %dma_start3A_60] : memref<10008x128xf32, #tpu.memory_space<vmem_shared>> -> memref<16x128xf32, #tpu.memory_space<vmem_shared>>
        %dma_start3A_62 = arith.constant 9984 : i32
        %dma_start3A_63 = arith.constant 0 : i32
        %dma_start3A_64 = tpu.memref_slice %arg2[%dma_start3A_62, %dma_start3A_63] : memref<10000x128xf32, #tpu.memory_space<hbm>> -> memref<16x128xf32, #tpu.memory_space<hbm>>
        tpu.enqueue_dma source(%dma_start3A_64 : memref<16x128xf32, #tpu.memory_space<hbm>>) target(%dma_start3A_61 : memref<16x128xf32, #tpu.memory_space<vmem_shared>>) target_semaphore(%run_scoped3A : memref<!tpu.dma_semaphore, #tpu.memory_space<semaphore_mem>>)
        %dma_wait3A = arith.constant 9984 : i32
        %dma_wait3A_65 = arith.constant 0 : i32
        %dma_wait3A_66 = tpu.memref_slice %arg12[%dma_wait3A, %dma_wait3A_65] : memref<10008x128xf32, #tpu.memory_space<vmem_shared>> -> memref<16x128xf32, #tpu.memory_space<vmem_shared>>
        %dma_wait3A_67 = arith.constant 9984 : i32
        %dma_wait3A_68 = arith.constant 0 : i32
        %dma_wait3A_69 = tpu.memref_slice %arg2[%dma_wait3A_67, %dma_wait3A_68] : memref<10000x128xf32, #tpu.memory_space<hbm>> -> memref<16x128xf32, #tpu.memory_space<hbm>>
        tpu.wait_dma2 semaphore(%run_scoped3A : memref<!tpu.dma_semaphore, #tpu.memory_space<semaphore_mem>>) src(%dma_wait3A_69 : memref<16x128xf32, #tpu.memory_space<hbm>>) dst(%dma_wait3A_66 : memref<16x128xf32, #tpu.memory_space<vmem_shared>>)
        tpu.yield
      }) : () -> ()
    } else {
    }
    %eq3A_15 = arith.constant 1 : i32
    %eq3A_16 = arith.cmpi eq, %arg0, %eq3A_15 : i32
    %eq3A_17 = arith.constant 15 : i32
    %eq3A_18 = arith.cmpi eq, %arg1, %eq3A_17 : i32
    %and3A_19 = arith.andi %eq3A_16, %eq3A_18 : i1
    %convert_element_type3A_20 = arith.extui %and3A_19 : i1 to i32
    %cond3A_21 = arith.constant 0 : i32
    %cond3A_22 = arith.cmpi ne, %convert_element_type3A_20, %cond3A_21 : i32
    scf.if %cond3A_22 {
      "tpu.region"() ({
        %run_scoped3A = tpu.sem_alloc : memref<!tpu.dma_semaphore, #tpu.memory_space<semaphore_mem>>
        %dma_start3A = arith.constant 9984 : i32
        %dma_start3A_60 = arith.constant 0 : i32
        %dma_start3A_61 = tpu.memref_slice %arg12[%dma_start3A, %dma_start3A_60] : memref<10008x128xf32, #tpu.memory_space<vmem_shared>> -> memref<16x128xf32, #tpu.memory_space<vmem_shared>>
        %dma_start3A_62 = arith.constant 9984 : i32
        %dma_start3A_63 = arith.constant 0 : i32
        %dma_start3A_64 = tpu.memref_slice %arg3[%dma_start3A_62, %dma_start3A_63] : memref<10000x128xf32, #tpu.memory_space<hbm>> -> memref<16x128xf32, #tpu.memory_space<hbm>>
        tpu.enqueue_dma source(%dma_start3A_64 : memref<16x128xf32, #tpu.memory_space<hbm>>) target(%dma_start3A_61 : memref<16x128xf32, #tpu.memory_space<vmem_shared>>) target_semaphore(%run_scoped3A : memref<!tpu.dma_semaphore, #tpu.memory_space<semaphore_mem>>)
        %dma_wait3A = arith.constant 9984 : i32
        %dma_wait3A_65 = arith.constant 0 : i32
        %dma_wait3A_66 = tpu.memref_slice %arg12[%dma_wait3A, %dma_wait3A_65] : memref<10008x128xf32, #tpu.memory_space<vmem_shared>> -> memref<16x128xf32, #tpu.memory_space<vmem_shared>>
        %dma_wait3A_67 = arith.constant 9984 : i32
        %dma_wait3A_68 = arith.constant 0 : i32
        %dma_wait3A_69 = tpu.memref_slice %arg3[%dma_wait3A_67, %dma_wait3A_68] : memref<10000x128xf32, #tpu.memory_space<hbm>> -> memref<16x128xf32, #tpu.memory_space<hbm>>
        tpu.wait_dma2 semaphore(%run_scoped3A : memref<!tpu.dma_semaphore, #tpu.memory_space<semaphore_mem>>) src(%dma_wait3A_69 : memref<16x128xf32, #tpu.memory_space<hbm>>) dst(%dma_wait3A_66 : memref<16x128xf32, #tpu.memory_space<vmem_shared>>)
        tpu.yield
      }) : () -> ()
    } else {
    }
    %barrier3A = arith.constant 0 : index
    tpu.barrier barrier_id(%barrier3A)
    %eq3A_23 = arith.constant 0 : i32
    %eq3A_24 = arith.cmpi eq, %arg0, %eq3A_23 : i32
    %convert_element_type3A_25 = arith.extui %eq3A_24 : i1 to i32
    %cond3A_26 = arith.constant 0 : i32
    %cond3A_27 = arith.cmpi ne, %convert_element_type3A_25, %cond3A_26 : i32
    scf.if %cond3A_27 {
      %scan3A = arith.constant 0 : i32
      %scan3A_60 = arith.constant 0 : i32
      %scan3A_61 = arith.constant 2 : i32
      %scan3A_62 = arith.addi %scan3A_60, %scan3A_61 : i32
      %scan3A_63 = arith.constant 1 : i32
      scf.for %scan3A_65 = %scan3A_60 to %scan3A_62 step %scan3A_63  : i32 {
        %mul3A_66 = arith.constant 40 : i32
        %mul3A_67 = arith.muli %scan3A_65, %mul3A_66 : i32
        "tpu.region"() ({
          %run_scoped3A = tpu.sem_alloc : memref<!tpu.dma_semaphore, #tpu.memory_space<semaphore_mem>>
          %dma_start3A = arith.constant 0 : i32
          %dma_start3A_76 = tpu.memref_slice %arg4[%arg1, %mul3A_67, %dma_start3A] : memref<16x80x128xi32, #tpu.memory_space<hbm>> -> memref<1x40x128xi32, #tpu.memory_space<hbm>>
          %dma_start3A_77 = tpu.memref_squeeze %dma_start3A_76 : memref<1x40x128xi32, #tpu.memory_space<hbm>> -> memref<40x128xi32, #tpu.memory_space<hbm>>
          %dma_start3A_78 = arith.constant 0 : i32
          %dma_start3A_79 = tpu.memref_slice %arg4[%arg1, %mul3A_67, %dma_start3A_78] : memref<16x80x128xi32, #tpu.memory_space<hbm>> -> memref<1x40x128xi32, #tpu.memory_space<hbm>>
          %dma_start3A_80 = tpu.memref_squeeze %dma_start3A_79 : memref<1x40x128xi32, #tpu.memory_space<hbm>> -> memref<40x128xi32, #tpu.memory_space<hbm>>
          tpu.enqueue_dma source(%dma_start3A_80 : memref<40x128xi32, #tpu.memory_space<hbm>>) target(%arg8 : memref<40x128xi32, #tpu.memory_space<vmem>>) target_semaphore(%run_scoped3A : memref<!tpu.dma_semaphore, #tpu.memory_space<semaphore_mem>>)
          %dma_wait3A = arith.constant 0 : i32
          %dma_wait3A_81 = tpu.memref_slice %arg4[%arg1, %mul3A_67, %dma_wait3A] : memref<16x80x128xi32, #tpu.memory_space<hbm>> -> memref<1x40x128xi32, #tpu.memory_space<hbm>>
          %dma_wait3A_82 = tpu.memref_squeeze %dma_wait3A_81 : memref<1x40x128xi32, #tpu.memory_space<hbm>> -> memref<40x128xi32, #tpu.memory_space<hbm>>
          %dma_wait3A_83 = arith.constant 0 : i32
          %dma_wait3A_84 = tpu.memref_slice %arg4[%arg1, %mul3A_67, %dma_wait3A_83] : memref<16x80x128xi32, #tpu.memory_space<hbm>> -> memref<1x40x128xi32, #tpu.memory_space<hbm>>
          %dma_wait3A_85 = tpu.memref_squeeze %dma_wait3A_84 : memref<1x40x128xi32, #tpu.memory_space<hbm>> -> memref<40x128xi32, #tpu.memory_space<hbm>>
          tpu.wait_dma2 semaphore(%run_scoped3A : memref<!tpu.dma_semaphore, #tpu.memory_space<semaphore_mem>>) src(%dma_wait3A_85 : memref<40x128xi32, #tpu.memory_space<hbm>>) dst(%arg8 : memref<40x128xi32, #tpu.memory_space<vmem>>)
          tpu.yield
        }) : () -> ()
        %mul3A_68 = arith.constant 40 : i32
        %mul3A_69 = arith.muli %scan3A_65, %mul3A_68 : i32
        "tpu.region"() ({
          %run_scoped3A = tpu.sem_alloc : memref<!tpu.dma_semaphore, #tpu.memory_space<semaphore_mem>>
          %dma_start3A = arith.constant 0 : i32
          %dma_start3A_76 = tpu.memref_slice %arg5[%arg1, %mul3A_69, %dma_start3A] : memref<16x80x128xi32, #tpu.memory_space<hbm>> -> memref<1x40x128xi32, #tpu.memory_space<hbm>>
          %dma_start3A_77 = tpu.memref_squeeze %dma_start3A_76 : memref<1x40x128xi32, #tpu.memory_space<hbm>> -> memref<40x128xi32, #tpu.memory_space<hbm>>
          %dma_start3A_78 = arith.constant 0 : i32
          %dma_start3A_79 = tpu.memref_slice %arg5[%arg1, %mul3A_69, %dma_start3A_78] : memref<16x80x128xi32, #tpu.memory_space<hbm>> -> memref<1x40x128xi32, #tpu.memory_space<hbm>>
          %dma_start3A_80 = tpu.memref_squeeze %dma_start3A_79 : memref<1x40x128xi32, #tpu.memory_space<hbm>> -> memref<40x128xi32, #tpu.memory_space<hbm>>
          tpu.enqueue_dma source(%dma_start3A_80 : memref<40x128xi32, #tpu.memory_space<hbm>>) target(%arg9 : memref<40x128xi32, #tpu.memory_space<vmem>>) target_semaphore(%run_scoped3A : memref<!tpu.dma_semaphore, #tpu.memory_space<semaphore_mem>>)
          %dma_wait3A = arith.constant 0 : i32
          %dma_wait3A_81 = tpu.memref_slice %arg5[%arg1, %mul3A_69, %dma_wait3A] : memref<16x80x128xi32, #tpu.memory_space<hbm>> -> memref<1x40x128xi32, #tpu.memory_space<hbm>>
          %dma_wait3A_82 = tpu.memref_squeeze %dma_wait3A_81 : memref<1x40x128xi32, #tpu.memory_space<hbm>> -> memref<40x128xi32, #tpu.memory_space<hbm>>
          %dma_wait3A_83 = arith.constant 0 : i32
          %dma_wait3A_84 = tpu.memref_slice %arg5[%arg1, %mul3A_69, %dma_wait3A_83] : memref<16x80x128xi32, #tpu.memory_space<hbm>> -> memref<1x40x128xi32, #tpu.memory_space<hbm>>
          %dma_wait3A_85 = tpu.memref_squeeze %dma_wait3A_84 : memref<1x40x128xi32, #tpu.memory_space<hbm>> -> memref<40x128xi32, #tpu.memory_space<hbm>>
          tpu.wait_dma2 semaphore(%run_scoped3A : memref<!tpu.dma_semaphore, #tpu.memory_space<semaphore_mem>>) src(%dma_wait3A_85 : memref<40x128xi32, #tpu.memory_space<hbm>>) dst(%arg9 : memref<40x128xi32, #tpu.memory_space<vmem>>)
          tpu.yield
        }) : () -> ()
        %scan3A_70 = arith.constant 0 : i32
        %scan3A_71 = arith.constant 0 : i32
        %scan3A_72 = arith.constant 20 : i32
        %scan3A_73 = arith.addi %scan3A_71, %scan3A_72 : i32
        %scan3A_74 = arith.constant 1 : i32
        scf.for %scan3A_76 = %scan3A_71 to %scan3A_73 step %scan3A_74  : i32 {
          %mul3A_77 = arith.constant 2 : i32
          %mul3A_78 = arith.muli %scan3A_76, %mul3A_77 : i32
          %add3A = arith.constant 0 : i32
          %add3A_79 = arith.addi %mul3A_78, %add3A : i32
          %dma_start3A = arith.constant 0 : i32
          %dma_start3A_80 = tpu.memref_slice %arg8[%add3A_79, %dma_start3A] : memref<40x128xi32, #tpu.memory_space<vmem>> -> memref<1x128xi32, #tpu.memory_space<vmem>>
          %dma_start3A_81 = tpu.memref_squeeze %dma_start3A_80 : memref<1x128xi32, #tpu.memory_space<vmem>> -> memref<128xi32, #tpu.memory_space<vmem>>
          %dma_start3A_82 = arith.constant 0 : i32
          %dma_start3A_83 = arith.constant 0 : i32
          %dma_start3A_84 = tpu.memref_slice %arg2[%dma_start3A_82, %dma_start3A_83] : memref<10000x128xf32, #tpu.memory_space<hbm>> -> memref<10000x128xf32, #tpu.memory_space<hbm>>
          tpu.enqueue_indirect_dma source(%dma_start3A_84 : memref<10000x128xf32, #tpu.memory_space<hbm>>) target(%arg10 : memref<128x128xf32, #tpu.memory_space<vmem>>) offsets(%dma_start3A_81 : memref<128xi32, #tpu.memory_space<vmem>>) semaphore(%arg13 : memref<!tpu.dma_semaphore, #tpu.memory_space<semaphore_mem>>)
          %add3A_85 = arith.constant 1 : i32
          %add3A_86 = arith.addi %mul3A_78, %add3A_85 : i32
          %dma_start3A_87 = arith.constant 0 : i32
          %dma_start3A_88 = tpu.memref_slice %arg8[%add3A_86, %dma_start3A_87] : memref<40x128xi32, #tpu.memory_space<vmem>> -> memref<1x128xi32, #tpu.memory_space<vmem>>
          %dma_start3A_89 = tpu.memref_squeeze %dma_start3A_88 : memref<1x128xi32, #tpu.memory_space<vmem>> -> memref<128xi32, #tpu.memory_space<vmem>>
          %dma_start3A_90 = arith.constant 0 : i32
          %dma_start3A_91 = arith.constant 0 : i32
          %dma_start3A_92 = tpu.memref_slice %arg2[%dma_start3A_90, %dma_start3A_91] : memref<10000x128xf32, #tpu.memory_space<hbm>> -> memref<10000x128xf32, #tpu.memory_space<hbm>>
          tpu.enqueue_indirect_dma source(%dma_start3A_92 : memref<10000x128xf32, #tpu.memory_space<hbm>>) target(%arg11 : memref<128x128xf32, #tpu.memory_space<vmem>>) offsets(%dma_start3A_89 : memref<128xi32, #tpu.memory_space<vmem>>) semaphore(%arg14 : memref<!tpu.dma_semaphore, #tpu.memory_space<semaphore_mem>>)
          %dma_wait3A = arith.constant 0 : i32
          %dma_wait3A_93 = tpu.memref_slice %arg8[%add3A_79, %dma_wait3A] : memref<40x128xi32, #tpu.memory_space<vmem>> -> memref<1x128xi32, #tpu.memory_space<vmem>>
          %dma_wait3A_94 = tpu.memref_squeeze %dma_wait3A_93 : memref<1x128xi32, #tpu.memory_space<vmem>> -> memref<128xi32, #tpu.memory_space<vmem>>
          %dma_wait3A_95 = arith.constant 0 : i32
          %dma_wait3A_96 = arith.constant 0 : i32
          %dma_wait3A_97 = tpu.memref_slice %arg2[%dma_wait3A_95, %dma_wait3A_96] : memref<10000x128xf32, #tpu.memory_space<hbm>> -> memref<10000x128xf32, #tpu.memory_space<hbm>>
          tpu.wait_indirect_dma semaphore(%arg13 : memref<!tpu.dma_semaphore, #tpu.memory_space<semaphore_mem>>) src(%dma_wait3A_97 : memref<10000x128xf32, #tpu.memory_space<hbm>>) dst(%arg10 : memref<128x128xf32, #tpu.memory_space<vmem>>)
          %add3A_98 = arith.constant 0 : i32
          %add3A_99 = arith.addi %mul3A_78, %add3A_98 : i32
          "tpu.region"() ({
            %run_scoped3A = tpu.sem_alloc : memref<!tpu.dma_semaphore, #tpu.memory_space<semaphore_mem>>
            %dma_start3A_108 = arith.constant 0 : i32
            %dma_start3A_109 = tpu.memref_slice %arg9[%add3A_99, %dma_start3A_108] : memref<40x128xi32, #tpu.memory_space<vmem>> -> memref<1x128xi32, #tpu.memory_space<vmem>>
            %dma_start3A_110 = tpu.memref_squeeze %dma_start3A_109 : memref<1x128xi32, #tpu.memory_space<vmem>> -> memref<128xi32, #tpu.memory_space<vmem>>
            %dma_start3A_111 = arith.constant 0 : i32
            %dma_start3A_112 = arith.constant 0 : i32
            %dma_start3A_113 = tpu.memref_slice %arg12[%dma_start3A_111, %dma_start3A_112] : memref<10008x128xf32, #tpu.memory_space<vmem_shared>> -> memref<10008x128xf32, #tpu.memory_space<vmem_shared>>
            tpu.enqueue_indirect_dma source(%arg10 : memref<128x128xf32, #tpu.memory_space<vmem>>) target(%dma_start3A_113 : memref<10008x128xf32, #tpu.memory_space<vmem_shared>>) offsets(%dma_start3A_110 : memref<128xi32, #tpu.memory_space<vmem>>) semaphore(%run_scoped3A : memref<!tpu.dma_semaphore, #tpu.memory_space<semaphore_mem>>) {add = true}
            %dma_wait3A_114 = arith.constant 0 : i32
            %dma_wait3A_115 = tpu.memref_slice %arg9[%add3A_99, %dma_wait3A_114] : memref<40x128xi32, #tpu.memory_space<vmem>> -> memref<1x128xi32, #tpu.memory_space<vmem>>
            %dma_wait3A_116 = tpu.memref_squeeze %dma_wait3A_115 : memref<1x128xi32, #tpu.memory_space<vmem>> -> memref<128xi32, #tpu.memory_space<vmem>>
            %dma_wait3A_117 = arith.constant 0 : i32
            %dma_wait3A_118 = arith.constant 0 : i32
            %dma_wait3A_119 = tpu.memref_slice %arg12[%dma_wait3A_117, %dma_wait3A_118] : memref<10008x128xf32, #tpu.memory_space<vmem_shared>> -> memref<10008x128xf32, #tpu.memory_space<vmem_shared>>
            tpu.wait_indirect_dma semaphore(%run_scoped3A : memref<!tpu.dma_semaphore, #tpu.memory_space<semaphore_mem>>) src(%arg10 : memref<128x128xf32, #tpu.memory_space<vmem>>) dst(%dma_wait3A_119 : memref<10008x128xf32, #tpu.memory_space<vmem_shared>>)
            tpu.yield
          }) : () -> ()
          %dma_wait3A_100 = arith.constant 0 : i32
          %dma_wait3A_101 = tpu.memref_slice %arg8[%add3A_86, %dma_wait3A_100] : memref<40x128xi32, #tpu.memory_space<vmem>> -> memref<1x128xi32, #tpu.memory_space<vmem>>
          %dma_wait3A_102 = tpu.memref_squeeze %dma_wait3A_101 : memref<1x128xi32, #tpu.memory_space<vmem>> -> memref<128xi32, #tpu.memory_space<vmem>>
          %dma_wait3A_103 = arith.constant 0 : i32
          %dma_wait3A_104 = arith.constant 0 : i32
          %dma_wait3A_105 = tpu.memref_slice %arg2[%dma_wait3A_103, %dma_wait3A_104] : memref<10000x128xf32, #tpu.memory_space<hbm>> -> memref<10000x128xf32, #tpu.memory_space<hbm>>
          tpu.wait_indirect_dma semaphore(%arg14 : memref<!tpu.dma_semaphore, #tpu.memory_space<semaphore_mem>>) src(%dma_wait3A_105 : memref<10000x128xf32, #tpu.memory_space<hbm>>) dst(%arg11 : memref<128x128xf32, #tpu.memory_space<vmem>>)
          %add3A_106 = arith.constant 1 : i32
          %add3A_107 = arith.addi %mul3A_78, %add3A_106 : i32
          "tpu.region"() ({
            %run_scoped3A = tpu.sem_alloc : memref<!tpu.dma_semaphore, #tpu.memory_space<semaphore_mem>>
            %dma_start3A_108 = arith.constant 0 : i32
            %dma_start3A_109 = tpu.memref_slice %arg9[%add3A_107, %dma_start3A_108] : memref<40x128xi32, #tpu.memory_space<vmem>> -> memref<1x128xi32, #tpu.memory_space<vmem>>
            %dma_start3A_110 = tpu.memref_squeeze %dma_start3A_109 : memref<1x128xi32, #tpu.memory_space<vmem>> -> memref<128xi32, #tpu.memory_space<vmem>>
            %dma_start3A_111 = arith.constant 0 : i32
            %dma_start3A_112 = arith.constant 0 : i32
            %dma_start3A_113 = tpu.memref_slice %arg12[%dma_start3A_111, %dma_start3A_112] : memref<10008x128xf32, #tpu.memory_space<vmem_shared>> -> memref<10008x128xf32, #tpu.memory_space<vmem_shared>>
            tpu.enqueue_indirect_dma source(%arg11 : memref<128x128xf32, #tpu.memory_space<vmem>>) target(%dma_start3A_113 : memref<10008x128xf32, #tpu.memory_space<vmem_shared>>) offsets(%dma_start3A_110 : memref<128xi32, #tpu.memory_space<vmem>>) semaphore(%run_scoped3A : memref<!tpu.dma_semaphore, #tpu.memory_space<semaphore_mem>>) {add = true}
            %dma_wait3A_114 = arith.constant 0 : i32
            %dma_wait3A_115 = tpu.memref_slice %arg9[%add3A_107, %dma_wait3A_114] : memref<40x128xi32, #tpu.memory_space<vmem>> -> memref<1x128xi32, #tpu.memory_space<vmem>>
            %dma_wait3A_116 = tpu.memref_squeeze %dma_wait3A_115 : memref<1x128xi32, #tpu.memory_space<vmem>> -> memref<128xi32, #tpu.memory_space<vmem>>
            %dma_wait3A_117 = arith.constant 0 : i32
            %dma_wait3A_118 = arith.constant 0 : i32
            %dma_wait3A_119 = tpu.memref_slice %arg12[%dma_wait3A_117, %dma_wait3A_118] : memref<10008x128xf32, #tpu.memory_space<vmem_shared>> -> memref<10008x128xf32, #tpu.memory_space<vmem_shared>>
            tpu.wait_indirect_dma semaphore(%run_scoped3A : memref<!tpu.dma_semaphore, #tpu.memory_space<semaphore_mem>>) src(%arg11 : memref<128x128xf32, #tpu.memory_space<vmem>>) dst(%dma_wait3A_119 : memref<10008x128xf32, #tpu.memory_space<vmem_shared>>)
            tpu.yield
          }) : () -> ()
        }
        %scan3A_75 = arith.constant 20 : i32
      }
      %scan3A_64 = arith.constant 2 : i32
    } else {
    }
    %eq3A_28 = arith.constant 1 : i32
    %eq3A_29 = arith.cmpi eq, %arg0, %eq3A_28 : i32
    %convert_element_type3A_30 = arith.extui %eq3A_29 : i1 to i32
    %cond3A_31 = arith.constant 0 : i32
    %cond3A_32 = arith.cmpi ne, %convert_element_type3A_30, %cond3A_31 : i32
    scf.if %cond3A_32 {
      %scan3A = arith.constant 0 : i32
      %scan3A_60 = arith.constant 0 : i32
      %scan3A_61 = arith.constant 2 : i32
      %scan3A_62 = arith.addi %scan3A_60, %scan3A_61 : i32
      %scan3A_63 = arith.constant 1 : i32
      scf.for %scan3A_65 = %scan3A_60 to %scan3A_62 step %scan3A_63  : i32 {
        %mul3A_66 = arith.constant 40 : i32
        %mul3A_67 = arith.muli %scan3A_65, %mul3A_66 : i32
        "tpu.region"() ({
          %run_scoped3A = tpu.sem_alloc : memref<!tpu.dma_semaphore, #tpu.memory_space<semaphore_mem>>
          %dma_start3A = arith.constant 0 : i32
          %dma_start3A_76 = tpu.memref_slice %arg4[%arg1, %mul3A_67, %dma_start3A] : memref<16x80x128xi32, #tpu.memory_space<hbm>> -> memref<1x40x128xi32, #tpu.memory_space<hbm>>
          %dma_start3A_77 = tpu.memref_squeeze %dma_start3A_76 : memref<1x40x128xi32, #tpu.memory_space<hbm>> -> memref<40x128xi32, #tpu.memory_space<hbm>>
          %dma_start3A_78 = arith.constant 0 : i32
          %dma_start3A_79 = tpu.memref_slice %arg4[%arg1, %mul3A_67, %dma_start3A_78] : memref<16x80x128xi32, #tpu.memory_space<hbm>> -> memref<1x40x128xi32, #tpu.memory_space<hbm>>
          %dma_start3A_80 = tpu.memref_squeeze %dma_start3A_79 : memref<1x40x128xi32, #tpu.memory_space<hbm>> -> memref<40x128xi32, #tpu.memory_space<hbm>>
          tpu.enqueue_dma source(%dma_start3A_80 : memref<40x128xi32, #tpu.memory_space<hbm>>) target(%arg8 : memref<40x128xi32, #tpu.memory_space<vmem>>) target_semaphore(%run_scoped3A : memref<!tpu.dma_semaphore, #tpu.memory_space<semaphore_mem>>)
          %dma_wait3A = arith.constant 0 : i32
          %dma_wait3A_81 = tpu.memref_slice %arg4[%arg1, %mul3A_67, %dma_wait3A] : memref<16x80x128xi32, #tpu.memory_space<hbm>> -> memref<1x40x128xi32, #tpu.memory_space<hbm>>
          %dma_wait3A_82 = tpu.memref_squeeze %dma_wait3A_81 : memref<1x40x128xi32, #tpu.memory_space<hbm>> -> memref<40x128xi32, #tpu.memory_space<hbm>>
          %dma_wait3A_83 = arith.constant 0 : i32
          %dma_wait3A_84 = tpu.memref_slice %arg4[%arg1, %mul3A_67, %dma_wait3A_83] : memref<16x80x128xi32, #tpu.memory_space<hbm>> -> memref<1x40x128xi32, #tpu.memory_space<hbm>>
          %dma_wait3A_85 = tpu.memref_squeeze %dma_wait3A_84 : memref<1x40x128xi32, #tpu.memory_space<hbm>> -> memref<40x128xi32, #tpu.memory_space<hbm>>
          tpu.wait_dma2 semaphore(%run_scoped3A : memref<!tpu.dma_semaphore, #tpu.memory_space<semaphore_mem>>) src(%dma_wait3A_85 : memref<40x128xi32, #tpu.memory_space<hbm>>) dst(%arg8 : memref<40x128xi32, #tpu.memory_space<vmem>>)
          tpu.yield
        }) : () -> ()
        %mul3A_68 = arith.constant 40 : i32
        %mul3A_69 = arith.muli %scan3A_65, %mul3A_68 : i32
        "tpu.region"() ({
          %run_scoped3A = tpu.sem_alloc : memref<!tpu.dma_semaphore, #tpu.memory_space<semaphore_mem>>
          %dma_start3A = arith.constant 0 : i32
          %dma_start3A_76 = tpu.memref_slice %arg5[%arg1, %mul3A_69, %dma_start3A] : memref<16x80x128xi32, #tpu.memory_space<hbm>> -> memref<1x40x128xi32, #tpu.memory_space<hbm>>
          %dma_start3A_77 = tpu.memref_squeeze %dma_start3A_76 : memref<1x40x128xi32, #tpu.memory_space<hbm>> -> memref<40x128xi32, #tpu.memory_space<hbm>>
          %dma_start3A_78 = arith.constant 0 : i32
          %dma_start3A_79 = tpu.memref_slice %arg5[%arg1, %mul3A_69, %dma_start3A_78] : memref<16x80x128xi32, #tpu.memory_space<hbm>> -> memref<1x40x128xi32, #tpu.memory_space<hbm>>
          %dma_start3A_80 = tpu.memref_squeeze %dma_start3A_79 : memref<1x40x128xi32, #tpu.memory_space<hbm>> -> memref<40x128xi32, #tpu.memory_space<hbm>>
          tpu.enqueue_dma source(%dma_start3A_80 : memref<40x128xi32, #tpu.memory_space<hbm>>) target(%arg9 : memref<40x128xi32, #tpu.memory_space<vmem>>) target_semaphore(%run_scoped3A : memref<!tpu.dma_semaphore, #tpu.memory_space<semaphore_mem>>)
          %dma_wait3A = arith.constant 0 : i32
          %dma_wait3A_81 = tpu.memref_slice %arg5[%arg1, %mul3A_69, %dma_wait3A] : memref<16x80x128xi32, #tpu.memory_space<hbm>> -> memref<1x40x128xi32, #tpu.memory_space<hbm>>
          %dma_wait3A_82 = tpu.memref_squeeze %dma_wait3A_81 : memref<1x40x128xi32, #tpu.memory_space<hbm>> -> memref<40x128xi32, #tpu.memory_space<hbm>>
          %dma_wait3A_83 = arith.constant 0 : i32
          %dma_wait3A_84 = tpu.memref_slice %arg5[%arg1, %mul3A_69, %dma_wait3A_83] : memref<16x80x128xi32, #tpu.memory_space<hbm>> -> memref<1x40x128xi32, #tpu.memory_space<hbm>>
          %dma_wait3A_85 = tpu.memref_squeeze %dma_wait3A_84 : memref<1x40x128xi32, #tpu.memory_space<hbm>> -> memref<40x128xi32, #tpu.memory_space<hbm>>
          tpu.wait_dma2 semaphore(%run_scoped3A : memref<!tpu.dma_semaphore, #tpu.memory_space<semaphore_mem>>) src(%dma_wait3A_85 : memref<40x128xi32, #tpu.memory_space<hbm>>) dst(%arg9 : memref<40x128xi32, #tpu.memory_space<vmem>>)
          tpu.yield
        }) : () -> ()
        %scan3A_70 = arith.constant 0 : i32
        %scan3A_71 = arith.constant 0 : i32
        %scan3A_72 = arith.constant 20 : i32
        %scan3A_73 = arith.addi %scan3A_71, %scan3A_72 : i32
        %scan3A_74 = arith.constant 1 : i32
        scf.for %scan3A_76 = %scan3A_71 to %scan3A_73 step %scan3A_74  : i32 {
          %mul3A_77 = arith.constant 2 : i32
          %mul3A_78 = arith.muli %scan3A_76, %mul3A_77 : i32
          %add3A = arith.constant 0 : i32
          %add3A_79 = arith.addi %mul3A_78, %add3A : i32
          %dma_start3A = arith.constant 0 : i32
          %dma_start3A_80 = tpu.memref_slice %arg8[%add3A_79, %dma_start3A] : memref<40x128xi32, #tpu.memory_space<vmem>> -> memref<1x128xi32, #tpu.memory_space<vmem>>
          %dma_start3A_81 = tpu.memref_squeeze %dma_start3A_80 : memref<1x128xi32, #tpu.memory_space<vmem>> -> memref<128xi32, #tpu.memory_space<vmem>>
          %dma_start3A_82 = arith.constant 0 : i32
          %dma_start3A_83 = arith.constant 0 : i32
          %dma_start3A_84 = tpu.memref_slice %arg3[%dma_start3A_82, %dma_start3A_83] : memref<10000x128xf32, #tpu.memory_space<hbm>> -> memref<10000x128xf32, #tpu.memory_space<hbm>>
          tpu.enqueue_indirect_dma source(%dma_start3A_84 : memref<10000x128xf32, #tpu.memory_space<hbm>>) target(%arg10 : memref<128x128xf32, #tpu.memory_space<vmem>>) offsets(%dma_start3A_81 : memref<128xi32, #tpu.memory_space<vmem>>) semaphore(%arg13 : memref<!tpu.dma_semaphore, #tpu.memory_space<semaphore_mem>>)
          %add3A_85 = arith.constant 1 : i32
          %add3A_86 = arith.addi %mul3A_78, %add3A_85 : i32
          %dma_start3A_87 = arith.constant 0 : i32
          %dma_start3A_88 = tpu.memref_slice %arg8[%add3A_86, %dma_start3A_87] : memref<40x128xi32, #tpu.memory_space<vmem>> -> memref<1x128xi32, #tpu.memory_space<vmem>>
          %dma_start3A_89 = tpu.memref_squeeze %dma_start3A_88 : memref<1x128xi32, #tpu.memory_space<vmem>> -> memref<128xi32, #tpu.memory_space<vmem>>
          %dma_start3A_90 = arith.constant 0 : i32
          %dma_start3A_91 = arith.constant 0 : i32
          %dma_start3A_92 = tpu.memref_slice %arg3[%dma_start3A_90, %dma_start3A_91] : memref<10000x128xf32, #tpu.memory_space<hbm>> -> memref<10000x128xf32, #tpu.memory_space<hbm>>
          tpu.enqueue_indirect_dma source(%dma_start3A_92 : memref<10000x128xf32, #tpu.memory_space<hbm>>) target(%arg11 : memref<128x128xf32, #tpu.memory_space<vmem>>) offsets(%dma_start3A_89 : memref<128xi32, #tpu.memory_space<vmem>>) semaphore(%arg14 : memref<!tpu.dma_semaphore, #tpu.memory_space<semaphore_mem>>)
          %dma_wait3A = arith.constant 0 : i32
          %dma_wait3A_93 = tpu.memref_slice %arg8[%add3A_79, %dma_wait3A] : memref<40x128xi32, #tpu.memory_space<vmem>> -> memref<1x128xi32, #tpu.memory_space<vmem>>
          %dma_wait3A_94 = tpu.memref_squeeze %dma_wait3A_93 : memref<1x128xi32, #tpu.memory_space<vmem>> -> memref<128xi32, #tpu.memory_space<vmem>>
          %dma_wait3A_95 = arith.constant 0 : i32
          %dma_wait3A_96 = arith.constant 0 : i32
          %dma_wait3A_97 = tpu.memref_slice %arg3[%dma_wait3A_95, %dma_wait3A_96] : memref<10000x128xf32, #tpu.memory_space<hbm>> -> memref<10000x128xf32, #tpu.memory_space<hbm>>
          tpu.wait_indirect_dma semaphore(%arg13 : memref<!tpu.dma_semaphore, #tpu.memory_space<semaphore_mem>>) src(%dma_wait3A_97 : memref<10000x128xf32, #tpu.memory_space<hbm>>) dst(%arg10 : memref<128x128xf32, #tpu.memory_space<vmem>>)
          %add3A_98 = arith.constant 0 : i32
          %add3A_99 = arith.addi %mul3A_78, %add3A_98 : i32
          "tpu.region"() ({
            %run_scoped3A = tpu.sem_alloc : memref<!tpu.dma_semaphore, #tpu.memory_space<semaphore_mem>>
            %dma_start3A_108 = arith.constant 0 : i32
            %dma_start3A_109 = tpu.memref_slice %arg9[%add3A_99, %dma_start3A_108] : memref<40x128xi32, #tpu.memory_space<vmem>> -> memref<1x128xi32, #tpu.memory_space<vmem>>
            %dma_start3A_110 = tpu.memref_squeeze %dma_start3A_109 : memref<1x128xi32, #tpu.memory_space<vmem>> -> memref<128xi32, #tpu.memory_space<vmem>>
            %dma_start3A_111 = arith.constant 0 : i32
            %dma_start3A_112 = arith.constant 0 : i32
            %dma_start3A_113 = tpu.memref_slice %arg12[%dma_start3A_111, %dma_start3A_112] : memref<10008x128xf32, #tpu.memory_space<vmem_shared>> -> memref<10008x128xf32, #tpu.memory_space<vmem_shared>>
            tpu.enqueue_indirect_dma source(%arg10 : memref<128x128xf32, #tpu.memory_space<vmem>>) target(%dma_start3A_113 : memref<10008x128xf32, #tpu.memory_space<vmem_shared>>) offsets(%dma_start3A_110 : memref<128xi32, #tpu.memory_space<vmem>>) semaphore(%run_scoped3A : memref<!tpu.dma_semaphore, #tpu.memory_space<semaphore_mem>>) {add = true}
            %dma_wait3A_114 = arith.constant 0 : i32
            %dma_wait3A_115 = tpu.memref_slice %arg9[%add3A_99, %dma_wait3A_114] : memref<40x128xi32, #tpu.memory_space<vmem>> -> memref<1x128xi32, #tpu.memory_space<vmem>>
            %dma_wait3A_116 = tpu.memref_squeeze %dma_wait3A_115 : memref<1x128xi32, #tpu.memory_space<vmem>> -> memref<128xi32, #tpu.memory_space<vmem>>
            %dma_wait3A_117 = arith.constant 0 : i32
            %dma_wait3A_118 = arith.constant 0 : i32
            %dma_wait3A_119 = tpu.memref_slice %arg12[%dma_wait3A_117, %dma_wait3A_118] : memref<10008x128xf32, #tpu.memory_space<vmem_shared>> -> memref<10008x128xf32, #tpu.memory_space<vmem_shared>>
            tpu.wait_indirect_dma semaphore(%run_scoped3A : memref<!tpu.dma_semaphore, #tpu.memory_space<semaphore_mem>>) src(%arg10 : memref<128x128xf32, #tpu.memory_space<vmem>>) dst(%dma_wait3A_119 : memref<10008x128xf32, #tpu.memory_space<vmem_shared>>)
            tpu.yield
          }) : () -> ()
          %dma_wait3A_100 = arith.constant 0 : i32
          %dma_wait3A_101 = tpu.memref_slice %arg8[%add3A_86, %dma_wait3A_100] : memref<40x128xi32, #tpu.memory_space<vmem>> -> memref<1x128xi32, #tpu.memory_space<vmem>>
          %dma_wait3A_102 = tpu.memref_squeeze %dma_wait3A_101 : memref<1x128xi32, #tpu.memory_space<vmem>> -> memref<128xi32, #tpu.memory_space<vmem>>
          %dma_wait3A_103 = arith.constant 0 : i32
          %dma_wait3A_104 = arith.constant 0 : i32
          %dma_wait3A_105 = tpu.memref_slice %arg3[%dma_wait3A_103, %dma_wait3A_104] : memref<10000x128xf32, #tpu.memory_space<hbm>> -> memref<10000x128xf32, #tpu.memory_space<hbm>>
          tpu.wait_indirect_dma semaphore(%arg14 : memref<!tpu.dma_semaphore, #tpu.memory_space<semaphore_mem>>) src(%dma_wait3A_105 : memref<10000x128xf32, #tpu.memory_space<hbm>>) dst(%arg11 : memref<128x128xf32, #tpu.memory_space<vmem>>)
          %add3A_106 = arith.constant 1 : i32
          %add3A_107 = arith.addi %mul3A_78, %add3A_106 : i32
          "tpu.region"() ({
            %run_scoped3A = tpu.sem_alloc : memref<!tpu.dma_semaphore, #tpu.memory_space<semaphore_mem>>
            %dma_start3A_108 = arith.constant 0 : i32
            %dma_start3A_109 = tpu.memref_slice %arg9[%add3A_107, %dma_start3A_108] : memref<40x128xi32, #tpu.memory_space<vmem>> -> memref<1x128xi32, #tpu.memory_space<vmem>>
            %dma_start3A_110 = tpu.memref_squeeze %dma_start3A_109 : memref<1x128xi32, #tpu.memory_space<vmem>> -> memref<128xi32, #tpu.memory_space<vmem>>
            %dma_start3A_111 = arith.constant 0 : i32
            %dma_start3A_112 = arith.constant 0 : i32
            %dma_start3A_113 = tpu.memref_slice %arg12[%dma_start3A_111, %dma_start3A_112] : memref<10008x128xf32, #tpu.memory_space<vmem_shared>> -> memref<10008x128xf32, #tpu.memory_space<vmem_shared>>
            tpu.enqueue_indirect_dma source(%arg11 : memref<128x128xf32, #tpu.memory_space<vmem>>) target(%dma_start3A_113 : memref<10008x128xf32, #tpu.memory_space<vmem_shared>>) offsets(%dma_start3A_110 : memref<128xi32, #tpu.memory_space<vmem>>) semaphore(%run_scoped3A : memref<!tpu.dma_semaphore, #tpu.memory_space<semaphore_mem>>) {add = true}
            %dma_wait3A_114 = arith.constant 0 : i32
            %dma_wait3A_115 = tpu.memref_slice %arg9[%add3A_107, %dma_wait3A_114] : memref<40x128xi32, #tpu.memory_space<vmem>> -> memref<1x128xi32, #tpu.memory_space<vmem>>
            %dma_wait3A_116 = tpu.memref_squeeze %dma_wait3A_115 : memref<1x128xi32, #tpu.memory_space<vmem>> -> memref<128xi32, #tpu.memory_space<vmem>>
            %dma_wait3A_117 = arith.constant 0 : i32
            %dma_wait3A_118 = arith.constant 0 : i32
            %dma_wait3A_119 = tpu.memref_slice %arg12[%dma_wait3A_117, %dma_wait3A_118] : memref<10008x128xf32, #tpu.memory_space<vmem_shared>> -> memref<10008x128xf32, #tpu.memory_space<vmem_shared>>
            tpu.wait_indirect_dma semaphore(%run_scoped3A : memref<!tpu.dma_semaphore, #tpu.memory_space<semaphore_mem>>) src(%arg11 : memref<128x128xf32, #tpu.memory_space<vmem>>) dst(%dma_wait3A_119 : memref<10008x128xf32, #tpu.memory_space<vmem_shared>>)
            tpu.yield
          }) : () -> ()
        }
        %scan3A_75 = arith.constant 20 : i32
      }
      %scan3A_64 = arith.constant 2 : i32
    } else {
    }
    %barrier3A_33 = arith.constant 0 : index
    tpu.barrier barrier_id(%barrier3A_33)
    %eq3A_34 = arith.constant 0 : i32
    %eq3A_35 = arith.cmpi eq, %arg0, %eq3A_34 : i32
    %convert_element_type3A_36 = arith.extui %eq3A_35 : i1 to i32
    %cond3A_37 = arith.constant 0 : i32
    %cond3A_38 = arith.cmpi ne, %convert_element_type3A_36, %cond3A_37 : i32
    scf.if %cond3A_38 {
      "tpu.region"() ({
        %run_scoped3A = tpu.sem_alloc : memref<!tpu.dma_semaphore, #tpu.memory_space<semaphore_mem>>
        %dma_start3A = arith.constant 0 : i32
        %dma_start3A_60 = tpu.memref_slice %arg6[%mul3A_0, %dma_start3A] : memref<10000x128xf32, #tpu.memory_space<hbm>> -> memref<624x128xf32, #tpu.memory_space<hbm>>
        %dma_start3A_61 = arith.constant 0 : i32
        %dma_start3A_62 = tpu.memref_slice %arg12[%mul3A_0, %dma_start3A_61] : memref<10008x128xf32, #tpu.memory_space<vmem_shared>> -> memref<624x128xf32, #tpu.memory_space<vmem_shared>>
        tpu.enqueue_dma source(%dma_start3A_62 : memref<624x128xf32, #tpu.memory_space<vmem_shared>>) target(%dma_start3A_60 : memref<624x128xf32, #tpu.memory_space<hbm>>) target_semaphore(%run_scoped3A : memref<!tpu.dma_semaphore, #tpu.memory_space<semaphore_mem>>)
        %dma_wait3A = arith.constant 0 : i32
        %dma_wait3A_63 = tpu.memref_slice %arg6[%mul3A_0, %dma_wait3A] : memref<10000x128xf32, #tpu.memory_space<hbm>> -> memref<624x128xf32, #tpu.memory_space<hbm>>
        %dma_wait3A_64 = arith.constant 0 : i32
        %dma_wait3A_65 = tpu.memref_slice %arg12[%mul3A_0, %dma_wait3A_64] : memref<10008x128xf32, #tpu.memory_space<vmem_shared>> -> memref<624x128xf32, #tpu.memory_space<vmem_shared>>
        tpu.wait_dma2 semaphore(%run_scoped3A : memref<!tpu.dma_semaphore, #tpu.memory_space<semaphore_mem>>) src(%dma_wait3A_65 : memref<624x128xf32, #tpu.memory_space<vmem_shared>>) dst(%dma_wait3A_63 : memref<624x128xf32, #tpu.memory_space<hbm>>)
        tpu.yield
      }) : () -> ()
    } else {
    }
    %eq3A_39 = arith.constant 1 : i32
    %eq3A_40 = arith.cmpi eq, %arg0, %eq3A_39 : i32
    %convert_element_type3A_41 = arith.extui %eq3A_40 : i1 to i32
    %cond3A_42 = arith.constant 0 : i32
    %cond3A_43 = arith.cmpi ne, %convert_element_type3A_41, %cond3A_42 : i32
    scf.if %cond3A_43 {
      "tpu.region"() ({
        %run_scoped3A = tpu.sem_alloc : memref<!tpu.dma_semaphore, #tpu.memory_space<semaphore_mem>>
        %dma_start3A = arith.constant 0 : i32
        %dma_start3A_60 = tpu.memref_slice %arg7[%mul3A_0, %dma_start3A] : memref<10000x128xf32, #tpu.memory_space<hbm>> -> memref<624x128xf32, #tpu.memory_space<hbm>>
        %dma_start3A_61 = arith.constant 0 : i32
        %dma_start3A_62 = tpu.memref_slice %arg12[%mul3A_0, %dma_start3A_61] : memref<10008x128xf32, #tpu.memory_space<vmem_shared>> -> memref<624x128xf32, #tpu.memory_space<vmem_shared>>
        tpu.enqueue_dma source(%dma_start3A_62 : memref<624x128xf32, #tpu.memory_space<vmem_shared>>) target(%dma_start3A_60 : memref<624x128xf32, #tpu.memory_space<hbm>>) target_semaphore(%run_scoped3A : memref<!tpu.dma_semaphore, #tpu.memory_space<semaphore_mem>>)
        %dma_wait3A = arith.constant 0 : i32
        %dma_wait3A_63 = tpu.memref_slice %arg7[%mul3A_0, %dma_wait3A] : memref<10000x128xf32, #tpu.memory_space<hbm>> -> memref<624x128xf32, #tpu.memory_space<hbm>>
        %dma_wait3A_64 = arith.constant 0 : i32
        %dma_wait3A_65 = tpu.memref_slice %arg12[%mul3A_0, %dma_wait3A_64] : memref<10008x128xf32, #tpu.memory_space<vmem_shared>> -> memref<624x128xf32, #tpu.memory_space<vmem_shared>>
        tpu.wait_dma2 semaphore(%run_scoped3A : memref<!tpu.dma_semaphore, #tpu.memory_space<semaphore_mem>>) src(%dma_wait3A_65 : memref<624x128xf32, #tpu.memory_space<vmem_shared>>) dst(%dma_wait3A_63 : memref<624x128xf32, #tpu.memory_space<hbm>>)
        tpu.yield
      }) : () -> ()
    } else {
    }
    %eq3A_44 = arith.constant 0 : i32
    %eq3A_45 = arith.cmpi eq, %arg0, %eq3A_44 : i32
    %eq3A_46 = arith.constant 15 : i32
    %eq3A_47 = arith.cmpi eq, %arg1, %eq3A_46 : i32
    %and3A_48 = arith.andi %eq3A_45, %eq3A_47 : i1
    %convert_element_type3A_49 = arith.extui %and3A_48 : i1 to i32
    %cond3A_50 = arith.constant 0 : i32
    %cond3A_51 = arith.cmpi ne, %convert_element_type3A_49, %cond3A_50 : i32
    scf.if %cond3A_51 {
      "tpu.region"() ({
        %run_scoped3A = tpu.sem_alloc : memref<!tpu.dma_semaphore, #tpu.memory_space<semaphore_mem>>
        %dma_start3A = arith.constant 9984 : i32
        %dma_start3A_60 = arith.constant 0 : i32
        %dma_start3A_61 = tpu.memref_slice %arg6[%dma_start3A, %dma_start3A_60] : memref<10000x128xf32, #tpu.memory_space<hbm>> -> memref<16x128xf32, #tpu.memory_space<hbm>>
        %dma_start3A_62 = arith.constant 9984 : i32
        %dma_start3A_63 = arith.constant 0 : i32
        %dma_start3A_64 = tpu.memref_slice %arg12[%dma_start3A_62, %dma_start3A_63] : memref<10008x128xf32, #tpu.memory_space<vmem_shared>> -> memref<16x128xf32, #tpu.memory_space<vmem_shared>>
        tpu.enqueue_dma source(%dma_start3A_64 : memref<16x128xf32, #tpu.memory_space<vmem_shared>>) target(%dma_start3A_61 : memref<16x128xf32, #tpu.memory_space<hbm>>) target_semaphore(%run_scoped3A : memref<!tpu.dma_semaphore, #tpu.memory_space<semaphore_mem>>)
        %dma_wait3A = arith.constant 9984 : i32
        %dma_wait3A_65 = arith.constant 0 : i32
        %dma_wait3A_66 = tpu.memref_slice %arg6[%dma_wait3A, %dma_wait3A_65] : memref<10000x128xf32, #tpu.memory_space<hbm>> -> memref<16x128xf32, #tpu.memory_space<hbm>>
        %dma_wait3A_67 = arith.constant 9984 : i32
        %dma_wait3A_68 = arith.constant 0 : i32
        %dma_wait3A_69 = tpu.memref_slice %arg12[%dma_wait3A_67, %dma_wait3A_68] : memref<10008x128xf32, #tpu.memory_space<vmem_shared>> -> memref<16x128xf32, #tpu.memory_space<vmem_shared>>
        tpu.wait_dma2 semaphore(%run_scoped3A : memref<!tpu.dma_semaphore, #tpu.memory_space<semaphore_mem>>) src(%dma_wait3A_69 : memref<16x128xf32, #tpu.memory_space<vmem_shared>>) dst(%dma_wait3A_66 : memref<16x128xf32, #tpu.memory_space<hbm>>)
        tpu.yield
      }) : () -> ()
    } else {
    }
    %eq3A_52 = arith.constant 1 : i32
    %eq3A_53 = arith.cmpi eq, %arg0, %eq3A_52 : i32
    %eq3A_54 = arith.constant 15 : i32
    %eq3A_55 = arith.cmpi eq, %arg1, %eq3A_54 : i32
    %and3A_56 = arith.andi %eq3A_53, %eq3A_55 : i1
    %convert_element_type3A_57 = arith.extui %and3A_56 : i1 to i32
    %cond3A_58 = arith.constant 0 : i32
    %cond3A_59 = arith.cmpi ne, %convert_element_type3A_57, %cond3A_58 : i32
    scf.if %cond3A_59 {
      "tpu.region"() ({
        %run_scoped3A = tpu.sem_alloc : memref<!tpu.dma_semaphore, #tpu.memory_space<semaphore_mem>>
        %dma_start3A = arith.constant 9984 : i32
        %dma_start3A_60 = arith.constant 0 : i32
        %dma_start3A_61 = tpu.memref_slice %arg7[%dma_start3A, %dma_start3A_60] : memref<10000x128xf32, #tpu.memory_space<hbm>> -> memref<16x128xf32, #tpu.memory_space<hbm>>
        %dma_start3A_62 = arith.constant 9984 : i32
        %dma_start3A_63 = arith.constant 0 : i32
        %dma_start3A_64 = tpu.memref_slice %arg12[%dma_start3A_62, %dma_start3A_63] : memref<10008x128xf32, #tpu.memory_space<vmem_shared>> -> memref<16x128xf32, #tpu.memory_space<vmem_shared>>
        tpu.enqueue_dma source(%dma_start3A_64 : memref<16x128xf32, #tpu.memory_space<vmem_shared>>) target(%dma_start3A_61 : memref<16x128xf32, #tpu.memory_space<hbm>>) target_semaphore(%run_scoped3A : memref<!tpu.dma_semaphore, #tpu.memory_space<semaphore_mem>>)
        %dma_wait3A = arith.constant 9984 : i32
        %dma_wait3A_65 = arith.constant 0 : i32
        %dma_wait3A_66 = tpu.memref_slice %arg7[%dma_wait3A, %dma_wait3A_65] : memref<10000x128xf32, #tpu.memory_space<hbm>> -> memref<16x128xf32, #tpu.memory_space<hbm>>
        %dma_wait3A_67 = arith.constant 9984 : i32
        %dma_wait3A_68 = arith.constant 0 : i32
        %dma_wait3A_69 = tpu.memref_slice %arg12[%dma_wait3A_67, %dma_wait3A_68] : memref<10008x128xf32, #tpu.memory_space<vmem_shared>> -> memref<16x128xf32, #tpu.memory_space<vmem_shared>>
        tpu.wait_dma2 semaphore(%run_scoped3A : memref<!tpu.dma_semaphore, #tpu.memory_space<semaphore_mem>>) src(%dma_wait3A_69 : memref<16x128xf32, #tpu.memory_space<vmem_shared>>) dst(%dma_wait3A_66 : memref<16x128xf32, #tpu.memory_space<hbm>>)
        tpu.yield
      }) : () -> ()
    } else {
    }
    return
  }
}

#map = affine_map<(d0, d1) -> (0, 0)>
#map1 = affine_map<(d0, d1) -> (0, 0, 0)>
module attributes {stable_mosaic.version = 14 : i64} {
  func.func @_aggr_body(%arg0: i32, %arg1: i32, %arg2: memref<10000x128xf32, #tpu.memory_space<hbm>>, %arg3: memref<10000x128xf32, #tpu.memory_space<hbm>>, %arg4: memref<16x80x128xi32, #tpu.memory_space<hbm>>, %arg5: memref<16x80x128xi32, #tpu.memory_space<hbm>>, %arg6: memref<10000x128xf32, #tpu.memory_space<hbm>>, %arg7: memref<10000x128xf32, #tpu.memory_space<hbm>>, %arg8: memref<40x128xi32, #tpu.memory_space<vmem>>, %arg9: memref<40x128xi32, #tpu.memory_space<vmem>>, %arg10: memref<128x128xf32, #tpu.memory_space<vmem>>, %arg11: memref<128x128xf32, #tpu.memory_space<vmem>>, %arg12: memref<10008x128xf32, #tpu.memory_space<vmem_shared>>, %arg13: memref<!tpu.dma_semaphore, #tpu.memory_space<semaphore_mem>>, %arg14: memref<!tpu.dma_semaphore, #tpu.memory_space<semaphore_mem>>) attributes {dimension_semantics = [#tpu.dimension_semantics<core_parallel>, #tpu.dimension_semantics<subcore_parallel>], iteration_bounds = array<i64: 2, 16>, scalar_prefetch = 0 : i64, scratch_operands = 7 : i64, tpu.core_type = #tpu.core_type<sc_vector_subcore>, window_params = [{transform_indices = #map}, {transform_indices = #map}, {transform_indices = #map1}, {transform_indices = #map1}, {transform_indices = #map}, {transform_indices = #map}]} {
    %mul3A = arith.constant 624 : i32
    %mul3A_0 = arith.muli %arg1, %mul3A : i32
    %eq3A = arith.constant 0 : i32
    %eq3A_1 = arith.cmpi eq, %arg0, %eq3A : i32
    %convert_element_type3A = arith.extui %eq3A_1 : i1 to i32
    %cond3A = arith.constant 0 : i32
    %cond3A_2 = arith.cmpi ne, %convert_element_type3A, %cond3A : i32
    scf.if %cond3A_2 {
      "tpu.region"() ({
        %run_scoped3A = tpu.sem_alloc : memref<!tpu.dma_semaphore, #tpu.memory_space<semaphore_mem>>
        %dma_start3A = arith.constant 0 : i32
        %dma_start3A_60 = tpu.memref_slice %arg12[%mul3A_0, %dma_start3A] : memref<10008x128xf32, #tpu.memory_space<vmem_shared>> -> memref<624x128xf32, #tpu.memory_space<vmem_shared>>
        %dma_start3A_61 = arith.constant 0 : i32
        %dma_start3A_62 = tpu.memref_slice %arg2[%mul3A_0, %dma_start3A_61] : memref<10000x128xf32, #tpu.memory_space<hbm>> -> memref<624x128xf32, #tpu.memory_space<hbm>>
        tpu.enqueue_dma source(%dma_start3A_62 : memref<624x128xf32, #tpu.memory_space<hbm>>) target(%dma_start3A_60 : memref<624x128xf32, #tpu.memory_space<vmem_shared>>) target_semaphore(%run_scoped3A : memref<!tpu.dma_semaphore, #tpu.memory_space<semaphore_mem>>)
        %dma_wait3A = arith.constant 0 : i32
        %dma_wait3A_63 = tpu.memref_slice %arg12[%mul3A_0, %dma_wait3A] : memref<10008x128xf32, #tpu.memory_space<vmem_shared>> -> memref<624x128xf32, #tpu.memory_space<vmem_shared>>
        %dma_wait3A_64 = arith.constant 0 : i32
        %dma_wait3A_65 = tpu.memref_slice %arg2[%mul3A_0, %dma_wait3A_64] : memref<10000x128xf32, #tpu.memory_space<hbm>> -> memref<624x128xf32, #tpu.memory_space<hbm>>
        tpu.wait_dma2 semaphore(%run_scoped3A : memref<!tpu.dma_semaphore, #tpu.memory_space<semaphore_mem>>) src(%dma_wait3A_65 : memref<624x128xf32, #tpu.memory_space<hbm>>) dst(%dma_wait3A_63 : memref<624x128xf32, #tpu.memory_space<vmem_shared>>)
        tpu.yield
      }) : () -> ()
    } else {
    }
    %eq3A_3 = arith.constant 1 : i32
    %eq3A_4 = arith.cmpi eq, %arg0, %eq3A_3 : i32
    %convert_element_type3A_5 = arith.extui %eq3A_4 : i1 to i32
    %cond3A_6 = arith.constant 0 : i32
    %cond3A_7 = arith.cmpi ne, %convert_element_type3A_5, %cond3A_6 : i32
    scf.if %cond3A_7 {
      "tpu.region"() ({
        %run_scoped3A = tpu.sem_alloc : memref<!tpu.dma_semaphore, #tpu.memory_space<semaphore_mem>>
        %dma_start3A = arith.constant 0 : i32
        %dma_start3A_60 = tpu.memref_slice %arg12[%mul3A_0, %dma_start3A] : memref<10008x128xf32, #tpu.memory_space<vmem_shared>> -> memref<624x128xf32, #tpu.memory_space<vmem_shared>>
        %dma_start3A_61 = arith.constant 0 : i32
        %dma_start3A_62 = tpu.memref_slice %arg3[%mul3A_0, %dma_start3A_61] : memref<10000x128xf32, #tpu.memory_space<hbm>> -> memref<624x128xf32, #tpu.memory_space<hbm>>
        tpu.enqueue_dma source(%dma_start3A_62 : memref<624x128xf32, #tpu.memory_space<hbm>>) target(%dma_start3A_60 : memref<624x128xf32, #tpu.memory_space<vmem_shared>>) target_semaphore(%run_scoped3A : memref<!tpu.dma_semaphore, #tpu.memory_space<semaphore_mem>>)
        %dma_wait3A = arith.constant 0 : i32
        %dma_wait3A_63 = tpu.memref_slice %arg12[%mul3A_0, %dma_wait3A] : memref<10008x128xf32, #tpu.memory_space<vmem_shared>> -> memref<624x128xf32, #tpu.memory_space<vmem_shared>>
        %dma_wait3A_64 = arith.constant 0 : i32
        %dma_wait3A_65 = tpu.memref_slice %arg3[%mul3A_0, %dma_wait3A_64] : memref<10000x128xf32, #tpu.memory_space<hbm>> -> memref<624x128xf32, #tpu.memory_space<hbm>>
        tpu.wait_dma2 semaphore(%run_scoped3A : memref<!tpu.dma_semaphore, #tpu.memory_space<semaphore_mem>>) src(%dma_wait3A_65 : memref<624x128xf32, #tpu.memory_space<hbm>>) dst(%dma_wait3A_63 : memref<624x128xf32, #tpu.memory_space<vmem_shared>>)
        tpu.yield
      }) : () -> ()
    } else {
    }
    %eq3A_8 = arith.constant 0 : i32
    %eq3A_9 = arith.cmpi eq, %arg0, %eq3A_8 : i32
    %eq3A_10 = arith.constant 15 : i32
    %eq3A_11 = arith.cmpi eq, %arg1, %eq3A_10 : i32
    %and3A = arith.andi %eq3A_9, %eq3A_11 : i1
    %convert_element_type3A_12 = arith.extui %and3A : i1 to i32
    %cond3A_13 = arith.constant 0 : i32
    %cond3A_14 = arith.cmpi ne, %convert_element_type3A_12, %cond3A_13 : i32
    scf.if %cond3A_14 {
      "tpu.region"() ({
        %run_scoped3A = tpu.sem_alloc : memref<!tpu.dma_semaphore, #tpu.memory_space<semaphore_mem>>
        %dma_start3A = arith.constant 9984 : i32
        %dma_start3A_60 = arith.constant 0 : i32
        %dma_start3A_61 = tpu.memref_slice %arg12[%dma_start3A, %dma_start3A_60] : memref<10008x128xf32, #tpu.memory_space<vmem_shared>> -> memref<16x128xf32, #tpu.memory_space<vmem_shared>>
        %dma_start3A_62 = arith.constant 9984 : i32
        %dma_start3A_63 = arith.constant 0 : i32
        %dma_start3A_64 = tpu.memref_slice %arg2[%dma_start3A_62, %dma_start3A_63] : memref<10000x128xf32, #tpu.memory_space<hbm>> -> memref<16x128xf32, #tpu.memory_space<hbm>>
        tpu.enqueue_dma source(%dma_start3A_64 : memref<16x128xf32, #tpu.memory_space<hbm>>) target(%dma_start3A_61 : memref<16x128xf32, #tpu.memory_space<vmem_shared>>) target_semaphore(%run_scoped3A : memref<!tpu.dma_semaphore, #tpu.memory_space<semaphore_mem>>)
        %dma_wait3A = arith.constant 9984 : i32
        %dma_wait3A_65 = arith.constant 0 : i32
        %dma_wait3A_66 = tpu.memref_slice %arg12[%dma_wait3A, %dma_wait3A_65] : memref<10008x128xf32, #tpu.memory_space<vmem_shared>> -> memref<16x128xf32, #tpu.memory_space<vmem_shared>>
        %dma_wait3A_67 = arith.constant 9984 : i32
        %dma_wait3A_68 = arith.constant 0 : i32
        %dma_wait3A_69 = tpu.memref_slice %arg2[%dma_wait3A_67, %dma_wait3A_68] : memref<10000x128xf32, #tpu.memory_space<hbm>> -> memref<16x128xf32, #tpu.memory_space<hbm>>
        tpu.wait_dma2 semaphore(%run_scoped3A : memref<!tpu.dma_semaphore, #tpu.memory_space<semaphore_mem>>) src(%dma_wait3A_69 : memref<16x128xf32, #tpu.memory_space<hbm>>) dst(%dma_wait3A_66 : memref<16x128xf32, #tpu.memory_space<vmem_shared>>)
        tpu.yield
      }) : () -> ()
    } else {
    }
    %eq3A_15 = arith.constant 1 : i32
    %eq3A_16 = arith.cmpi eq, %arg0, %eq3A_15 : i32
    %eq3A_17 = arith.constant 15 : i32
    %eq3A_18 = arith.cmpi eq, %arg1, %eq3A_17 : i32
    %and3A_19 = arith.andi %eq3A_16, %eq3A_18 : i1
    %convert_element_type3A_20 = arith.extui %and3A_19 : i1 to i32
    %cond3A_21 = arith.constant 0 : i32
    %cond3A_22 = arith.cmpi ne, %convert_element_type3A_20, %cond3A_21 : i32
    scf.if %cond3A_22 {
      "tpu.region"() ({
        %run_scoped3A = tpu.sem_alloc : memref<!tpu.dma_semaphore, #tpu.memory_space<semaphore_mem>>
        %dma_start3A = arith.constant 9984 : i32
        %dma_start3A_60 = arith.constant 0 : i32
        %dma_start3A_61 = tpu.memref_slice %arg12[%dma_start3A, %dma_start3A_60] : memref<10008x128xf32, #tpu.memory_space<vmem_shared>> -> memref<16x128xf32, #tpu.memory_space<vmem_shared>>
        %dma_start3A_62 = arith.constant 9984 : i32
        %dma_start3A_63 = arith.constant 0 : i32
        %dma_start3A_64 = tpu.memref_slice %arg3[%dma_start3A_62, %dma_start3A_63] : memref<10000x128xf32, #tpu.memory_space<hbm>> -> memref<16x128xf32, #tpu.memory_space<hbm>>
        tpu.enqueue_dma source(%dma_start3A_64 : memref<16x128xf32, #tpu.memory_space<hbm>>) target(%dma_start3A_61 : memref<16x128xf32, #tpu.memory_space<vmem_shared>>) target_semaphore(%run_scoped3A : memref<!tpu.dma_semaphore, #tpu.memory_space<semaphore_mem>>)
        %dma_wait3A = arith.constant 9984 : i32
        %dma_wait3A_65 = arith.constant 0 : i32
        %dma_wait3A_66 = tpu.memref_slice %arg12[%dma_wait3A, %dma_wait3A_65] : memref<10008x128xf32, #tpu.memory_space<vmem_shared>> -> memref<16x128xf32, #tpu.memory_space<vmem_shared>>
        %dma_wait3A_67 = arith.constant 9984 : i32
        %dma_wait3A_68 = arith.constant 0 : i32
        %dma_wait3A_69 = tpu.memref_slice %arg3[%dma_wait3A_67, %dma_wait3A_68] : memref<10000x128xf32, #tpu.memory_space<hbm>> -> memref<16x128xf32, #tpu.memory_space<hbm>>
        tpu.wait_dma2 semaphore(%run_scoped3A : memref<!tpu.dma_semaphore, #tpu.memory_space<semaphore_mem>>) src(%dma_wait3A_69 : memref<16x128xf32, #tpu.memory_space<hbm>>) dst(%dma_wait3A_66 : memref<16x128xf32, #tpu.memory_space<vmem_shared>>)
        tpu.yield
      }) : () -> ()
    } else {
    }
    %barrier3A = arith.constant 0 : index
    tpu.barrier barrier_id(%barrier3A)
    %eq3A_23 = arith.constant 0 : i32
    %eq3A_24 = arith.cmpi eq, %arg0, %eq3A_23 : i32
    %convert_element_type3A_25 = arith.extui %eq3A_24 : i1 to i32
    %cond3A_26 = arith.constant 0 : i32
    %cond3A_27 = arith.cmpi ne, %convert_element_type3A_25, %cond3A_26 : i32
    scf.if %cond3A_27 {
      %scan3A = arith.constant 0 : i32
      %scan3A_60 = arith.constant 0 : i32
      %scan3A_61 = arith.constant 2 : i32
      %scan3A_62 = arith.addi %scan3A_60, %scan3A_61 : i32
      %scan3A_63 = arith.constant 1 : i32
      scf.for %scan3A_65 = %scan3A_60 to %scan3A_62 step %scan3A_63  : i32 {
        %mul3A_66 = arith.constant 40 : i32
        %mul3A_67 = arith.muli %scan3A_65, %mul3A_66 : i32
        "tpu.region"() ({
          %run_scoped3A = tpu.sem_alloc : memref<!tpu.dma_semaphore, #tpu.memory_space<semaphore_mem>>
          %dma_start3A = arith.constant 0 : i32
          %dma_start3A_76 = tpu.memref_slice %arg4[%arg1, %mul3A_67, %dma_start3A] : memref<16x80x128xi32, #tpu.memory_space<hbm>> -> memref<1x40x128xi32, #tpu.memory_space<hbm>>
          %dma_start3A_77 = tpu.memref_squeeze %dma_start3A_76 : memref<1x40x128xi32, #tpu.memory_space<hbm>> -> memref<40x128xi32, #tpu.memory_space<hbm>>
          %dma_start3A_78 = arith.constant 0 : i32
          %dma_start3A_79 = tpu.memref_slice %arg4[%arg1, %mul3A_67, %dma_start3A_78] : memref<16x80x128xi32, #tpu.memory_space<hbm>> -> memref<1x40x128xi32, #tpu.memory_space<hbm>>
          %dma_start3A_80 = tpu.memref_squeeze %dma_start3A_79 : memref<1x40x128xi32, #tpu.memory_space<hbm>> -> memref<40x128xi32, #tpu.memory_space<hbm>>
          tpu.enqueue_dma source(%dma_start3A_80 : memref<40x128xi32, #tpu.memory_space<hbm>>) target(%arg8 : memref<40x128xi32, #tpu.memory_space<vmem>>) target_semaphore(%run_scoped3A : memref<!tpu.dma_semaphore, #tpu.memory_space<semaphore_mem>>)
          %dma_wait3A = arith.constant 0 : i32
          %dma_wait3A_81 = tpu.memref_slice %arg4[%arg1, %mul3A_67, %dma_wait3A] : memref<16x80x128xi32, #tpu.memory_space<hbm>> -> memref<1x40x128xi32, #tpu.memory_space<hbm>>
          %dma_wait3A_82 = tpu.memref_squeeze %dma_wait3A_81 : memref<1x40x128xi32, #tpu.memory_space<hbm>> -> memref<40x128xi32, #tpu.memory_space<hbm>>
          %dma_wait3A_83 = arith.constant 0 : i32
          %dma_wait3A_84 = tpu.memref_slice %arg4[%arg1, %mul3A_67, %dma_wait3A_83] : memref<16x80x128xi32, #tpu.memory_space<hbm>> -> memref<1x40x128xi32, #tpu.memory_space<hbm>>
          %dma_wait3A_85 = tpu.memref_squeeze %dma_wait3A_84 : memref<1x40x128xi32, #tpu.memory_space<hbm>> -> memref<40x128xi32, #tpu.memory_space<hbm>>
          tpu.wait_dma2 semaphore(%run_scoped3A : memref<!tpu.dma_semaphore, #tpu.memory_space<semaphore_mem>>) src(%dma_wait3A_85 : memref<40x128xi32, #tpu.memory_space<hbm>>) dst(%arg8 : memref<40x128xi32, #tpu.memory_space<vmem>>)
          tpu.yield
        }) : () -> ()
        %mul3A_68 = arith.constant 40 : i32
        %mul3A_69 = arith.muli %scan3A_65, %mul3A_68 : i32
        "tpu.region"() ({
          %run_scoped3A = tpu.sem_alloc : memref<!tpu.dma_semaphore, #tpu.memory_space<semaphore_mem>>
          %dma_start3A = arith.constant 0 : i32
          %dma_start3A_76 = tpu.memref_slice %arg5[%arg1, %mul3A_69, %dma_start3A] : memref<16x80x128xi32, #tpu.memory_space<hbm>> -> memref<1x40x128xi32, #tpu.memory_space<hbm>>
          %dma_start3A_77 = tpu.memref_squeeze %dma_start3A_76 : memref<1x40x128xi32, #tpu.memory_space<hbm>> -> memref<40x128xi32, #tpu.memory_space<hbm>>
          %dma_start3A_78 = arith.constant 0 : i32
          %dma_start3A_79 = tpu.memref_slice %arg5[%arg1, %mul3A_69, %dma_start3A_78] : memref<16x80x128xi32, #tpu.memory_space<hbm>> -> memref<1x40x128xi32, #tpu.memory_space<hbm>>
          %dma_start3A_80 = tpu.memref_squeeze %dma_start3A_79 : memref<1x40x128xi32, #tpu.memory_space<hbm>> -> memref<40x128xi32, #tpu.memory_space<hbm>>
          tpu.enqueue_dma source(%dma_start3A_80 : memref<40x128xi32, #tpu.memory_space<hbm>>) target(%arg9 : memref<40x128xi32, #tpu.memory_space<vmem>>) target_semaphore(%run_scoped3A : memref<!tpu.dma_semaphore, #tpu.memory_space<semaphore_mem>>)
          %dma_wait3A = arith.constant 0 : i32
          %dma_wait3A_81 = tpu.memref_slice %arg5[%arg1, %mul3A_69, %dma_wait3A] : memref<16x80x128xi32, #tpu.memory_space<hbm>> -> memref<1x40x128xi32, #tpu.memory_space<hbm>>
          %dma_wait3A_82 = tpu.memref_squeeze %dma_wait3A_81 : memref<1x40x128xi32, #tpu.memory_space<hbm>> -> memref<40x128xi32, #tpu.memory_space<hbm>>
          %dma_wait3A_83 = arith.constant 0 : i32
          %dma_wait3A_84 = tpu.memref_slice %arg5[%arg1, %mul3A_69, %dma_wait3A_83] : memref<16x80x128xi32, #tpu.memory_space<hbm>> -> memref<1x40x128xi32, #tpu.memory_space<hbm>>
          %dma_wait3A_85 = tpu.memref_squeeze %dma_wait3A_84 : memref<1x40x128xi32, #tpu.memory_space<hbm>> -> memref<40x128xi32, #tpu.memory_space<hbm>>
          tpu.wait_dma2 semaphore(%run_scoped3A : memref<!tpu.dma_semaphore, #tpu.memory_space<semaphore_mem>>) src(%dma_wait3A_85 : memref<40x128xi32, #tpu.memory_space<hbm>>) dst(%arg9 : memref<40x128xi32, #tpu.memory_space<vmem>>)
          tpu.yield
        }) : () -> ()
        %scan3A_70 = arith.constant 0 : i32
        %scan3A_71 = arith.constant 0 : i32
        %scan3A_72 = arith.constant 20 : i32
        %scan3A_73 = arith.addi %scan3A_71, %scan3A_72 : i32
        %scan3A_74 = arith.constant 1 : i32
        scf.for %scan3A_76 = %scan3A_71 to %scan3A_73 step %scan3A_74  : i32 {
          %mul3A_77 = arith.constant 2 : i32
          %mul3A_78 = arith.muli %scan3A_76, %mul3A_77 : i32
          %add3A = arith.constant 0 : i32
          %add3A_79 = arith.addi %mul3A_78, %add3A : i32
          %dma_start3A = arith.constant 0 : i32
          %dma_start3A_80 = tpu.memref_slice %arg8[%add3A_79, %dma_start3A] : memref<40x128xi32, #tpu.memory_space<vmem>> -> memref<1x128xi32, #tpu.memory_space<vmem>>
          %dma_start3A_81 = tpu.memref_squeeze %dma_start3A_80 : memref<1x128xi32, #tpu.memory_space<vmem>> -> memref<128xi32, #tpu.memory_space<vmem>>
          %dma_start3A_82 = arith.constant 0 : i32
          %dma_start3A_83 = arith.constant 0 : i32
          %dma_start3A_84 = tpu.memref_slice %arg2[%dma_start3A_82, %dma_start3A_83] : memref<10000x128xf32, #tpu.memory_space<hbm>> -> memref<10000x128xf32, #tpu.memory_space<hbm>>
          tpu.enqueue_indirect_dma source(%dma_start3A_84 : memref<10000x128xf32, #tpu.memory_space<hbm>>) target(%arg10 : memref<128x128xf32, #tpu.memory_space<vmem>>) offsets(%dma_start3A_81 : memref<128xi32, #tpu.memory_space<vmem>>) semaphore(%arg13 : memref<!tpu.dma_semaphore, #tpu.memory_space<semaphore_mem>>)
          %add3A_85 = arith.constant 1 : i32
          %add3A_86 = arith.addi %mul3A_78, %add3A_85 : i32
          %dma_start3A_87 = arith.constant 0 : i32
          %dma_start3A_88 = tpu.memref_slice %arg8[%add3A_86, %dma_start3A_87] : memref<40x128xi32, #tpu.memory_space<vmem>> -> memref<1x128xi32, #tpu.memory_space<vmem>>
          %dma_start3A_89 = tpu.memref_squeeze %dma_start3A_88 : memref<1x128xi32, #tpu.memory_space<vmem>> -> memref<128xi32, #tpu.memory_space<vmem>>
          %dma_start3A_90 = arith.constant 0 : i32
          %dma_start3A_91 = arith.constant 0 : i32
          %dma_start3A_92 = tpu.memref_slice %arg2[%dma_start3A_90, %dma_start3A_91] : memref<10000x128xf32, #tpu.memory_space<hbm>> -> memref<10000x128xf32, #tpu.memory_space<hbm>>
          tpu.enqueue_indirect_dma source(%dma_start3A_92 : memref<10000x128xf32, #tpu.memory_space<hbm>>) target(%arg11 : memref<128x128xf32, #tpu.memory_space<vmem>>) offsets(%dma_start3A_89 : memref<128xi32, #tpu.memory_space<vmem>>) semaphore(%arg14 : memref<!tpu.dma_semaphore, #tpu.memory_space<semaphore_mem>>)
          %dma_wait3A = arith.constant 0 : i32
          %dma_wait3A_93 = tpu.memref_slice %arg8[%add3A_79, %dma_wait3A] : memref<40x128xi32, #tpu.memory_space<vmem>> -> memref<1x128xi32, #tpu.memory_space<vmem>>
          %dma_wait3A_94 = tpu.memref_squeeze %dma_wait3A_93 : memref<1x128xi32, #tpu.memory_space<vmem>> -> memref<128xi32, #tpu.memory_space<vmem>>
          %dma_wait3A_95 = arith.constant 0 : i32
          %dma_wait3A_96 = arith.constant 0 : i32
          %dma_wait3A_97 = tpu.memref_slice %arg2[%dma_wait3A_95, %dma_wait3A_96] : memref<10000x128xf32, #tpu.memory_space<hbm>> -> memref<10000x128xf32, #tpu.memory_space<hbm>>
          tpu.wait_indirect_dma semaphore(%arg13 : memref<!tpu.dma_semaphore, #tpu.memory_space<semaphore_mem>>) src(%dma_wait3A_97 : memref<10000x128xf32, #tpu.memory_space<hbm>>) dst(%arg10 : memref<128x128xf32, #tpu.memory_space<vmem>>)
          %add3A_98 = arith.constant 0 : i32
          %add3A_99 = arith.addi %mul3A_78, %add3A_98 : i32
          "tpu.region"() ({
            %run_scoped3A = tpu.sem_alloc : memref<!tpu.dma_semaphore, #tpu.memory_space<semaphore_mem>>
            %dma_start3A_108 = arith.constant 0 : i32
            %dma_start3A_109 = tpu.memref_slice %arg9[%add3A_99, %dma_start3A_108] : memref<40x128xi32, #tpu.memory_space<vmem>> -> memref<1x128xi32, #tpu.memory_space<vmem>>
            %dma_start3A_110 = tpu.memref_squeeze %dma_start3A_109 : memref<1x128xi32, #tpu.memory_space<vmem>> -> memref<128xi32, #tpu.memory_space<vmem>>
            %dma_start3A_111 = arith.constant 0 : i32
            %dma_start3A_112 = arith.constant 0 : i32
            %dma_start3A_113 = tpu.memref_slice %arg12[%dma_start3A_111, %dma_start3A_112] : memref<10008x128xf32, #tpu.memory_space<vmem_shared>> -> memref<10008x128xf32, #tpu.memory_space<vmem_shared>>
            tpu.enqueue_indirect_dma source(%arg10 : memref<128x128xf32, #tpu.memory_space<vmem>>) target(%dma_start3A_113 : memref<10008x128xf32, #tpu.memory_space<vmem_shared>>) offsets(%dma_start3A_110 : memref<128xi32, #tpu.memory_space<vmem>>) semaphore(%run_scoped3A : memref<!tpu.dma_semaphore, #tpu.memory_space<semaphore_mem>>) {add = true}
            %dma_wait3A_114 = arith.constant 0 : i32
            %dma_wait3A_115 = tpu.memref_slice %arg9[%add3A_99, %dma_wait3A_114] : memref<40x128xi32, #tpu.memory_space<vmem>> -> memref<1x128xi32, #tpu.memory_space<vmem>>
            %dma_wait3A_116 = tpu.memref_squeeze %dma_wait3A_115 : memref<1x128xi32, #tpu.memory_space<vmem>> -> memref<128xi32, #tpu.memory_space<vmem>>
            %dma_wait3A_117 = arith.constant 0 : i32
            %dma_wait3A_118 = arith.constant 0 : i32
            %dma_wait3A_119 = tpu.memref_slice %arg12[%dma_wait3A_117, %dma_wait3A_118] : memref<10008x128xf32, #tpu.memory_space<vmem_shared>> -> memref<10008x128xf32, #tpu.memory_space<vmem_shared>>
            tpu.wait_indirect_dma semaphore(%run_scoped3A : memref<!tpu.dma_semaphore, #tpu.memory_space<semaphore_mem>>) src(%arg10 : memref<128x128xf32, #tpu.memory_space<vmem>>) dst(%dma_wait3A_119 : memref<10008x128xf32, #tpu.memory_space<vmem_shared>>)
            tpu.yield
          }) : () -> ()
          %dma_wait3A_100 = arith.constant 0 : i32
          %dma_wait3A_101 = tpu.memref_slice %arg8[%add3A_86, %dma_wait3A_100] : memref<40x128xi32, #tpu.memory_space<vmem>> -> memref<1x128xi32, #tpu.memory_space<vmem>>
          %dma_wait3A_102 = tpu.memref_squeeze %dma_wait3A_101 : memref<1x128xi32, #tpu.memory_space<vmem>> -> memref<128xi32, #tpu.memory_space<vmem>>
          %dma_wait3A_103 = arith.constant 0 : i32
          %dma_wait3A_104 = arith.constant 0 : i32
          %dma_wait3A_105 = tpu.memref_slice %arg2[%dma_wait3A_103, %dma_wait3A_104] : memref<10000x128xf32, #tpu.memory_space<hbm>> -> memref<10000x128xf32, #tpu.memory_space<hbm>>
          tpu.wait_indirect_dma semaphore(%arg14 : memref<!tpu.dma_semaphore, #tpu.memory_space<semaphore_mem>>) src(%dma_wait3A_105 : memref<10000x128xf32, #tpu.memory_space<hbm>>) dst(%arg11 : memref<128x128xf32, #tpu.memory_space<vmem>>)
          %add3A_106 = arith.constant 1 : i32
          %add3A_107 = arith.addi %mul3A_78, %add3A_106 : i32
          "tpu.region"() ({
            %run_scoped3A = tpu.sem_alloc : memref<!tpu.dma_semaphore, #tpu.memory_space<semaphore_mem>>
            %dma_start3A_108 = arith.constant 0 : i32
            %dma_start3A_109 = tpu.memref_slice %arg9[%add3A_107, %dma_start3A_108] : memref<40x128xi32, #tpu.memory_space<vmem>> -> memref<1x128xi32, #tpu.memory_space<vmem>>
            %dma_start3A_110 = tpu.memref_squeeze %dma_start3A_109 : memref<1x128xi32, #tpu.memory_space<vmem>> -> memref<128xi32, #tpu.memory_space<vmem>>
            %dma_start3A_111 = arith.constant 0 : i32
            %dma_start3A_112 = arith.constant 0 : i32
            %dma_start3A_113 = tpu.memref_slice %arg12[%dma_start3A_111, %dma_start3A_112] : memref<10008x128xf32, #tpu.memory_space<vmem_shared>> -> memref<10008x128xf32, #tpu.memory_space<vmem_shared>>
            tpu.enqueue_indirect_dma source(%arg11 : memref<128x128xf32, #tpu.memory_space<vmem>>) target(%dma_start3A_113 : memref<10008x128xf32, #tpu.memory_space<vmem_shared>>) offsets(%dma_start3A_110 : memref<128xi32, #tpu.memory_space<vmem>>) semaphore(%run_scoped3A : memref<!tpu.dma_semaphore, #tpu.memory_space<semaphore_mem>>) {add = true}
            %dma_wait3A_114 = arith.constant 0 : i32
            %dma_wait3A_115 = tpu.memref_slice %arg9[%add3A_107, %dma_wait3A_114] : memref<40x128xi32, #tpu.memory_space<vmem>> -> memref<1x128xi32, #tpu.memory_space<vmem>>
            %dma_wait3A_116 = tpu.memref_squeeze %dma_wait3A_115 : memref<1x128xi32, #tpu.memory_space<vmem>> -> memref<128xi32, #tpu.memory_space<vmem>>
            %dma_wait3A_117 = arith.constant 0 : i32
            %dma_wait3A_118 = arith.constant 0 : i32
            %dma_wait3A_119 = tpu.memref_slice %arg12[%dma_wait3A_117, %dma_wait3A_118] : memref<10008x128xf32, #tpu.memory_space<vmem_shared>> -> memref<10008x128xf32, #tpu.memory_space<vmem_shared>>
            tpu.wait_indirect_dma semaphore(%run_scoped3A : memref<!tpu.dma_semaphore, #tpu.memory_space<semaphore_mem>>) src(%arg11 : memref<128x128xf32, #tpu.memory_space<vmem>>) dst(%dma_wait3A_119 : memref<10008x128xf32, #tpu.memory_space<vmem_shared>>)
            tpu.yield
          }) : () -> ()
        }
        %scan3A_75 = arith.constant 20 : i32
      }
      %scan3A_64 = arith.constant 2 : i32
    } else {
    }
    %eq3A_28 = arith.constant 1 : i32
    %eq3A_29 = arith.cmpi eq, %arg0, %eq3A_28 : i32
    %convert_element_type3A_30 = arith.extui %eq3A_29 : i1 to i32
    %cond3A_31 = arith.constant 0 : i32
    %cond3A_32 = arith.cmpi ne, %convert_element_type3A_30, %cond3A_31 : i32
    scf.if %cond3A_32 {
      %scan3A = arith.constant 0 : i32
      %scan3A_60 = arith.constant 0 : i32
      %scan3A_61 = arith.constant 2 : i32
      %scan3A_62 = arith.addi %scan3A_60, %scan3A_61 : i32
      %scan3A_63 = arith.constant 1 : i32
      scf.for %scan3A_65 = %scan3A_60 to %scan3A_62 step %scan3A_63  : i32 {
        %mul3A_66 = arith.constant 40 : i32
        %mul3A_67 = arith.muli %scan3A_65, %mul3A_66 : i32
        "tpu.region"() ({
          %run_scoped3A = tpu.sem_alloc : memref<!tpu.dma_semaphore, #tpu.memory_space<semaphore_mem>>
          %dma_start3A = arith.constant 0 : i32
          %dma_start3A_76 = tpu.memref_slice %arg4[%arg1, %mul3A_67, %dma_start3A] : memref<16x80x128xi32, #tpu.memory_space<hbm>> -> memref<1x40x128xi32, #tpu.memory_space<hbm>>
          %dma_start3A_77 = tpu.memref_squeeze %dma_start3A_76 : memref<1x40x128xi32, #tpu.memory_space<hbm>> -> memref<40x128xi32, #tpu.memory_space<hbm>>
          %dma_start3A_78 = arith.constant 0 : i32
          %dma_start3A_79 = tpu.memref_slice %arg4[%arg1, %mul3A_67, %dma_start3A_78] : memref<16x80x128xi32, #tpu.memory_space<hbm>> -> memref<1x40x128xi32, #tpu.memory_space<hbm>>
          %dma_start3A_80 = tpu.memref_squeeze %dma_start3A_79 : memref<1x40x128xi32, #tpu.memory_space<hbm>> -> memref<40x128xi32, #tpu.memory_space<hbm>>
          tpu.enqueue_dma source(%dma_start3A_80 : memref<40x128xi32, #tpu.memory_space<hbm>>) target(%arg8 : memref<40x128xi32, #tpu.memory_space<vmem>>) target_semaphore(%run_scoped3A : memref<!tpu.dma_semaphore, #tpu.memory_space<semaphore_mem>>)
          %dma_wait3A = arith.constant 0 : i32
          %dma_wait3A_81 = tpu.memref_slice %arg4[%arg1, %mul3A_67, %dma_wait3A] : memref<16x80x128xi32, #tpu.memory_space<hbm>> -> memref<1x40x128xi32, #tpu.memory_space<hbm>>
          %dma_wait3A_82 = tpu.memref_squeeze %dma_wait3A_81 : memref<1x40x128xi32, #tpu.memory_space<hbm>> -> memref<40x128xi32, #tpu.memory_space<hbm>>
          %dma_wait3A_83 = arith.constant 0 : i32
          %dma_wait3A_84 = tpu.memref_slice %arg4[%arg1, %mul3A_67, %dma_wait3A_83] : memref<16x80x128xi32, #tpu.memory_space<hbm>> -> memref<1x40x128xi32, #tpu.memory_space<hbm>>
          %dma_wait3A_85 = tpu.memref_squeeze %dma_wait3A_84 : memref<1x40x128xi32, #tpu.memory_space<hbm>> -> memref<40x128xi32, #tpu.memory_space<hbm>>
          tpu.wait_dma2 semaphore(%run_scoped3A : memref<!tpu.dma_semaphore, #tpu.memory_space<semaphore_mem>>) src(%dma_wait3A_85 : memref<40x128xi32, #tpu.memory_space<hbm>>) dst(%arg8 : memref<40x128xi32, #tpu.memory_space<vmem>>)
          tpu.yield
        }) : () -> ()
        %mul3A_68 = arith.constant 40 : i32
        %mul3A_69 = arith.muli %scan3A_65, %mul3A_68 : i32
        "tpu.region"() ({
          %run_scoped3A = tpu.sem_alloc : memref<!tpu.dma_semaphore, #tpu.memory_space<semaphore_mem>>
          %dma_start3A = arith.constant 0 : i32
          %dma_start3A_76 = tpu.memref_slice %arg5[%arg1, %mul3A_69, %dma_start3A] : memref<16x80x128xi32, #tpu.memory_space<hbm>> -> memref<1x40x128xi32, #tpu.memory_space<hbm>>
          %dma_start3A_77 = tpu.memref_squeeze %dma_start3A_76 : memref<1x40x128xi32, #tpu.memory_space<hbm>> -> memref<40x128xi32, #tpu.memory_space<hbm>>
          %dma_start3A_78 = arith.constant 0 : i32
          %dma_start3A_79 = tpu.memref_slice %arg5[%arg1, %mul3A_69, %dma_start3A_78] : memref<16x80x128xi32, #tpu.memory_space<hbm>> -> memref<1x40x128xi32, #tpu.memory_space<hbm>>
          %dma_start3A_80 = tpu.memref_squeeze %dma_start3A_79 : memref<1x40x128xi32, #tpu.memory_space<hbm>> -> memref<40x128xi32, #tpu.memory_space<hbm>>
          tpu.enqueue_dma source(%dma_start3A_80 : memref<40x128xi32, #tpu.memory_space<hbm>>) target(%arg9 : memref<40x128xi32, #tpu.memory_space<vmem>>) target_semaphore(%run_scoped3A : memref<!tpu.dma_semaphore, #tpu.memory_space<semaphore_mem>>)
          %dma_wait3A = arith.constant 0 : i32
          %dma_wait3A_81 = tpu.memref_slice %arg5[%arg1, %mul3A_69, %dma_wait3A] : memref<16x80x128xi32, #tpu.memory_space<hbm>> -> memref<1x40x128xi32, #tpu.memory_space<hbm>>
          %dma_wait3A_82 = tpu.memref_squeeze %dma_wait3A_81 : memref<1x40x128xi32, #tpu.memory_space<hbm>> -> memref<40x128xi32, #tpu.memory_space<hbm>>
          %dma_wait3A_83 = arith.constant 0 : i32
          %dma_wait3A_84 = tpu.memref_slice %arg5[%arg1, %mul3A_69, %dma_wait3A_83] : memref<16x80x128xi32, #tpu.memory_space<hbm>> -> memref<1x40x128xi32, #tpu.memory_space<hbm>>
          %dma_wait3A_85 = tpu.memref_squeeze %dma_wait3A_84 : memref<1x40x128xi32, #tpu.memory_space<hbm>> -> memref<40x128xi32, #tpu.memory_space<hbm>>
          tpu.wait_dma2 semaphore(%run_scoped3A : memref<!tpu.dma_semaphore, #tpu.memory_space<semaphore_mem>>) src(%dma_wait3A_85 : memref<40x128xi32, #tpu.memory_space<hbm>>) dst(%arg9 : memref<40x128xi32, #tpu.memory_space<vmem>>)
          tpu.yield
        }) : () -> ()
        %scan3A_70 = arith.constant 0 : i32
        %scan3A_71 = arith.constant 0 : i32
        %scan3A_72 = arith.constant 20 : i32
        %scan3A_73 = arith.addi %scan3A_71, %scan3A_72 : i32
        %scan3A_74 = arith.constant 1 : i32
        scf.for %scan3A_76 = %scan3A_71 to %scan3A_73 step %scan3A_74  : i32 {
          %mul3A_77 = arith.constant 2 : i32
          %mul3A_78 = arith.muli %scan3A_76, %mul3A_77 : i32
          %add3A = arith.constant 0 : i32
          %add3A_79 = arith.addi %mul3A_78, %add3A : i32
          %dma_start3A = arith.constant 0 : i32
          %dma_start3A_80 = tpu.memref_slice %arg8[%add3A_79, %dma_start3A] : memref<40x128xi32, #tpu.memory_space<vmem>> -> memref<1x128xi32, #tpu.memory_space<vmem>>
          %dma_start3A_81 = tpu.memref_squeeze %dma_start3A_80 : memref<1x128xi32, #tpu.memory_space<vmem>> -> memref<128xi32, #tpu.memory_space<vmem>>
          %dma_start3A_82 = arith.constant 0 : i32
          %dma_start3A_83 = arith.constant 0 : i32
          %dma_start3A_84 = tpu.memref_slice %arg3[%dma_start3A_82, %dma_start3A_83] : memref<10000x128xf32, #tpu.memory_space<hbm>> -> memref<10000x128xf32, #tpu.memory_space<hbm>>
          tpu.enqueue_indirect_dma source(%dma_start3A_84 : memref<10000x128xf32, #tpu.memory_space<hbm>>) target(%arg10 : memref<128x128xf32, #tpu.memory_space<vmem>>) offsets(%dma_start3A_81 : memref<128xi32, #tpu.memory_space<vmem>>) semaphore(%arg13 : memref<!tpu.dma_semaphore, #tpu.memory_space<semaphore_mem>>)
          %add3A_85 = arith.constant 1 : i32
          %add3A_86 = arith.addi %mul3A_78, %add3A_85 : i32
          %dma_start3A_87 = arith.constant 0 : i32
          %dma_start3A_88 = tpu.memref_slice %arg8[%add3A_86, %dma_start3A_87] : memref<40x128xi32, #tpu.memory_space<vmem>> -> memref<1x128xi32, #tpu.memory_space<vmem>>
          %dma_start3A_89 = tpu.memref_squeeze %dma_start3A_88 : memref<1x128xi32, #tpu.memory_space<vmem>> -> memref<128xi32, #tpu.memory_space<vmem>>
          %dma_start3A_90 = arith.constant 0 : i32
          %dma_start3A_91 = arith.constant 0 : i32
          %dma_start3A_92 = tpu.memref_slice %arg3[%dma_start3A_90, %dma_start3A_91] : memref<10000x128xf32, #tpu.memory_space<hbm>> -> memref<10000x128xf32, #tpu.memory_space<hbm>>
          tpu.enqueue_indirect_dma source(%dma_start3A_92 : memref<10000x128xf32, #tpu.memory_space<hbm>>) target(%arg11 : memref<128x128xf32, #tpu.memory_space<vmem>>) offsets(%dma_start3A_89 : memref<128xi32, #tpu.memory_space<vmem>>) semaphore(%arg14 : memref<!tpu.dma_semaphore, #tpu.memory_space<semaphore_mem>>)
          %dma_wait3A = arith.constant 0 : i32
          %dma_wait3A_93 = tpu.memref_slice %arg8[%add3A_79, %dma_wait3A] : memref<40x128xi32, #tpu.memory_space<vmem>> -> memref<1x128xi32, #tpu.memory_space<vmem>>
          %dma_wait3A_94 = tpu.memref_squeeze %dma_wait3A_93 : memref<1x128xi32, #tpu.memory_space<vmem>> -> memref<128xi32, #tpu.memory_space<vmem>>
          %dma_wait3A_95 = arith.constant 0 : i32
          %dma_wait3A_96 = arith.constant 0 : i32
          %dma_wait3A_97 = tpu.memref_slice %arg3[%dma_wait3A_95, %dma_wait3A_96] : memref<10000x128xf32, #tpu.memory_space<hbm>> -> memref<10000x128xf32, #tpu.memory_space<hbm>>
          tpu.wait_indirect_dma semaphore(%arg13 : memref<!tpu.dma_semaphore, #tpu.memory_space<semaphore_mem>>) src(%dma_wait3A_97 : memref<10000x128xf32, #tpu.memory_space<hbm>>) dst(%arg10 : memref<128x128xf32, #tpu.memory_space<vmem>>)
          %add3A_98 = arith.constant 0 : i32
          %add3A_99 = arith.addi %mul3A_78, %add3A_98 : i32
          "tpu.region"() ({
            %run_scoped3A = tpu.sem_alloc : memref<!tpu.dma_semaphore, #tpu.memory_space<semaphore_mem>>
            %dma_start3A_108 = arith.constant 0 : i32
            %dma_start3A_109 = tpu.memref_slice %arg9[%add3A_99, %dma_start3A_108] : memref<40x128xi32, #tpu.memory_space<vmem>> -> memref<1x128xi32, #tpu.memory_space<vmem>>
            %dma_start3A_110 = tpu.memref_squeeze %dma_start3A_109 : memref<1x128xi32, #tpu.memory_space<vmem>> -> memref<128xi32, #tpu.memory_space<vmem>>
            %dma_start3A_111 = arith.constant 0 : i32
            %dma_start3A_112 = arith.constant 0 : i32
            %dma_start3A_113 = tpu.memref_slice %arg12[%dma_start3A_111, %dma_start3A_112] : memref<10008x128xf32, #tpu.memory_space<vmem_shared>> -> memref<10008x128xf32, #tpu.memory_space<vmem_shared>>
            tpu.enqueue_indirect_dma source(%arg10 : memref<128x128xf32, #tpu.memory_space<vmem>>) target(%dma_start3A_113 : memref<10008x128xf32, #tpu.memory_space<vmem_shared>>) offsets(%dma_start3A_110 : memref<128xi32, #tpu.memory_space<vmem>>) semaphore(%run_scoped3A : memref<!tpu.dma_semaphore, #tpu.memory_space<semaphore_mem>>) {add = true}
            %dma_wait3A_114 = arith.constant 0 : i32
            %dma_wait3A_115 = tpu.memref_slice %arg9[%add3A_99, %dma_wait3A_114] : memref<40x128xi32, #tpu.memory_space<vmem>> -> memref<1x128xi32, #tpu.memory_space<vmem>>
            %dma_wait3A_116 = tpu.memref_squeeze %dma_wait3A_115 : memref<1x128xi32, #tpu.memory_space<vmem>> -> memref<128xi32, #tpu.memory_space<vmem>>
            %dma_wait3A_117 = arith.constant 0 : i32
            %dma_wait3A_118 = arith.constant 0 : i32
            %dma_wait3A_119 = tpu.memref_slice %arg12[%dma_wait3A_117, %dma_wait3A_118] : memref<10008x128xf32, #tpu.memory_space<vmem_shared>> -> memref<10008x128xf32, #tpu.memory_space<vmem_shared>>
            tpu.wait_indirect_dma semaphore(%run_scoped3A : memref<!tpu.dma_semaphore, #tpu.memory_space<semaphore_mem>>) src(%arg10 : memref<128x128xf32, #tpu.memory_space<vmem>>) dst(%dma_wait3A_119 : memref<10008x128xf32, #tpu.memory_space<vmem_shared>>)
            tpu.yield
          }) : () -> ()
          %dma_wait3A_100 = arith.constant 0 : i32
          %dma_wait3A_101 = tpu.memref_slice %arg8[%add3A_86, %dma_wait3A_100] : memref<40x128xi32, #tpu.memory_space<vmem>> -> memref<1x128xi32, #tpu.memory_space<vmem>>
          %dma_wait3A_102 = tpu.memref_squeeze %dma_wait3A_101 : memref<1x128xi32, #tpu.memory_space<vmem>> -> memref<128xi32, #tpu.memory_space<vmem>>
          %dma_wait3A_103 = arith.constant 0 : i32
          %dma_wait3A_104 = arith.constant 0 : i32
          %dma_wait3A_105 = tpu.memref_slice %arg3[%dma_wait3A_103, %dma_wait3A_104] : memref<10000x128xf32, #tpu.memory_space<hbm>> -> memref<10000x128xf32, #tpu.memory_space<hbm>>
          tpu.wait_indirect_dma semaphore(%arg14 : memref<!tpu.dma_semaphore, #tpu.memory_space<semaphore_mem>>) src(%dma_wait3A_105 : memref<10000x128xf32, #tpu.memory_space<hbm>>) dst(%arg11 : memref<128x128xf32, #tpu.memory_space<vmem>>)
          %add3A_106 = arith.constant 1 : i32
          %add3A_107 = arith.addi %mul3A_78, %add3A_106 : i32
          "tpu.region"() ({
            %run_scoped3A = tpu.sem_alloc : memref<!tpu.dma_semaphore, #tpu.memory_space<semaphore_mem>>
            %dma_start3A_108 = arith.constant 0 : i32
            %dma_start3A_109 = tpu.memref_slice %arg9[%add3A_107, %dma_start3A_108] : memref<40x128xi32, #tpu.memory_space<vmem>> -> memref<1x128xi32, #tpu.memory_space<vmem>>
            %dma_start3A_110 = tpu.memref_squeeze %dma_start3A_109 : memref<1x128xi32, #tpu.memory_space<vmem>> -> memref<128xi32, #tpu.memory_space<vmem>>
            %dma_start3A_111 = arith.constant 0 : i32
            %dma_start3A_112 = arith.constant 0 : i32
            %dma_start3A_113 = tpu.memref_slice %arg12[%dma_start3A_111, %dma_start3A_112] : memref<10008x128xf32, #tpu.memory_space<vmem_shared>> -> memref<10008x128xf32, #tpu.memory_space<vmem_shared>>
            tpu.enqueue_indirect_dma source(%arg11 : memref<128x128xf32, #tpu.memory_space<vmem>>) target(%dma_start3A_113 : memref<10008x128xf32, #tpu.memory_space<vmem_shared>>) offsets(%dma_start3A_110 : memref<128xi32, #tpu.memory_space<vmem>>) semaphore(%run_scoped3A : memref<!tpu.dma_semaphore, #tpu.memory_space<semaphore_mem>>) {add = true}
            %dma_wait3A_114 = arith.constant 0 : i32
            %dma_wait3A_115 = tpu.memref_slice %arg9[%add3A_107, %dma_wait3A_114] : memref<40x128xi32, #tpu.memory_space<vmem>> -> memref<1x128xi32, #tpu.memory_space<vmem>>
            %dma_wait3A_116 = tpu.memref_squeeze %dma_wait3A_115 : memref<1x128xi32, #tpu.memory_space<vmem>> -> memref<128xi32, #tpu.memory_space<vmem>>
            %dma_wait3A_117 = arith.constant 0 : i32
            %dma_wait3A_118 = arith.constant 0 : i32
            %dma_wait3A_119 = tpu.memref_slice %arg12[%dma_wait3A_117, %dma_wait3A_118] : memref<10008x128xf32, #tpu.memory_space<vmem_shared>> -> memref<10008x128xf32, #tpu.memory_space<vmem_shared>>
            tpu.wait_indirect_dma semaphore(%run_scoped3A : memref<!tpu.dma_semaphore, #tpu.memory_space<semaphore_mem>>) src(%arg11 : memref<128x128xf32, #tpu.memory_space<vmem>>) dst(%dma_wait3A_119 : memref<10008x128xf32, #tpu.memory_space<vmem_shared>>)
            tpu.yield
          }) : () -> ()
        }
        %scan3A_75 = arith.constant 20 : i32
      }
      %scan3A_64 = arith.constant 2 : i32
    } else {
    }
    %barrier3A_33 = arith.constant 0 : index
    tpu.barrier barrier_id(%barrier3A_33)
    %eq3A_34 = arith.constant 0 : i32
    %eq3A_35 = arith.cmpi eq, %arg0, %eq3A_34 : i32
    %convert_element_type3A_36 = arith.extui %eq3A_35 : i1 to i32
    %cond3A_37 = arith.constant 0 : i32
    %cond3A_38 = arith.cmpi ne, %convert_element_type3A_36, %cond3A_37 : i32
    scf.if %cond3A_38 {
      "tpu.region"() ({
        %run_scoped3A = tpu.sem_alloc : memref<!tpu.dma_semaphore, #tpu.memory_space<semaphore_mem>>
        %dma_start3A = arith.constant 0 : i32
        %dma_start3A_60 = tpu.memref_slice %arg6[%mul3A_0, %dma_start3A] : memref<10000x128xf32, #tpu.memory_space<hbm>> -> memref<624x128xf32, #tpu.memory_space<hbm>>
        %dma_start3A_61 = arith.constant 0 : i32
        %dma_start3A_62 = tpu.memref_slice %arg12[%mul3A_0, %dma_start3A_61] : memref<10008x128xf32, #tpu.memory_space<vmem_shared>> -> memref<624x128xf32, #tpu.memory_space<vmem_shared>>
        tpu.enqueue_dma source(%dma_start3A_62 : memref<624x128xf32, #tpu.memory_space<vmem_shared>>) target(%dma_start3A_60 : memref<624x128xf32, #tpu.memory_space<hbm>>) target_semaphore(%run_scoped3A : memref<!tpu.dma_semaphore, #tpu.memory_space<semaphore_mem>>)
        %dma_wait3A = arith.constant 0 : i32
        %dma_wait3A_63 = tpu.memref_slice %arg6[%mul3A_0, %dma_wait3A] : memref<10000x128xf32, #tpu.memory_space<hbm>> -> memref<624x128xf32, #tpu.memory_space<hbm>>
        %dma_wait3A_64 = arith.constant 0 : i32
        %dma_wait3A_65 = tpu.memref_slice %arg12[%mul3A_0, %dma_wait3A_64] : memref<10008x128xf32, #tpu.memory_space<vmem_shared>> -> memref<624x128xf32, #tpu.memory_space<vmem_shared>>
        tpu.wait_dma2 semaphore(%run_scoped3A : memref<!tpu.dma_semaphore, #tpu.memory_space<semaphore_mem>>) src(%dma_wait3A_65 : memref<624x128xf32, #tpu.memory_space<vmem_shared>>) dst(%dma_wait3A_63 : memref<624x128xf32, #tpu.memory_space<hbm>>)
        tpu.yield
      }) : () -> ()
    } else {
    }
    %eq3A_39 = arith.constant 1 : i32
    %eq3A_40 = arith.cmpi eq, %arg0, %eq3A_39 : i32
    %convert_element_type3A_41 = arith.extui %eq3A_40 : i1 to i32
    %cond3A_42 = arith.constant 0 : i32
    %cond3A_43 = arith.cmpi ne, %convert_element_type3A_41, %cond3A_42 : i32
    scf.if %cond3A_43 {
      "tpu.region"() ({
        %run_scoped3A = tpu.sem_alloc : memref<!tpu.dma_semaphore, #tpu.memory_space<semaphore_mem>>
        %dma_start3A = arith.constant 0 : i32
        %dma_start3A_60 = tpu.memref_slice %arg7[%mul3A_0, %dma_start3A] : memref<10000x128xf32, #tpu.memory_space<hbm>> -> memref<624x128xf32, #tpu.memory_space<hbm>>
        %dma_start3A_61 = arith.constant 0 : i32
        %dma_start3A_62 = tpu.memref_slice %arg12[%mul3A_0, %dma_start3A_61] : memref<10008x128xf32, #tpu.memory_space<vmem_shared>> -> memref<624x128xf32, #tpu.memory_space<vmem_shared>>
        tpu.enqueue_dma source(%dma_start3A_62 : memref<624x128xf32, #tpu.memory_space<vmem_shared>>) target(%dma_start3A_60 : memref<624x128xf32, #tpu.memory_space<hbm>>) target_semaphore(%run_scoped3A : memref<!tpu.dma_semaphore, #tpu.memory_space<semaphore_mem>>)
        %dma_wait3A = arith.constant 0 : i32
        %dma_wait3A_63 = tpu.memref_slice %arg7[%mul3A_0, %dma_wait3A] : memref<10000x128xf32, #tpu.memory_space<hbm>> -> memref<624x128xf32, #tpu.memory_space<hbm>>
        %dma_wait3A_64 = arith.constant 0 : i32
        %dma_wait3A_65 = tpu.memref_slice %arg12[%mul3A_0, %dma_wait3A_64] : memref<10008x128xf32, #tpu.memory_space<vmem_shared>> -> memref<624x128xf32, #tpu.memory_space<vmem_shared>>
        tpu.wait_dma2 semaphore(%run_scoped3A : memref<!tpu.dma_semaphore, #tpu.memory_space<semaphore_mem>>) src(%dma_wait3A_65 : memref<624x128xf32, #tpu.memory_space<vmem_shared>>) dst(%dma_wait3A_63 : memref<624x128xf32, #tpu.memory_space<hbm>>)
        tpu.yield
      }) : () -> ()
    } else {
    }
    %eq3A_44 = arith.constant 0 : i32
    %eq3A_45 = arith.cmpi eq, %arg0, %eq3A_44 : i32
    %eq3A_46 = arith.constant 15 : i32
    %eq3A_47 = arith.cmpi eq, %arg1, %eq3A_46 : i32
    %and3A_48 = arith.andi %eq3A_45, %eq3A_47 : i1
    %convert_element_type3A_49 = arith.extui %and3A_48 : i1 to i32
    %cond3A_50 = arith.constant 0 : i32
    %cond3A_51 = arith.cmpi ne, %convert_element_type3A_49, %cond3A_50 : i32
    scf.if %cond3A_51 {
      "tpu.region"() ({
        %run_scoped3A = tpu.sem_alloc : memref<!tpu.dma_semaphore, #tpu.memory_space<semaphore_mem>>
        %dma_start3A = arith.constant 9984 : i32
        %dma_start3A_60 = arith.constant 0 : i32
        %dma_start3A_61 = tpu.memref_slice %arg6[%dma_start3A, %dma_start3A_60] : memref<10000x128xf32, #tpu.memory_space<hbm>> -> memref<16x128xf32, #tpu.memory_space<hbm>>
        %dma_start3A_62 = arith.constant 9984 : i32
        %dma_start3A_63 = arith.constant 0 : i32
        %dma_start3A_64 = tpu.memref_slice %arg12[%dma_start3A_62, %dma_start3A_63] : memref<10008x128xf32, #tpu.memory_space<vmem_shared>> -> memref<16x128xf32, #tpu.memory_space<vmem_shared>>
        tpu.enqueue_dma source(%dma_start3A_64 : memref<16x128xf32, #tpu.memory_space<vmem_shared>>) target(%dma_start3A_61 : memref<16x128xf32, #tpu.memory_space<hbm>>) target_semaphore(%run_scoped3A : memref<!tpu.dma_semaphore, #tpu.memory_space<semaphore_mem>>)
        %dma_wait3A = arith.constant 9984 : i32
        %dma_wait3A_65 = arith.constant 0 : i32
        %dma_wait3A_66 = tpu.memref_slice %arg6[%dma_wait3A, %dma_wait3A_65] : memref<10000x128xf32, #tpu.memory_space<hbm>> -> memref<16x128xf32, #tpu.memory_space<hbm>>
        %dma_wait3A_67 = arith.constant 9984 : i32
        %dma_wait3A_68 = arith.constant 0 : i32
        %dma_wait3A_69 = tpu.memref_slice %arg12[%dma_wait3A_67, %dma_wait3A_68] : memref<10008x128xf32, #tpu.memory_space<vmem_shared>> -> memref<16x128xf32, #tpu.memory_space<vmem_shared>>
        tpu.wait_dma2 semaphore(%run_scoped3A : memref<!tpu.dma_semaphore, #tpu.memory_space<semaphore_mem>>) src(%dma_wait3A_69 : memref<16x128xf32, #tpu.memory_space<vmem_shared>>) dst(%dma_wait3A_66 : memref<16x128xf32, #tpu.memory_space<hbm>>)
        tpu.yield
      }) : () -> ()
    } else {
    }
    %eq3A_52 = arith.constant 1 : i32
    %eq3A_53 = arith.cmpi eq, %arg0, %eq3A_52 : i32
    %eq3A_54 = arith.constant 15 : i32
    %eq3A_55 = arith.cmpi eq, %arg1, %eq3A_54 : i32
    %and3A_56 = arith.andi %eq3A_53, %eq3A_55 : i1
    %convert_element_type3A_57 = arith.extui %and3A_56 : i1 to i32
    %cond3A_58 = arith.constant 0 : i32
    %cond3A_59 = arith.cmpi ne, %convert_element_type3A_57, %cond3A_58 : i32
    scf.if %cond3A_59 {
      "tpu.region"() ({
        %run_scoped3A = tpu.sem_alloc : memref<!tpu.dma_semaphore, #tpu.memory_space<semaphore_mem>>
        %dma_start3A = arith.constant 9984 : i32
        %dma_start3A_60 = arith.constant 0 : i32
        %dma_start3A_61 = tpu.memref_slice %arg7[%dma_start3A, %dma_start3A_60] : memref<10000x128xf32, #tpu.memory_space<hbm>> -> memref<16x128xf32, #tpu.memory_space<hbm>>
        %dma_start3A_62 = arith.constant 9984 : i32
        %dma_start3A_63 = arith.constant 0 : i32
        %dma_start3A_64 = tpu.memref_slice %arg12[%dma_start3A_62, %dma_start3A_63] : memref<10008x128xf32, #tpu.memory_space<vmem_shared>> -> memref<16x128xf32, #tpu.memory_space<vmem_shared>>
        tpu.enqueue_dma source(%dma_start3A_64 : memref<16x128xf32, #tpu.memory_space<vmem_shared>>) target(%dma_start3A_61 : memref<16x128xf32, #tpu.memory_space<hbm>>) target_semaphore(%run_scoped3A : memref<!tpu.dma_semaphore, #tpu.memory_space<semaphore_mem>>)
        %dma_wait3A = arith.constant 9984 : i32
        %dma_wait3A_65 = arith.constant 0 : i32
        %dma_wait3A_66 = tpu.memref_slice %arg7[%dma_wait3A, %dma_wait3A_65] : memref<10000x128xf32, #tpu.memory_space<hbm>> -> memref<16x128xf32, #tpu.memory_space<hbm>>
        %dma_wait3A_67 = arith.constant 9984 : i32
        %dma_wait3A_68 = arith.constant 0 : i32
        %dma_wait3A_69 = tpu.memref_slice %arg12[%dma_wait3A_67, %dma_wait3A_68] : memref<10008x128xf32, #tpu.memory_space<vmem_shared>> -> memref<16x128xf32, #tpu.memory_space<vmem_shared>>
        tpu.wait_dma2 semaphore(%run_scoped3A : memref<!tpu.dma_semaphore, #tpu.memory_space<semaphore_mem>>) src(%dma_wait3A_69 : memref<16x128xf32, #tpu.memory_space<vmem_shared>>) dst(%dma_wait3A_66 : memref<16x128xf32, #tpu.memory_space<hbm>>)
        tpu.yield
      }) : () -> ()
    } else {
    }
    return
  }
}

module attributes {stable_mosaic.version = 14 : i64} {
  func.func @_fold_body(%arg0: memref<256x256xf32, #tpu.memory_space<vmem>>, %arg1: memref<256x768xf32, #tpu.memory_space<vmem>>, %arg2: memref<1x256xf32, #tpu.memory_space<vmem>>, %arg3: memref<256x768xf32, #tpu.memory_space<vmem>>, %arg4: memref<1x256xf32, #tpu.memory_space<vmem>>) attributes {dimension_semantics = [], scalar_prefetch = 0 : i64, scratch_operands = 0 : i64, tpu.core_type = #tpu.core_type<tc>} {
    %get3A = arith.constant 0 : index
    %get3A_0 = arith.constant 0 : index
    %get3A_1 = vector.load %arg0[%get3A, %get3A_0] : memref<256x256xf32, #tpu.memory_space<vmem>>, vector<256x256xf32>
    %get3A_2 = arith.constant 0 : index
    %get3A_3 = arith.constant 0 : index
    %get3A_4 = vector.load %arg1[%get3A_2, %get3A_3] : memref<256x768xf32, #tpu.memory_space<vmem>>, vector<256x768xf32>
    %dot_general3A = arith.constant dense<0.000000e+00> : vector<256x768xf32>
    %dot_general3A_5 = tpu.matmul %get3A_1, %get3A_4, %dot_general3A {dimension_numbers = #tpu.dot_dimension_numbers<[1], [0], [0], [1], [0, 0, 1, 1], [], []>, transpose_lhs_hint = false} : vector<256x256xf32>, vector<256x768xf32>, vector<256x768xf32> -> vector<256x768xf32>
    %swap3A = arith.constant 0 : index
    %swap3A_6 = arith.constant 0 : index
    %swap3A_7 = vector.load %arg3[%swap3A, %swap3A_6] : memref<256x768xf32, #tpu.memory_space<vmem>>, vector<256x768xf32>
    tpu.vector_store %arg3[%swap3A, %swap3A_6], %dot_general3A_5 {strides = array<i32>} : memref<256x768xf32, #tpu.memory_space<vmem>>, vector<256x768xf32>,
    %get3A_8 = arith.constant 0 : index
    %get3A_9 = arith.constant 0 : index
    %get3A_10 = vector.load %arg2[%get3A_8, %get3A_9] : memref<1x256xf32, #tpu.memory_space<vmem>>, vector<1x256xf32>
    %get3A_11 = arith.constant 0 : index
    %get3A_12 = arith.constant 0 : index
    %get3A_13 = vector.load %arg0[%get3A_11, %get3A_12] : memref<256x256xf32, #tpu.memory_space<vmem>>, vector<256x256xf32>
    %dot_general3A_14 = arith.constant dense<0.000000e+00> : vector<1x256xf32>
    %dot_general3A_15 = tpu.matmul %get3A_10, %get3A_13, %dot_general3A_14 {dimension_numbers = #tpu.dot_dimension_numbers<[1], [1], [0], [0], [0, 0, 1, 0], [], []>, transpose_lhs_hint = false} : vector<1x256xf32>, vector<256x256xf32>, vector<1x256xf32> -> vector<1x256xf32>
    %swap3A_16 = arith.constant 0 : index
    %swap3A_17 = arith.constant 0 : index
    %swap3A_18 = vector.load %arg4[%swap3A_16, %swap3A_17] : memref<1x256xf32, #tpu.memory_space<vmem>>, vector<1x256xf32>
    tpu.vector_store %arg4[%swap3A_16, %swap3A_17], %dot_general3A_15 {strides = array<i32>} : memref<1x256xf32, #tpu.memory_space<vmem>>, vector<1x256xf32>,
    return
  }
}

module attributes {stable_mosaic.version = 14 : i64} {
  func.func @_mm_first_body(%arg0: i32, %arg1: memref<1000x768xf32, #tpu.memory_space<vmem>>, %arg2: memref<256x768xf32, #tpu.memory_space<vmem>>, %arg3: memref<1x256xf32, #tpu.memory_space<vmem>>, %arg4: memref<1000x128xf32, #tpu.memory_space<vmem>>, %arg5: memref<1000x128xf32, #tpu.memory_space<vmem>>) attributes {dimension_semantics = [#tpu.dimension_semantics<arbitrary>], iteration_bounds = array<i64: 10>, scalar_prefetch = 0 : i64, scratch_operands = 0 : i64, tpu.core_type = #tpu.core_type<tc>, window_params = [{transform_indices = @transform_0, window_bounds = array<i64: 1000, 768>}, {pipeline_mode = #tpu.pipeline_mode<synchronous>, transform_indices = @transform_1, window_bounds = array<i64: 256, 768>}, {pipeline_mode = #tpu.pipeline_mode<synchronous>, transform_indices = @transform_2, window_bounds = array<i64: 1, 256>}, {transform_indices = @transform_3, window_bounds = array<i64: 1000, 128>}, {transform_indices = @transform_4, window_bounds = array<i64: 1000, 128>}]} {
    %get3A = arith.constant 0 : index
    %get3A_0 = arith.constant 0 : index
    %get3A_1 = vector.load %arg1[%get3A, %get3A_0] : memref<1000x768xf32, #tpu.memory_space<vmem>>, vector<1000x768xf32>
    %get3A_2 = arith.constant 0 : index
    %get3A_3 = arith.constant 0 : index
    %get3A_4 = vector.load %arg2[%get3A_2, %get3A_3] : memref<256x768xf32, #tpu.memory_space<vmem>>, vector<256x768xf32>
    %dot_general3A = arith.constant dense<0.000000e+00> : vector<1000x256xf32>
    %dot_general3A_5 = tpu.matmul %get3A_1, %get3A_4, %dot_general3A {dimension_numbers = #tpu.dot_dimension_numbers<[1], [1], [0], [0], [0, 0, 1, 0], [], []>, transpose_lhs_hint = false} : vector<1000x768xf32>, vector<256x768xf32>, vector<1000x256xf32> -> vector<1000x256xf32>
    %get3A_6 = arith.constant 0 : index
    %get3A_7 = arith.constant 0 : index
    %get3A_8 = vector.load %arg3[%get3A_6, %get3A_7] : memref<1x256xf32, #tpu.memory_space<vmem>>, vector<1x256xf32>
    %add3A = vector.broadcast %get3A_8 : vector<1x256xf32> to vector<1000x256xf32>
    %add3A_9 = arith.addf %dot_general3A_5, %add3A : vector<1000x256xf32>
    %slice3A = vector.extract_strided_slice %add3A_9 {offsets = [0, 0], sizes = [1000, 128], strides = [1, 1]} : vector<1000x256xf32> to vector<1000x128xf32>
    %swap3A = arith.constant 0 : index
    %swap3A_10 = arith.constant 0 : index
    %swap3A_11 = vector.load %arg4[%swap3A, %swap3A_10] : memref<1000x128xf32, #tpu.memory_space<vmem>>, vector<1000x128xf32>
    tpu.vector_store %arg4[%swap3A, %swap3A_10], %slice3A {strides = array<i32>} : memref<1000x128xf32, #tpu.memory_space<vmem>>, vector<1000x128xf32>,
    %slice3A_12 = vector.extract_strided_slice %add3A_9 {offsets = [0, 128], sizes = [1000, 128], strides = [1, 1]} : vector<1000x256xf32> to vector<1000x128xf32>
    %swap3A_13 = arith.constant 0 : index
    %swap3A_14 = arith.constant 0 : index
    %swap3A_15 = vector.load %arg5[%swap3A_13, %swap3A_14] : memref<1000x128xf32, #tpu.memory_space<vmem>>, vector<1000x128xf32>
    tpu.vector_store %arg5[%swap3A_13, %swap3A_14], %slice3A_12 {strides = array<i32>} : memref<1000x128xf32, #tpu.memory_space<vmem>>, vector<1000x128xf32>,
    return
  }
  func.func @transform_0(%arg0: i32) -> (i32, i32) {
    %c0_i32 = arith.constant 0 : i32
    %c0_i32_0 = arith.constant 0 : i32
    return %arg0, %c0_i32 : i32, i32
  }
  func.func @transform_1(%arg0: i32) -> (i32, i32) {
    %c0_i32 = arith.constant 0 : i32
    %c0_i32_0 = arith.constant 0 : i32
    %c0_i32_1 = arith.constant 0 : i32
    return %c0_i32, %c0_i32_0 : i32, i32
  }
  func.func @transform_2(%arg0: i32) -> (i32, i32) {
    %c0_i32 = arith.constant 0 : i32
    %c0_i32_0 = arith.constant 0 : i32
    %c0_i32_1 = arith.constant 0 : i32
    return %c0_i32, %c0_i32_0 : i32, i32
  }
  func.func @transform_3(%arg0: i32) -> (i32, i32) {
    %c0_i32 = arith.constant 0 : i32
    %c0_i32_0 = arith.constant 0 : i32
    return %arg0, %c0_i32 : i32, i32
  }
  func.func @transform_4(%arg0: i32) -> (i32, i32) {
    %c0_i32 = arith.constant 0 : i32
    %c0_i32_0 = arith.constant 0 : i32
    return %arg0, %c0_i32 : i32, i32
  }
}

module attributes {stable_mosaic.version = 14 : i64} {
  func.func @_mm_layer_body(%arg0: i32, %arg1: memref<1000x128xf32, #tpu.memory_space<vmem>>, %arg2: memref<1000x128xf32, #tpu.memory_space<vmem>>, %arg3: memref<1x256xf32, #tpu.memory_space<vmem>>, %arg4: memref<256x256xf32, #tpu.memory_space<vmem>>, %arg5: memref<1000x128xf32, #tpu.memory_space<vmem>>, %arg6: memref<1000x128xf32, #tpu.memory_space<vmem>>) attributes {dimension_semantics = [#tpu.dimension_semantics<arbitrary>], iteration_bounds = array<i64: 10>, scalar_prefetch = 0 : i64, scratch_operands = 0 : i64, tpu.core_type = #tpu.core_type<tc>, window_params = [{transform_indices = @transform_0, window_bounds = array<i64: 1000, 128>}, {transform_indices = @transform_1, window_bounds = array<i64: 1000, 128>}, {pipeline_mode = #tpu.pipeline_mode<synchronous>, transform_indices = @transform_2, window_bounds = array<i64: 1, 256>}, {pipeline_mode = #tpu.pipeline_mode<synchronous>, transform_indices = @transform_3, window_bounds = array<i64: 256, 256>}, {transform_indices = @transform_4, window_bounds = array<i64: 1000, 128>}, {transform_indices = @transform_5, window_bounds = array<i64: 1000, 128>}]} {
    %get3A = arith.constant 0 : index
    %get3A_0 = arith.constant 0 : index
    %get3A_1 = vector.load %arg1[%get3A, %get3A_0] : memref<1000x128xf32, #tpu.memory_space<vmem>>, vector<1000x128xf32>
    %get3A_2 = arith.constant 0 : index
    %get3A_3 = arith.constant 0 : index
    %get3A_4 = vector.load %arg2[%get3A_2, %get3A_3] : memref<1000x128xf32, #tpu.memory_space<vmem>>, vector<1000x128xf32>
    %concatenate3A = tpu.concatenate %get3A_1, %get3A_4 in 1 : vector<1000x128xf32>, vector<1000x128xf32> -> vector<1000x256xf32>
    %get3A_5 = arith.constant 0 : index
    %get3A_6 = arith.constant 0 : index
    %get3A_7 = vector.load %arg3[%get3A_5, %get3A_6] : memref<1x256xf32, #tpu.memory_space<vmem>>, vector<1x256xf32>
    %add3A = vector.broadcast %get3A_7 : vector<1x256xf32> to vector<1000x256xf32>
    %add3A_8 = arith.addf %concatenate3A, %add3A : vector<1000x256xf32>
    %max3A = arith.constant 0.000000e+00 : f32
    %max3A_9 = vector.broadcast %max3A : f32 to vector<1000x256xf32>
    %max3A_10 = arith.maximumf %add3A_8, %max3A_9 : vector<1000x256xf32>
    %get3A_11 = arith.constant 0 : index
    %get3A_12 = arith.constant 0 : index
    %get3A_13 = vector.load %arg4[%get3A_11, %get3A_12] : memref<256x256xf32, #tpu.memory_space<vmem>>, vector<256x256xf32>
    %dot_general3A = arith.constant dense<0.000000e+00> : vector<1000x256xf32>
    %dot_general3A_14 = tpu.matmul %max3A_10, %get3A_13, %dot_general3A {dimension_numbers = #tpu.dot_dimension_numbers<[1], [1], [0], [0], [0, 0, 1, 0], [], []>, transpose_lhs_hint = false} : vector<1000x256xf32>, vector<256x256xf32>, vector<1000x256xf32> -> vector<1000x256xf32>
    %slice3A = vector.extract_strided_slice %dot_general3A_14 {offsets = [0, 0], sizes = [1000, 128], strides = [1, 1]} : vector<1000x256xf32> to vector<1000x128xf32>
    %swap3A = arith.constant 0 : index
    %swap3A_15 = arith.constant 0 : index
    %swap3A_16 = vector.load %arg5[%swap3A, %swap3A_15] : memref<1000x128xf32, #tpu.memory_space<vmem>>, vector<1000x128xf32>
    tpu.vector_store %arg5[%swap3A, %swap3A_15], %slice3A {strides = array<i32>} : memref<1000x128xf32, #tpu.memory_space<vmem>>, vector<1000x128xf32>,
    %slice3A_17 = vector.extract_strided_slice %dot_general3A_14 {offsets = [0, 128], sizes = [1000, 128], strides = [1, 1]} : vector<1000x256xf32> to vector<1000x128xf32>
    %swap3A_18 = arith.constant 0 : index
    %swap3A_19 = arith.constant 0 : index
    %swap3A_20 = vector.load %arg6[%swap3A_18, %swap3A_19] : memref<1000x128xf32, #tpu.memory_space<vmem>>, vector<1000x128xf32>
    tpu.vector_store %arg6[%swap3A_18, %swap3A_19], %slice3A_17 {strides = array<i32>} : memref<1000x128xf32, #tpu.memory_space<vmem>>, vector<1000x128xf32>,
    return
  }
  func.func @transform_0(%arg0: i32) -> (i32, i32) {
    %c0_i32 = arith.constant 0 : i32
    %c0_i32_0 = arith.constant 0 : i32
    return %arg0, %c0_i32 : i32, i32
  }
  func.func @transform_1(%arg0: i32) -> (i32, i32) {
    %c0_i32 = arith.constant 0 : i32
    %c0_i32_0 = arith.constant 0 : i32
    return %arg0, %c0_i32 : i32, i32
  }
  func.func @transform_2(%arg0: i32) -> (i32, i32) {
    %c0_i32 = arith.constant 0 : i32
    %c0_i32_0 = arith.constant 0 : i32
    %c0_i32_1 = arith.constant 0 : i32
    return %c0_i32, %c0_i32_0 : i32, i32
  }
  func.func @transform_3(%arg0: i32) -> (i32, i32) {
    %c0_i32 = arith.constant 0 : i32
    %c0_i32_0 = arith.constant 0 : i32
    %c0_i32_1 = arith.constant 0 : i32
    return %c0_i32, %c0_i32_0 : i32, i32
  }
  func.func @transform_4(%arg0: i32) -> (i32, i32) {
    %c0_i32 = arith.constant 0 : i32
    %c0_i32_0 = arith.constant 0 : i32
    return %arg0, %c0_i32 : i32, i32
  }
  func.func @transform_5(%arg0: i32) -> (i32, i32) {
    %c0_i32 = arith.constant 0 : i32
    %c0_i32_0 = arith.constant 0 : i32
    return %arg0, %c0_i32 : i32, i32
  }
}

module attributes {stable_mosaic.version = 14 : i64} {
  func.func @_final_body(%arg0: i32, %arg1: memref<1000x128xf32, #tpu.memory_space<vmem>>, %arg2: memref<1000x128xf32, #tpu.memory_space<vmem>>, %arg3: memref<1x256xf32, #tpu.memory_space<vmem>>, %arg4: memref<100x256xf32, #tpu.memory_space<vmem>>, %arg5: memref<1x100xf32, #tpu.memory_space<vmem>>, %arg6: memref<1x100xf32, #tpu.memory_space<vmem>>, %arg7: memref<1x256xf32, #tpu.memory_space<vmem>>) attributes {dimension_semantics = [#tpu.dimension_semantics<arbitrary>], iteration_bounds = array<i64: 10>, scalar_prefetch = 0 : i64, scratch_operands = 1 : i64, tpu.core_type = #tpu.core_type<tc>, window_params = [{transform_indices = @transform_0, window_bounds = array<i64: 1000, 128>}, {transform_indices = @transform_1, window_bounds = array<i64: 1000, 128>}, {pipeline_mode = #tpu.pipeline_mode<synchronous>, transform_indices = @transform_2, window_bounds = array<i64: 1, 256>}, {pipeline_mode = #tpu.pipeline_mode<synchronous>, transform_indices = @transform_3, window_bounds = array<i64: 100, 256>}, {pipeline_mode = #tpu.pipeline_mode<synchronous>, transform_indices = @transform_4, window_bounds = array<i64: 1, 100>}, {pipeline_mode = #tpu.pipeline_mode<synchronous>, transform_indices = @transform_5, window_bounds = array<i64: 1, 100>}]} {
    %get3A = arith.constant 0 : index
    %get3A_0 = arith.constant 0 : index
    %get3A_1 = vector.load %arg1[%get3A, %get3A_0] : memref<1000x128xf32, #tpu.memory_space<vmem>>, vector<1000x128xf32>
    %get3A_2 = arith.constant 0 : index
    %get3A_3 = arith.constant 0 : index
    %get3A_4 = vector.load %arg2[%get3A_2, %get3A_3] : memref<1000x128xf32, #tpu.memory_space<vmem>>, vector<1000x128xf32>
    %concatenate3A = tpu.concatenate %get3A_1, %get3A_4 in 1 : vector<1000x128xf32>, vector<1000x128xf32> -> vector<1000x256xf32>
    %get3A_5 = arith.constant 0 : index
    %get3A_6 = arith.constant 0 : index
    %get3A_7 = vector.load %arg3[%get3A_5, %get3A_6] : memref<1x256xf32, #tpu.memory_space<vmem>>, vector<1x256xf32>
    %add3A = vector.broadcast %get3A_7 : vector<1x256xf32> to vector<1000x256xf32>
    %add3A_8 = arith.addf %concatenate3A, %add3A : vector<1000x256xf32>
    %max3A = arith.constant 0.000000e+00 : f32
    %max3A_9 = vector.broadcast %max3A : f32 to vector<1000x256xf32>
    %max3A_10 = arith.maximumf %add3A_8, %max3A_9 : vector<1000x256xf32>
    %reduce_sum3A = arith.constant dense<0.000000e+00> : vector<256xf32>
    %reduce_sum3A_11 = vector.multi_reduction <add>, %max3A_10, %reduce_sum3A [0] : vector<1000x256xf32> to vector<256xf32>
    %broadcast_in_dim3A = vector.shape_cast %reduce_sum3A_11 : vector<256xf32> to vector<1x256xf32>
    %eq3A = arith.constant 0 : i32
    %eq3A_12 = arith.cmpi eq, %arg0, %eq3A : i32
    %convert_element_type3A = arith.extui %eq3A_12 : i1 to i32
    %cond3A = arith.constant 0 : i32
    %cond3A_13 = arith.cmpi ne, %convert_element_type3A, %cond3A : i32
    scf.if %cond3A_13 {
      %swap3A = arith.constant 0 : index
      %swap3A_23 = arith.constant 0 : index
      %swap3A_24 = vector.load %arg7[%swap3A, %swap3A_23] : memref<1x256xf32, #tpu.memory_space<vmem>>, vector<1x256xf32>
      tpu.vector_store %arg7[%swap3A, %swap3A_23], %broadcast_in_dim3A {strides = array<i32>} : memref<1x256xf32, #tpu.memory_space<vmem>>, vector<1x256xf32>,
    } else {
    }
    %gt3A = arith.constant 0 : i32
    %gt3A_14 = arith.cmpi sgt, %arg0, %gt3A : i32
    %convert_element_type3A_15 = arith.extui %gt3A_14 : i1 to i32
    %cond3A_16 = arith.constant 0 : i32
    %cond3A_17 = arith.cmpi ne, %convert_element_type3A_15, %cond3A_16 : i32
    scf.if %cond3A_17 {
      %get3A_23 = arith.constant 0 : index
      %get3A_24 = arith.constant 0 : index
      %get3A_25 = vector.load %arg7[%get3A_23, %get3A_24] : memref<1x256xf32, #tpu.memory_space<vmem>>, vector<1x256xf32>
      %add3A_26 = arith.addf %get3A_25, %broadcast_in_dim3A : vector<1x256xf32>
      %swap3A = arith.constant 0 : index
      %swap3A_27 = arith.constant 0 : index
      %swap3A_28 = vector.load %arg7[%swap3A, %swap3A_27] : memref<1x256xf32, #tpu.memory_space<vmem>>, vector<1x256xf32>
      tpu.vector_store %arg7[%swap3A, %swap3A_27], %add3A_26 {strides = array<i32>} : memref<1x256xf32, #tpu.memory_space<vmem>>, vector<1x256xf32>,
    } else {
    }
    %eq3A_18 = arith.constant 9 : i32
    %eq3A_19 = arith.cmpi eq, %arg0, %eq3A_18 : i32
    %convert_element_type3A_20 = arith.extui %eq3A_19 : i1 to i32
    %cond3A_21 = arith.constant 0 : i32
    %cond3A_22 = arith.cmpi ne, %convert_element_type3A_20, %cond3A_21 : i32
    scf.if %cond3A_22 {
      %get3A_23 = arith.constant 0 : index
      %get3A_24 = arith.constant 0 : index
      %get3A_25 = vector.load %arg7[%get3A_23, %get3A_24] : memref<1x256xf32, #tpu.memory_space<vmem>>, vector<1x256xf32>
      %max3A_26 = arith.constant 0.000000e+00 : f32
      %max3A_27 = vector.broadcast %max3A_26 : f32 to vector<1x256xf32>
      %max3A_28 = arith.maximumf %get3A_25, %max3A_27 : vector<1x256xf32>
      %get3A_29 = arith.constant 0 : index
      %get3A_30 = arith.constant 0 : index
      %get3A_31 = vector.load %arg4[%get3A_29, %get3A_30] : memref<100x256xf32, #tpu.memory_space<vmem>>, vector<100x256xf32>
      %dot_general3A = arith.constant dense<0.000000e+00> : vector<1x100xf32>
      %dot_general3A_32 = tpu.matmul %max3A_28, %get3A_31, %dot_general3A {dimension_numbers = #tpu.dot_dimension_numbers<[1], [1], [0], [0], [0, 0, 1, 0], [], []>, transpose_lhs_hint = false} : vector<1x256xf32>, vector<100x256xf32>, vector<1x100xf32> -> vector<1x100xf32>
      %get3A_33 = arith.constant 0 : index
      %get3A_34 = arith.constant 0 : index
      %get3A_35 = vector.load %arg5[%get3A_33, %get3A_34] : memref<1x100xf32, #tpu.memory_space<vmem>>, vector<1x100xf32>
      %add3A_36 = arith.addf %dot_general3A_32, %get3A_35 : vector<1x100xf32>
      %reduce_max3A = arith.constant dense<0xFF800000> : vector<1xf32>
      %reduce_max3A_37 = vector.multi_reduction <maximumf>, %add3A_36, %reduce_max3A [1] : vector<1x100xf32> to vector<1xf32>
      %broadcast_in_dim3A_38 = vector.shape_cast %reduce_max3A_37 : vector<1xf32> to vector<1x1xf32>
      %sub3A = vector.broadcast %broadcast_in_dim3A_38 : vector<1x1xf32> to vector<1x100xf32>
      %sub3A_39 = arith.subf %add3A_36, %sub3A : vector<1x100xf32>
      %exp3A = math.exp %sub3A_39 : vector<1x100xf32>
      %reduce_sum3A_40 = arith.constant dense<0.000000e+00> : vector<1xf32>
      %reduce_sum3A_41 = vector.multi_reduction <add>, %exp3A, %reduce_sum3A_40 [1] : vector<1x100xf32> to vector<1xf32>
      %broadcast_in_dim3A_42 = vector.shape_cast %reduce_sum3A_41 : vector<1xf32> to vector<1x1xf32>
      %log3A = math.log %broadcast_in_dim3A_42 : vector<1x1xf32>
      %sub3A_43 = vector.broadcast %log3A : vector<1x1xf32> to vector<1x100xf32>
      %sub3A_44 = arith.subf %sub3A_39, %sub3A_43 : vector<1x100xf32>
      %swap3A = arith.constant 0 : index
      %swap3A_45 = arith.constant 0 : index
      %swap3A_46 = vector.load %arg6[%swap3A, %swap3A_45] : memref<1x100xf32, #tpu.memory_space<vmem>>, vector<1x100xf32>
      tpu.vector_store %arg6[%swap3A, %swap3A_45], %sub3A_44 {strides = array<i32>} : memref<1x100xf32, #tpu.memory_space<vmem>>, vector<1x100xf32>,
    } else {
    }
    return
  }
  func.func @transform_0(%arg0: i32) -> (i32, i32) {
    %c0_i32 = arith.constant 0 : i32
    %c0_i32_0 = arith.constant 0 : i32
    return %arg0, %c0_i32 : i32, i32
  }
  func.func @transform_1(%arg0: i32) -> (i32, i32) {
    %c0_i32 = arith.constant 0 : i32
    %c0_i32_0 = arith.constant 0 : i32
    return %arg0, %c0_i32 : i32, i32
  }
  func.func @transform_2(%arg0: i32) -> (i32, i32) {
    %c0_i32 = arith.constant 0 : i32
    %c0_i32_0 = arith.constant 0 : i32
    %c0_i32_1 = arith.constant 0 : i32
    return %c0_i32, %c0_i32_0 : i32, i32
  }
  func.func @transform_3(%arg0: i32) -> (i32, i32) {
    %c0_i32 = arith.constant 0 : i32
    %c0_i32_0 = arith.constant 0 : i32
    %c0_i32_1 = arith.constant 0 : i32
    return %c0_i32, %c0_i32_0 : i32, i32
  }
  func.func @transform_4(%arg0: i32) -> (i32, i32) {
    %c0_i32 = arith.constant 0 : i32
    %c0_i32_0 = arith.constant 0 : i32
    %c0_i32_1 = arith.constant 0 : i32
    return %c0_i32, %c0_i32_0 : i32, i32
  }
  func.func @transform_5(%arg0: i32) -> (i32, i32) {
    %c0_i32 = arith.constant 0 : i32
    %c0_i32_0 = arith.constant 0 : i32
    %c0_i32_1 = arith.constant 0 : i32
    return %c0_i32, %c0_i32_0 : i32, i32
  }
}

</mosaic_0001>

<sc_bundles>
// kernel: kernel.10.cloned.1.call-start
scs
__scs_entry_jumppad:
0x0: {  	(pc) =	sbr.rel $0x88, $3  }
0x1: {  	(tag) =	ssettag $0x0;
	lr =	simm.s32 $0x1  }
0x2: {  	[smem:$0x3F95] =	sst lr;
	_ =	strace $0xD0000000  }
0x3: {  	_ = 	snop  }
0x4: {  	_ = 	snop  }
0x5: {  	_ = 	snop  }
0x6: {  	_ = 	snop  }
0x7: {  	_ = 	snop  }
__scs_overlays_trampoline_lowered:
0x8: {  	[smem:$0x3FA4] =	sst s0  }
0x9: {  	[smem:$0x3FA5] =	sst s1  }
0xa: {  	[smem:$0x3FA6] =	sst s2  }
0xb: {  	[smem:$0x3FA7] =	sst s3  }
0xc: {  	[smem:$0x3FA8] =	sst s4  }
0xd: {  	[smem:$0x3FA9] =	sst s5  }
0xe: {  	[smem:$0x3FAA] =	sst s6  }
0xf: {  	[smem:$0x3FAB] =	sst s7  }
0x10: {  	[smem:$0x3FAC] =	sst s8  }
0x11: {  	[smem:$0x3FAD] =	sst s9;
	s0 =	simm.s32 @!p0 $0x0  }
0x12: {  	s1 =	sld [smem:$0x3F93];
	s0 =	simm.s32 @p0 $0x1  }
0x13: {  	[smem:$0x3FAE] =	sst s0;
	s0 =	simm.s32 @!p1 $0x0  }
0x14: {  	s2 =	sld [smem:$0x3F92];
	s0 =	simm.s32 @p1 $0x1  }
0x15: {  	[smem:$0x3FAF] =	sst s0;
	s0 =	simm.s32 @!p2 $0x0  }
0x16: {  	s3 =	sld [smem:$0x3FDB];
	s0 =	simm.s32 @p2 $0x1  }
0x17: {  	s4 =	simm.s32 $0x1BF5;
	[smem:$0x3FB1] =	sst s0  }
0x18: {  	s0 =	sld [smem:$0x3F94];
	_ =	swait.ge [sflag:s4], $0x0  }
0x19: {  	s7 =	sld [smem:$0x3F95]  }
0x1a: {  	s8 =	sadd.s32 $0xFFFFE003, lr  }
0x1b: {  	s9 =	sadd.s32 $0xFFFFFEF7, lr;
	s5 =	simm.s32 $0xFFFFFFFF;
	p2 =	slt.u32 s8, $0xFFFFF086  }
0x1c: {  	p1 =	slt.u32 s9, $0xF7A;
	s5 =	simm.s32 @!p2 $0x0  }
0x1d: {  	s5 =	simm.s32 @p1 $0x1;
	p0 =	seq.s32 s7, s2  }
0x1e: {  	s7 =	smul.u32 @!p0 $0xF7A, s2;
	p2 =	seq.s32 @!p0 s5, $0x0  }
0x1f: {  	s9 =	smul.u32 $0xF7A, s1;
	s8 =	simm.s32 @!p0 $0x1BF5;
	p2 =	por !p2, p0  }
0x20: {  	[sflag:s8] =	ssyncset.s32 @!p0 $0xFFFFF086;
	s6 =	sadd.s32 @!p0 s3, s7;
	s7 =	simm.s32 @!p0 $0x108  }
0x21: {  	s3 =	sadd.s32 s3, s9;
	s6 =	sadd.s32 @!p0 $0x88, s6;
	s7 =	simm.s32 @p2 $0x1082  }
0x22: {  	[simem:s7], [sflag:s8] =	dma.local @!p0 [hbm:s6], $0xF7A  }
0x23: {  	s9 =	sor.u32 $0xD0000000, s2;
	s6 =	simm.s32 $0x108;
	_ =	swait.ge @!p0 [sflag:s8], $0x0  }
0x24: {  	s3 =	sadd.s32 $0x88, s3;
	s6 =	simm.s32 @!p1 $0x1082;
	[sflag:s4] =	ssyncset.s32 $0xFFFFF086  }
0x25: {  	[simem:s6], [sflag:s4] =	dma.local [hbm:s3], $0xF7A  }
0x26: {  	[smem:$0x3F95] =	sst s1;
	(tag) =	ssettag s2;
	_ =	strace s9  }
0x27: {  	s1 =	sld [smem:$0x3FA5]  }
0x28: {  	s2 =	sld [smem:$0x3FA6]  }
0x29: {  	s4 =	sld [smem:$0x3FA8]  }
0x2a: {  	p0 =	seq.s32 s5, $0x0;
	s5 =	sld [smem:$0x3FA9]  }
0x2b: {  	s6 =	sld [smem:$0x3FAA]  }
0x2c: {  	s7 =	sld [smem:$0x3FAB]  }
0x2d: {  	s3 =	simm.s32 $0x108;
	s8 =	sld [smem:$0x3FAC]  }
0x2e: {  	s3 =	simm.s32 @!p0 $0x1082;
	s9 =	sld [smem:$0x3FAD]  }
0x2f: {  	lr =	sadd.s32 s0, s3;
	s0 =	sld [smem:$0x3FA4]  }
0x30: {  	s3 =	sld [smem:$0x3FA7]  }
0x31: {  	[smem:$0x3FB0] =	sst s10  }
0x32: {  	s10 =	sld [smem:$0x3FAE];
	_ =	sdelay $0x3  }
0x33: {  	p0 =	seq.s32 s10, $0x1;
	s10 =	sld [smem:$0x3FB0];
	_ =	sdelay $0x3  }
0x34: {  	[smem:$0x3FB0] =	sst s10  }
0x35: {  	s10 =	sld [smem:$0x3FAF];
	_ =	sdelay $0x3  }
0x36: {  	p1 =	seq.s32 s10, $0x1;
	s10 =	sld [smem:$0x3FB0];
	_ =	sdelay $0x3  }
0x37: {  	[smem:$0x3FB0] =	sst s10  }
0x38: {  	s10 =	sld [smem:$0x3FB1]  }
0x39: {  	_ = 	snop;
	(pc) =	sbr.ind lr, $3  }
0x3a: {  	_ = 	snop  }
0x3b: {  	_ = 	snop  }
0x3c: {  	p2 =	seq.s32 s10, $0x1;
	s10 =	sld [smem:$0x3FB0]  }
0x3d: {  	_ =	shalt  }
0x3e: {  	_ =	shalt  }
0x3f: {  	_ =	shalt  }
0x40: {  	_ =	shalt  }
0x41: {  	_ =	shalt  }
0x42: {  	_ =	shalt  }
0x43: {  	_ =	shalt  }
0x44: {  	_ =	shalt  }
0x45: {  	_ =	shalt  }
0x46: {  	_ =	shalt  }
0x47: {  	_ =	shalt  }
0x48: {  	_ =	shalt  }
0x49: {  	_ =	shalt  }
0x4a: {  	_ =	shalt  }
0x4b: {  	_ =	shalt  }
0x4c: {  	_ =	shalt  }
0x4d: {  	_ =	shalt  }
0x4e: {  	_ =	shalt  }
0x4f: {  	_ =	shalt  }
0x50: {  	_ =	shalt  }
0x51: {  	_ =	shalt  }
0x52: {  	_ =	shalt  }
0x53: {  	_ =	shalt  }
0x54: {  	_ =	shalt  }
0x55: {  	_ =	shalt  }
0x56: {  	_ =	shalt  }
0x57: {  	_ =	shalt  }
0x58: {  	_ =	shalt  }
0x59: {  	_ =	shalt  }
0x5a: {  	_ =	shalt  }
0x5b: {  	_ =	shalt  }
0x5c: {  	_ =	shalt  }
0x5d: {  	_ =	shalt  }
0x5e: {  	_ =	shalt  }
0x5f: {  	_ =	shalt  }
0x60: {  	_ =	shalt  }
0x61: {  	_ =	shalt  }
0x62: {  	_ =	shalt  }
0x63: {  	_ =	shalt  }
0x64: {  	_ =	shalt  }
0x65: {  	_ =	shalt  }
0x66: {  	_ =	shalt  }
0x67: {  	_ =	shalt  }
0x68: {  	_ =	shalt  }
0x69: {  	_ =	shalt  }
0x6a: {  	_ =	shalt  }
0x6b: {  	_ =	shalt  }
0x6c: {  	_ =	shalt  }
0x6d: {  	_ =	shalt  }
0x6e: {  	_ =	shalt  }
0x6f: {  	_ =	shalt  }
0x70: {  	_ =	shalt  }
0x71: {  	_ =	shalt  }
0x72: {  	_ =	shalt  }
0x73: {  	_ =	shalt  }
0x74: {  	_ =	shalt  }
0x75: {  	_ =	shalt  }
0x76: {  	_ =	shalt  }
0x77: {  	_ =	shalt  }
0x78: {  	_ =	shalt  }
0x79: {  	_ =	shalt  }
0x7a: {  	_ =	shalt  }
0x7b: {  	_ =	shalt  }
0x7c: {  	_ =	shalt  }
0x7d: {  	_ =	shalt  }
0x7e: {  	_ =	shalt  }
0x7f: {  	_ =	shalt  }
0x80: {  	_ =	shalt  }
0x81: {  	_ =	shalt  }
0x82: {  	_ =	shalt  }
0x83: {  	_ =	shalt  }
0x84: {  	_ =	shalt  }
0x85: {  	_ =	shalt  }
0x86: {  	_ =	shalt  }
0x87: {  	_ =	shalt  }
.Lfunc_end0:
.L_simem_size_0:
called_computation_lowered:
.L_overlay_start_0:
0x88: {  	s2 =	sld [smem:$0x3FD9]  }
0x89: {  	s3 =	sld [smem:$0x3FFE];
	_ =	sdelay $0x1  }
0x8a: {  	s1 =	srdreg.scid  }
0x8b: {  	s0 =	sand.u32 $0x1, s1  }
0x8c: {  	s16 =	sshll.u32 s0, $0xA;
	s2 =	sadd.s32 s3, s2  }
0x8d: {  	s2 =	sadd.s32 s2, s16  }
0x8e: {  	[smem:$0x3FBC] =	sst s2  }
0x8f: {  	_ = 	snop  }
0x90: {  	(tm) =	ssettm $0x1  }
0x91: {  	s17 =	sld [smem:$0x3FFB];
	_ =	sdelay $0x3  }
0x92: {  	_ =	strace s17  }
0x93: {  	s2 =	sld [smem:$0x3FFC];
	_ =	sdelay $0x3  }
0x94: {  	_ =	strace s2  }
0x95: {  	s2 =	sld [smem:$0x3FFD];
	_ =	sdelay $0x3  }
0x96: {  	_ =	strace s2  }
0x97: {  	_ =	strace $0x8FFFFFFF  }
0x98: {  	s18 =	sld [smem:$0x3FDB];
	_ =	sdelay $0x1  }
0x99: {  	s19 =	simm.s32 $_scs_section_size  }
0x9a: {  	s4 =	simm.s32 $_size__tile_overlayer_lowered;
	s5 =	simm.s32 $_tile_overlayer_lowered  }
0x9b: {  	s22 =	simm.s32 $0x1BFF;
	s21 =	sshll.u32 s5, $0x1;
	s2 =	sadd.s32 s19, s18  }
0x9c: {  	s6 =	simm.s32 $0x0;
	s20 =	sshll.u32 s4, $0x1;
	s4 =	sadd.s32 s21, s2  }
0x9d: {  	[timem:s6], [sflag:s22] =	dma.local [hbm:s4], s20  }
0x9e: {  	_ =	swait.ge [sflag:s22], s20  }
0x9f: {  	s3 =	ssub.s32 $0x0, s20;
	[sflag:s22] =	ssyncset.done $0x0  }
0xa0: {  	[sflag:s22] =	ssyncadd.s32 s3;
	_ =	sdelay $0x1  }
0xa1: {  	s23 =	simm.s32 $0x1B8B  }
0xa2: {  	_ =	swait.ge [sflag:s23], $0x1  }
0xa3: {  	[sflag:s23] =	ssyncset.done $0x0  }
0xa4: {  	s25 =	simm.s32 $0x1B8E;
	s24 =	sld [smem:$0x3FFE];
	[sflag:s23] =	ssyncadd.s32 $0xFFFFFFFF  }
0xa5: {  	s26 =	simm.s32 $execute0_lowered;
	[smem:$0x3FD2] =	sst s25  }
0xa6: {  	s4 =	sshll.u32 s26, $0x1;
	_ =	strace $0x80000046;
	[dreg:$0x1] =	wrdreg $0xFFFFFFFF  }
0xa7: {  	s28 =	simm.s32 $_size_execute0_lowered;
	s2 =	sadd.s32 s2, s4;
	[dreg:$0x0] =	wrdreg $0x0  }
0xa8: {  	s4 =	sshll.u32 s28, $0x1;
	[dreg:$0x2] =	wrdreg s2  }
0xa9: {  	[dreg:$0x3] =	wrdreg s4  }
0xaa: {  	[dreg:$0x4] =	wrdreg $0xC0  }
0xab: {  	_ =	task [dreg:s6], $0x5FFFF  }
0xac: {  	[dreg:$0x1] =	wrdreg $0xFFFFFFFF  }
0xad: {  	[dreg:$0x0] =	wrdreg $0x60  }
0xae: {  	[dreg:$0x2] =	wrdreg s24  }
0xaf: {  	[dreg:$0x3] =	wrdreg $0xA8000  }
0xb0: {  	[dreg:$0x4] =	wrdreg $0x9  }
0xb1: {  	_ =	task.clear_ibuf [dreg:s6], $0x5FFFF;
	_ =	strace $0x90000046  }
0xb2: {  	s29 =	simm.s32 $0x9;
	_ =	strace $0x80000048  }
0xb3: {  	_ =	swait.ge [sflag:s29], $0x1  }
0xb4: {  	[sflag:s29] =	ssyncadd.s32 $0xFFFFFFFF  }
0xb5: {  	_ =	strace $0x90000048  }
0xb6: {  	_ =	sfence  }
0xb7: {  	s30 =	sld [smem:$0x0];
	_ =	sdelay $0x2  }
0xb8: {  	s31 =	sshll.u32 s1, $0xD;
	s1 =	sshrl.u32 s1, $0x2  }
0xb9: {  	s3 =	sand.u32 $0x4000, s31;
	s1 =	sadd.s32 s1, s30  }
0xba: {  	s0 =	sor.u32 s3, s0;
	s1 =	sshll.u32 s1, $0x11  }
0xbb: {  	s0 =	sor.u32 s1, s0  }
0xbc: {  	s0 =	sadd.s32 $0x8F2B, s0  }
0xbd: {  	[sflag:s0] =	ssyncadd.remote.s32 $0x1  }
0xbe: {  	_ =	sfence.sel $0xFFFF  }
0xbf: {  	[dreg:$0x0] =	wrdreg $0xFFFFFFFF;
	(pc) =	sbr.abs _section_cstart, $3  }
0xc0: {  	[dreg:$0x1] =	wrdreg $0xFFFFFFFF  }
0xc1: {  	_ =	task.clear_ibuf [dreg:s6], $0x2FFFF;
	_ =	strace $0x9FFFFFFF  }
0xc2: {  	(tm) =	ssettm $0x7FFFFFFF  }
0xc3: {  	_ =	shalt  }
tec
execute0_lowered:
.L_overlay_start_1:
0x0: {  	(tag) =	ssettag $0x1  }
0x1: {  	s0 =	rddreg [dreg:$0x0]  }
0x2: {  	s1 =	rddreg [dreg:$0x1];
	s3 =	simm.s32 $0x0;
	s11 =	stileid.u32  }
0x3: {  	s2 =	srdreg.scid;
	s21 =	simm.s32 $0x3;
	s22 =	simm.s32 $0x1400  }
0x4: {  	s28 =	simm.s32 $0x2;
	[smem:$0x7FF] =	sst s3;
	s4 =	sadd.s32 $0xE400, s0  }
0x5: {  	s7 =	smul.u32 $0x2700, s11;
	s2 =	sand.u32 $0x1, s2;
	s5 =	sadd.s32 $0x35600, s0  }
0x6: {  	s8 =	smul.u32 $0x4E000, s11;
	s10 =	sadd.s32 $0x9400, s0;
	s20 =	sadd.s32 $0x4400, s0  }
0x7: {  	p2 =	seq.s32 s11, $0xF;
	s25 =	sadd.s32 $0x35400, s0;
	s26 =	smul.u32 $0x2800, s11  }
0x8: {  	s29 =	sadd.s32 $0x5C600, s0;
	s14 =	sadd.s32 $0x83800, s0;
	s15 =	sadd.s32 $0xAAA00, s0  }
0x9: {  	_ =	strace $0x80000047;
	s6 =	ssub.s32 $0x2, s2;
	[dreg:$0x5] =	wrdreg s25  }
0xa: {  	p1 =	seq.s32 s2, $0x0;
	p0 =	seq.s32 s2, $0x1;
	[dreg:$0x6] =	wrdreg s29  }
0xb: {  	p3 =	sne.s32 s2, $0x0;
	s25 =	simm.s32 $0x6800;
	s9 =	sshrl.u32 s6, $0x1  }
0xc: {  	s13 =	sadd.s32 s7, s0;
	s23 =	sshrl.u32 s8, $0x2;
	s24 =	sadd.s32 s4, s7  }
0xd: {  	p1 =	por !p1, !p2;
	s7 =	sadd.s32 s5, s7;
	p2 =	por !p2, !p0  }
0xe: {  	s16 =	ssub.s32 s6, s9;
	s6 =	sadd.s32 s23, s1;
	[dreg:$0x3] =	wrdreg s24  }
0xf: {  	[dreg:$0x4] =	wrdreg s7;
	p1 =	por !p1, !p1;
	s9 =	sadd.s32 $0x138000, s1  }
.Ltmp0:
0x10: {  	p2 =	por !p2, !p2;
	s30 =	sadd.s32 $0x5C800, s13;
	(pc) =	sbr.rel .LBB2_1-.Ltmp0, $4  }
0x11: {  	s13 =	sadd.s32 $0x83A00, s13;
	s7 =	sshrl.u32 s26, $0x3;
	s23 =	simm.s32 $0x80  }
0x12: {  	s24 =	simm.s32 $0x2800;
	s26 =	simm.s32 $0x1;
	[dreg:$0x7] =	wrdreg s30  }
0x13: {  	s16 =	smax.u32 s16, $0x1;
	s31 =	sadd.s32 $0x280, s7;
	s17 =	sadd.s32 s10, s7  }
0x14: {  	s18 =	sadd.s32 s20, s7;
	s19 =	sadd.s32 s10, s31;
	s20 =	sadd.s32 s20, s31  }
.LBB2_12:
0x15: {  	s2 =	sshra.s32 s10, $0x2;
	[sflag:s21] =	ssyncadd.s32 $0xFFFFC000  }
0x16: {  	[tilespmem:s24], [sflag:$0x1] =	stream.indirect.gather [hbm4b:s5+s23], $0x80, s2, s23, $0xb8;
	[tilespmem:$0x1E0C0] =	vst v63  }
0x17: {  	s10 =	sadd.s32 $0x80, s2  }
0x18: {  	[tilespmem:s25], [sflag:$0x2] =	stream.indirect.gather [hbm4b:s5+s23], $0x80, s10, s23, $0xb8;
	[tilespmem:$0x1E0C0] =	vst v63  }
0x19: {  	_ =	swait.ge [sflag:s26], $0x4000  }
0x1a: {  	[sflag:s26] =	ssyncset.done $0x0  }
0x1b: {  	s12 =	sadd.s32 $0x1400, s2;
	[sflag:s26] =	ssyncadd.s32 $0xFFFFC000  }
0x1c: {  	[spmem:s1] =	stream.indirect.scatter.add.f32 [tilespmem:s24], [sflag:$0x3], $0x80, s12, s23, $0xb8;
	[tilespmem:$0x1E0C0] =	vst v63  }
0x1d: {  	_ =	swait.ge [sflag:s21], $0x4000  }
0x1e: {  	[sflag:s21] =	ssyncset.done $0x0  }
0x1f: {  	[sflag:s21] =	ssyncadd.s32 $0xFFFFC000  }
0x20: {  	_ =	swait.ge [sflag:s28], $0x4000  }
0x21: {  	[sflag:s28] =	ssyncset.done $0x0  }
0x22: {  	s2 =	sadd.s32 $0x1480, s2;
	[sflag:s28] =	ssyncadd.s32 $0xFFFFC000  }
0x23: {  	[spmem:s1] =	stream.indirect.scatter.add.f32 [tilespmem:s25], [sflag:$0x3], $0x80, s2, s23, $0xb8;
	[tilespmem:$0x1E0C0] =	vst v63  }
0x24: {  	_ =	swait.ge [sflag:s21], $0x4000  }
0x25: {  	[sflag:s21] =	ssyncset.done $0x0  }
0x26: {  	[sflag:s21] =	ssyncadd.s32 $0xFFFFC000  }
.LBB2_13:
0x27: {  	[bflag:$0x0] =	sbarrier.arrive $0xFFFF  }
0x28: {  	s2 =	rddreg [dreg:$0x7]  }
0x29: {  	[hbm:s2], [sflag:s29] =	dma.local @!p3 [spmem:s30], $0x2700  }
0x2a: {  	s2 =	simm.s32 @!p3 $0x3  }
0x2b: {  	_ =	swait.ge @!p3 [sflag:s2], $0x2700  }
0x2c: {  	[sflag:s2] =	ssyncset.done @!p3 $0x0  }
0x2d: {  	[sflag:s2] =	ssyncadd.s32 @!p3 $0xFFFFD900  }
0x2e: {  	[hbm:s13], [sflag:s31] =	dma.local @p0 [spmem:s0], $0x2700  }
0x2f: {  	s0 =	simm.s32 @p0 $0x3  }
0x30: {  	_ =	swait.ge @p0 [sflag:s0], $0x2700  }
0x31: {  	[sflag:s0] =	ssyncset.done @p0 $0x0  }
0x32: {  	[sflag:s0] =	ssyncadd.s32 @p0 $0xFFFFD900;
	s0 =	simm.s32 @p1 $0x1FC3  }
0x33: {  	[hbm:s14], [sflag:s0] =	dma.local @p1 [spmem:s7], $0x100  }
0x34: {  	s0 =	simm.s32 @p1 $0x3  }
0x35: {  	_ =	swait.ge @p1 [sflag:s0], $0x100  }
0x36: {  	s3 =	sadd.s32 $0x1, s3;
	[sflag:s0] =	ssyncset.done @p1 $0x0  }
0x37: {  	p4 =	sne.s32 s3, s16;
	[sflag:s0] =	ssyncadd.s32 @p1 $0xFFFFFF00;
	s0 =	simm.s32 @p2 $0x1FC3  }
0x38: {  	[hbm:s15], [sflag:s0] =	dma.local @p2 [spmem:s8], $0x100  }
.Ltmp1:
0x39: {  	_ = 	snop;
	(pc) =	sbr.rel @!p4 .LBB2_14-.Ltmp1, $4  }
0x3a: {  	s0 =	simm.s32 @p2 $0x3  }
0x3b: {  	_ =	swait.ge @p2 [sflag:s0], $0x100  }
0x3c: {  	[sflag:s0] =	ssyncset.done @p2 $0x0  }
0x3d: {  	[sflag:s0] =	ssyncadd.s32 @p2 $0xFFFFFF00  }
.LBB2_1:
0x3e: {  	s2 =	stileid.u32  }
0x3f: {  	s0 =	sshll.u32 @!p3 s2, $0x6  }
0x40: {  	s30 =	sshrl.u32 @!p3 s6, $0x3;
	s29 =	sor.u32 @!p3 $0x1C03, s0;
	s0 =	rddreg [dreg:$0x3]  }
0x41: {  	[spmem:s30], [sflag:s29] =	dma.local @!p3 [hbm:s0], $0x2700  }
0x42: {  	s0 =	simm.s32 @!p3 $0x3  }
0x43: {  	s2 =	sshll.u32 @p0 s2, $0x6;
	_ =	swait.ge @!p3 [sflag:s0], $0x2700  }
0x44: {  	s31 =	sor.u32 @p0 $0x1C03, s2;
	[sflag:s0] =	ssyncset.done @!p3 $0x0  }
0x45: {  	s2 =	rddreg [dreg:$0x4];
	[sflag:s0] =	ssyncadd.s32 @!p3 $0xFFFFD900;
	s0 =	sshrl.u32 @p0 s6, $0x3  }
0x46: {  	[spmem:s0], [sflag:s31] =	dma.local @p0 [hbm:s2], $0x2700  }
0x47: {  	s2 =	simm.s32 @p0 $0x3  }
0x48: {  	_ =	swait.ge @p0 [sflag:s2], $0x2700  }
0x49: {  	s7 =	sshrl.u32 @p1 s9, $0x3;
	[sflag:s2] =	ssyncset.done @p0 $0x0  }
0x4a: {  	s8 =	rddreg [dreg:$0x5];
	[sflag:s2] =	ssyncadd.s32 @p0 $0xFFFFD900;
	s2 =	simm.s32 @p1 $0x1FC3  }
0x4b: {  	[spmem:s7], [sflag:s2] =	dma.local @p1 [hbm:s8], $0x100  }
0x4c: {  	s2 =	simm.s32 @p1 $0x3  }
0x4d: {  	_ =	swait.ge @p1 [sflag:s2], $0x100  }
0x4e: {  	s8 =	sshrl.u32 @p2 s9, $0x3;
	[sflag:s2] =	ssyncset.done @p1 $0x0  }
0x4f: {  	s10 =	rddreg [dreg:$0x6];
	[sflag:s2] =	ssyncadd.s32 @p1 $0xFFFFFF00;
	s2 =	simm.s32 @p2 $0x1FC3  }
0x50: {  	[spmem:s8], [sflag:s2] =	dma.local @p2 [hbm:s10], $0x100  }
0x51: {  	s2 =	simm.s32 @p2 $0x3  }
.Ltmp2:
0x52: {  	_ =	swait.ge @p2 [sflag:s2], $0x100;
	(pc) =	sbr.rel @p3 .LBB2_7-.Ltmp2, $3  }
0x53: {  	[sflag:s2] =	ssyncset.done @p2 $0x0  }
0x54: {  	[sflag:s2] =	ssyncadd.s32 @p2 $0xFFFFFF00  }
0x55: {  	[bflag:$0x0] =	sbarrier.arrive $0xFFFF;
	_ =	sdelay $0x1  }
0x56: {  	s2 =	simm.s32 $0x0  }
0x57: {  	[tilespmem:s2], [sflag:$0x3] =	stream.linear.gather [hbm4b:s17+s2], $0x1400, $0x38;
	[tilespmem:$0x1E0C0] =	vst v63  }
0x58: {  	_ =	swait.ge [sflag:s21], $0x1400  }
0x59: {  	[sflag:s21] =	ssyncset.done $0x0  }
0x5a: {  	[sflag:s21] =	ssyncadd.s32 $0xFFFFEC00  }
0x5b: {  	[tilespmem:s22], [sflag:$0x3] =	stream.linear.gather [hbm4b:s18+s2], $0x1400, $0x38;
	[tilespmem:$0x1E0C0] =	vst v63  }
0x5c: {  	_ =	swait.ge [sflag:s21], $0x1400  }
0x5d: {  	[sflag:s21] =	ssyncset.done $0x0  }
0x5e: {  	s12 =	simm.s32 $0x0;
	[sflag:s21] =	ssyncadd.s32 $0xFFFFEC00  }
0x5f: {  	[tilespmem:s24], [sflag:$0x1] =	stream.indirect.gather [hbm4b:s4+s23], $0x80, s12, s23, $0xb8;
	[tilespmem:$0x1E0C0] =	vst v63  }
0x60: {  	s10 =	simm.s32 $0x80  }
0x61: {  	[tilespmem:s25], [sflag:$0x2] =	stream.indirect.gather [hbm4b:s4+s23], $0x80, s10, s23, $0xb8;
	[tilespmem:$0x1E0C0] =	vst v63  }
0x62: {  	_ =	swait.ge [sflag:s26], $0x4000  }
0x63: {  	[sflag:s26] =	ssyncset.done $0x0  }
0x64: {  	s11 =	simm.s32 $0x1400;
	[sflag:s26] =	ssyncadd.s32 $0xFFFFC000  }
0x65: {  	[spmem:s1] =	stream.indirect.scatter.add.f32 [tilespmem:s24], [sflag:$0x3], $0x80, s11, s23, $0xb8;
	[tilespmem:$0x1E0C0] =	vst v63  }
0x66: {  	_ =	swait.ge [sflag:s21], $0x4000  }
0x67: {  	[sflag:s21] =	ssyncset.done $0x0  }
0x68: {  	[sflag:s21] =	ssyncadd.s32 $0xFFFFC000  }
0x69: {  	_ =	swait.ge [sflag:s28], $0x4000  }
0x6a: {  	[sflag:s28] =	ssyncset.done $0x0  }
0x6b: {  	s12 =	simm.s32 $0x1480;
	[sflag:s28] =	ssyncadd.s32 $0xFFFFC000  }
0x6c: {  	[spmem:s1] =	stream.indirect.scatter.add.f32 [tilespmem:s25], [sflag:$0x3], $0x80, s12, s23, $0xb8;
	[tilespmem:$0x1E0C0] =	vst v63  }
0x6d: {  	_ =	swait.ge [sflag:s21], $0x4000  }
0x6e: {  	s2 =	simm.s32 $0x800;
	s10 =	simm.s32 $0x400;
	[sflag:s21] =	ssyncset.done $0x0  }
.LBB2_3:
0x6f: {  	s11 =	sshra.s32 s10, $0x2  }
0x70: {  	[sflag:s21] =	ssyncadd.s32 $0xFFFFC000;
	s10 =	smov.u32 s2;
	s12 =	sadd.s32 $0x400, s2  }
0x71: {  	[tilespmem:s24], [sflag:$0x1] =	stream.indirect.gather [hbm4b:s4+s23], $0x80, s11, s23, $0xb8;
	[tilespmem:$0x1E0C0] =	vst v63  }
0x72: {  	p4 =	sne.s32 s2, $0x4C00;
	s2 =	sadd.s32 $0x80, s11  }
0x73: {  	[tilespmem:s25], [sflag:$0x2] =	stream.indirect.gather [hbm4b:s4+s23], $0x80, s2, s23, $0xb8;
	[tilespmem:$0x1E0C0] =	vst v63  }
0x74: {  	_ =	swait.ge [sflag:s26], $0x4000  }
0x75: {  	[sflag:s26] =	ssyncset.done $0x0  }
0x76: {  	s2 =	sadd.s32 $0x1400, s11;
	[sflag:s26] =	ssyncadd.s32 $0xFFFFC000  }
0x77: {  	[spmem:s1] =	stream.indirect.scatter.add.f32 [tilespmem:s24], [sflag:$0x3], $0x80, s2, s23, $0xb8;
	[tilespmem:$0x1E0C0] =	vst v63  }
0x78: {  	_ =	swait.ge [sflag:s21], $0x4000  }
0x79: {  	[sflag:s21] =	ssyncset.done $0x0  }
0x7a: {  	[sflag:s21] =	ssyncadd.s32 $0xFFFFC000  }
0x7b: {  	_ =	swait.ge [sflag:s28], $0x4000  }
.Ltmp3:
0x7c: {  	[sflag:s28] =	ssyncset.done $0x0;
	(pc) =	sbr.rel @p4 .LBB2_3-.Ltmp3, $4  }
0x7d: {  	s2 =	sadd.s32 $0x1480, s11;
	[sflag:s28] =	ssyncadd.s32 $0xFFFFC000  }
0x7e: {  	[spmem:s1] =	stream.indirect.scatter.add.f32 [tilespmem:s25], [sflag:$0x3], $0x80, s2, s23, $0xb8;
	[tilespmem:$0x1E0C0] =	vst v63  }
0x7f: {  	_ =	swait.ge [sflag:s21], $0x4000  }
0x80: {  	s2 =	smov.u32 s12;
	[sflag:s21] =	ssyncset.done $0x0  }
0x81: {  	s2 =	sshra.s32 s10, $0x2;
	[sflag:s21] =	ssyncadd.s32 $0xFFFFC000  }
0x82: {  	[tilespmem:s24], [sflag:$0x1] =	stream.indirect.gather [hbm4b:s4+s23], $0x80, s2, s23, $0xb8;
	[tilespmem:$0x1E0C0] =	vst v63  }
0x83: {  	s10 =	sadd.s32 $0x80, s2  }
0x84: {  	[tilespmem:s25], [sflag:$0x2] =	stream.indirect.gather [hbm4b:s4+s23], $0x80, s10, s23, $0xb8;
	[tilespmem:$0x1E0C0] =	vst v63  }
0x85: {  	_ =	swait.ge [sflag:s26], $0x4000  }
0x86: {  	[sflag:s26] =	ssyncset.done $0x0  }
0x87: {  	s12 =	sadd.s32 $0x1400, s2;
	[sflag:s26] =	ssyncadd.s32 $0xFFFFC000  }
0x88: {  	[spmem:s1] =	stream.indirect.scatter.add.f32 [tilespmem:s24], [sflag:$0x3], $0x80, s12, s23, $0xb8;
	[tilespmem:$0x1E0C0] =	vst v63  }
0x89: {  	_ =	swait.ge [sflag:s21], $0x4000  }
0x8a: {  	[sflag:s21] =	ssyncset.done $0x0  }
0x8b: {  	[sflag:s21] =	ssyncadd.s32 $0xFFFFC000  }
0x8c: {  	_ =	swait.ge [sflag:s28], $0x4000  }
0x8d: {  	[sflag:s28] =	ssyncset.done $0x0  }
0x8e: {  	s2 =	sadd.s32 $0x1480, s2;
	[sflag:s28] =	ssyncadd.s32 $0xFFFFC000  }
0x8f: {  	[spmem:s1] =	stream.indirect.scatter.add.f32 [tilespmem:s25], [sflag:$0x3], $0x80, s2, s23, $0xb8;
	[tilespmem:$0x1E0C0] =	vst v63  }
0x90: {  	_ =	swait.ge [sflag:s21], $0x4000  }
0x91: {  	[sflag:s21] =	ssyncset.done $0x0  }
0x92: {  	s11 =	simm.s32 $0x0;
	[sflag:s21] =	ssyncadd.s32 $0xFFFFC000  }
0x93: {  	[tilespmem:s11], [sflag:$0x3] =	stream.linear.gather [hbm4b:s19+s11], $0x1400, $0x38;
	[tilespmem:$0x1E0C0] =	vst v63  }
0x94: {  	_ =	swait.ge [sflag:s21], $0x1400  }
0x95: {  	[sflag:s21] =	ssyncset.done $0x0  }
0x96: {  	[sflag:s21] =	ssyncadd.s32 $0xFFFFEC00  }
0x97: {  	[tilespmem:s22], [sflag:$0x3] =	stream.linear.gather [hbm4b:s20+s11], $0x1400, $0x38;
	[tilespmem:$0x1E0C0] =	vst v63  }
0x98: {  	_ =	swait.ge [sflag:s21], $0x1400  }
0x99: {  	[sflag:s21] =	ssyncset.done $0x0  }
0x9a: {  	s12 =	simm.s32 $0x0;
	[sflag:s21] =	ssyncadd.s32 $0xFFFFEC00  }
0x9b: {  	[tilespmem:s24], [sflag:$0x1] =	stream.indirect.gather [hbm4b:s4+s23], $0x80, s12, s23, $0xb8;
	[tilespmem:$0x1E0C0] =	vst v63  }
0x9c: {  	s10 =	simm.s32 $0x80  }
0x9d: {  	[tilespmem:s25], [sflag:$0x2] =	stream.indirect.gather [hbm4b:s4+s23], $0x80, s10, s23, $0xb8;
	[tilespmem:$0x1E0C0] =	vst v63  }
0x9e: {  	_ =	swait.ge [sflag:s26], $0x4000  }
0x9f: {  	[sflag:s26] =	ssyncset.done $0x0  }
0xa0: {  	s11 =	simm.s32 $0x1400;
	[sflag:s26] =	ssyncadd.s32 $0xFFFFC000  }
0xa1: {  	[spmem:s1] =	stream.indirect.scatter.add.f32 [tilespmem:s24], [sflag:$0x3], $0x80, s11, s23, $0xb8;
	[tilespmem:$0x1E0C0] =	vst v63  }
0xa2: {  	_ =	swait.ge [sflag:s21], $0x4000  }
0xa3: {  	[sflag:s21] =	ssyncset.done $0x0  }
0xa4: {  	[sflag:s21] =	ssyncadd.s32 $0xFFFFC000  }
0xa5: {  	_ =	swait.ge [sflag:s28], $0x4000  }
0xa6: {  	[sflag:s28] =	ssyncset.done $0x0  }
0xa7: {  	s12 =	simm.s32 $0x1480;
	[sflag:s28] =	ssyncadd.s32 $0xFFFFC000  }
0xa8: {  	[spmem:s1] =	stream.indirect.scatter.add.f32 [tilespmem:s25], [sflag:$0x3], $0x80, s12, s23, $0xb8;
	[tilespmem:$0x1E0C0] =	vst v63  }
0xa9: {  	_ =	swait.ge [sflag:s21], $0x4000  }
0xaa: {  	s2 =	simm.s32 $0x800;
	s10 =	simm.s32 $0x400;
	[sflag:s21] =	ssyncset.done $0x0  }
.LBB2_5:
0xab: {  	s11 =	sshra.s32 s10, $0x2  }
0xac: {  	[sflag:s21] =	ssyncadd.s32 $0xFFFFC000;
	s10 =	smov.u32 s2;
	s12 =	sadd.s32 $0x400, s2  }
0xad: {  	[tilespmem:s24], [sflag:$0x1] =	stream.indirect.gather [hbm4b:s4+s23], $0x80, s11, s23, $0xb8;
	[tilespmem:$0x1E0C0] =	vst v63  }
0xae: {  	p4 =	sne.s32 s2, $0x4C00;
	s2 =	sadd.s32 $0x80, s11  }
0xaf: {  	[tilespmem:s25], [sflag:$0x2] =	stream.indirect.gather [hbm4b:s4+s23], $0x80, s2, s23, $0xb8;
	[tilespmem:$0x1E0C0] =	vst v63  }
0xb0: {  	_ =	swait.ge [sflag:s26], $0x4000  }
0xb1: {  	[sflag:s26] =	ssyncset.done $0x0  }
0xb2: {  	s2 =	sadd.s32 $0x1400, s11;
	[sflag:s26] =	ssyncadd.s32 $0xFFFFC000  }
0xb3: {  	[spmem:s1] =	stream.indirect.scatter.add.f32 [tilespmem:s24], [sflag:$0x3], $0x80, s2, s23, $0xb8;
	[tilespmem:$0x1E0C0] =	vst v63  }
0xb4: {  	_ =	swait.ge [sflag:s21], $0x4000  }
0xb5: {  	[sflag:s21] =	ssyncset.done $0x0  }
0xb6: {  	[sflag:s21] =	ssyncadd.s32 $0xFFFFC000  }
0xb7: {  	_ =	swait.ge [sflag:s28], $0x4000  }
.Ltmp4:
0xb8: {  	[sflag:s28] =	ssyncset.done $0x0;
	(pc) =	sbr.rel @p4 .LBB2_5-.Ltmp4, $4  }
0xb9: {  	s2 =	sadd.s32 $0x1480, s11;
	[sflag:s28] =	ssyncadd.s32 $0xFFFFC000  }
0xba: {  	[spmem:s1] =	stream.indirect.scatter.add.f32 [tilespmem:s25], [sflag:$0x3], $0x80, s2, s23, $0xb8;
	[tilespmem:$0x1E0C0] =	vst v63  }
0xbb: {  	_ =	swait.ge [sflag:s21], $0x4000  }
0xbc: {  	s2 =	smov.u32 s12;
	[sflag:s21] =	ssyncset.done $0x0  }
0xbd: {  	s2 =	sshra.s32 s10, $0x2;
	[sflag:s21] =	ssyncadd.s32 $0xFFFFC000  }
0xbe: {  	[tilespmem:s24], [sflag:$0x1] =	stream.indirect.gather [hbm4b:s4+s23], $0x80, s2, s23, $0xb8;
	[tilespmem:$0x1E0C0] =	vst v63  }
0xbf: {  	s10 =	sadd.s32 $0x80, s2  }
0xc0: {  	[tilespmem:s25], [sflag:$0x2] =	stream.indirect.gather [hbm4b:s4+s23], $0x80, s10, s23, $0xb8;
	[tilespmem:$0x1E0C0] =	vst v63  }
0xc1: {  	_ =	swait.ge [sflag:s26], $0x4000  }
0xc2: {  	[sflag:s26] =	ssyncset.done $0x0  }
0xc3: {  	s12 =	sadd.s32 $0x1400, s2;
	[sflag:s26] =	ssyncadd.s32 $0xFFFFC000  }
0xc4: {  	[spmem:s1] =	stream.indirect.scatter.add.f32 [tilespmem:s24], [sflag:$0x3], $0x80, s12, s23, $0xb8;
	[tilespmem:$0x1E0C0] =	vst v63  }
0xc5: {  	_ =	swait.ge [sflag:s21], $0x4000  }
0xc6: {  	[sflag:s21] =	ssyncset.done $0x0  }
0xc7: {  	[sflag:s21] =	ssyncadd.s32 $0xFFFFC000  }
0xc8: {  	_ =	swait.ge [sflag:s28], $0x4000  }
0xc9: {  	[sflag:s28] =	ssyncset.done $0x0  }
0xca: {  	s2 =	sadd.s32 $0x1480, s2;
	[sflag:s28] =	ssyncadd.s32 $0xFFFFC000  }
0xcb: {  	[spmem:s1] =	stream.indirect.scatter.add.f32 [tilespmem:s25], [sflag:$0x3], $0x80, s2, s23, $0xb8;
	[tilespmem:$0x1E0C0] =	vst v63  }
0xcc: {  	_ =	swait.ge [sflag:s21], $0x4000  }
0xcd: {  	[sflag:s21] =	ssyncset.done $0x0  }
0xce: {  	[sflag:s21] =	ssyncadd.s32 $0xFFFFC000  }
.LBB2_7:
.Ltmp5:
0xcf: {  	(pc) =	sbr.rel @!p0 .LBB2_13-.Ltmp5, $1  }
0xd0: {  	_ =	sdelay $0x3  }
0xd1: {  	s2 =	simm.s32 $0x0  }
0xd2: {  	[tilespmem:s2], [sflag:$0x3] =	stream.linear.gather [hbm4b:s17+s2], $0x1400, $0x38;
	[tilespmem:$0x1E0C0] =	vst v63  }
0xd3: {  	_ =	swait.ge [sflag:s21], $0x1400  }
0xd4: {  	[sflag:s21] =	ssyncset.done $0x0  }
0xd5: {  	[sflag:s21] =	ssyncadd.s32 $0xFFFFEC00  }
0xd6: {  	[tilespmem:s22], [sflag:$0x3] =	stream.linear.gather [hbm4b:s18+s2], $0x1400, $0x38;
	[tilespmem:$0x1E0C0] =	vst v63  }
0xd7: {  	_ =	swait.ge [sflag:s21], $0x1400  }
0xd8: {  	[sflag:s21] =	ssyncset.done $0x0  }
0xd9: {  	s12 =	simm.s32 $0x0;
	[sflag:s21] =	ssyncadd.s32 $0xFFFFEC00  }
0xda: {  	[tilespmem:s24], [sflag:$0x1] =	stream.indirect.gather [hbm4b:s5+s23], $0x80, s12, s23, $0xb8;
	[tilespmem:$0x1E0C0] =	vst v63  }
0xdb: {  	s10 =	simm.s32 $0x80  }
0xdc: {  	[tilespmem:s25], [sflag:$0x2] =	stream.indirect.gather [hbm4b:s5+s23], $0x80, s10, s23, $0xb8;
	[tilespmem:$0x1E0C0] =	vst v63  }
0xdd: {  	_ =	swait.ge [sflag:s26], $0x4000  }
0xde: {  	[sflag:s26] =	ssyncset.done $0x0  }
0xdf: {  	s11 =	simm.s32 $0x1400;
	[sflag:s26] =	ssyncadd.s32 $0xFFFFC000  }
0xe0: {  	[spmem:s1] =	stream.indirect.scatter.add.f32 [tilespmem:s24], [sflag:$0x3], $0x80, s11, s23, $0xb8;
	[tilespmem:$0x1E0C0] =	vst v63  }
0xe1: {  	_ =	swait.ge [sflag:s21], $0x4000  }
0xe2: {  	[sflag:s21] =	ssyncset.done $0x0  }
0xe3: {  	[sflag:s21] =	ssyncadd.s32 $0xFFFFC000  }
0xe4: {  	_ =	swait.ge [sflag:s28], $0x4000  }
0xe5: {  	[sflag:s28] =	ssyncset.done $0x0  }
0xe6: {  	s12 =	simm.s32 $0x1480;
	[sflag:s28] =	ssyncadd.s32 $0xFFFFC000  }
0xe7: {  	[spmem:s1] =	stream.indirect.scatter.add.f32 [tilespmem:s25], [sflag:$0x3], $0x80, s12, s23, $0xb8;
	[tilespmem:$0x1E0C0] =	vst v63  }
0xe8: {  	_ =	swait.ge [sflag:s21], $0x4000  }
0xe9: {  	s2 =	simm.s32 $0x800;
	s10 =	simm.s32 $0x400;
	[sflag:s21] =	ssyncset.done $0x0  }
.LBB2_9:
0xea: {  	s11 =	sshra.s32 s10, $0x2  }
0xeb: {  	[sflag:s21] =	ssyncadd.s32 $0xFFFFC000;
	s10 =	smov.u32 s2;
	s12 =	sadd.s32 $0x400, s2  }
0xec: {  	[tilespmem:s24], [sflag:$0x1] =	stream.indirect.gather [hbm4b:s5+s23], $0x80, s11, s23, $0xb8;
	[tilespmem:$0x1E0C0] =	vst v63  }
0xed: {  	p4 =	sne.s32 s2, $0x4C00;
	s2 =	sadd.s32 $0x80, s11  }
0xee: {  	[tilespmem:s25], [sflag:$0x2] =	stream.indirect.gather [hbm4b:s5+s23], $0x80, s2, s23, $0xb8;
	[tilespmem:$0x1E0C0] =	vst v63  }
0xef: {  	_ =	swait.ge [sflag:s26], $0x4000  }
0xf0: {  	[sflag:s26] =	ssyncset.done $0x0  }
0xf1: {  	s2 =	sadd.s32 $0x1400, s11;
	[sflag:s26] =	ssyncadd.s32 $0xFFFFC000  }
0xf2: {  	[spmem:s1] =	stream.indirect.scatter.add.f32 [tilespmem:s24], [sflag:$0x3], $0x80, s2, s23, $0xb8;
	[tilespmem:$0x1E0C0] =	vst v63  }
0xf3: {  	_ =	swait.ge [sflag:s21], $0x4000  }
0xf4: {  	[sflag:s21] =	ssyncset.done $0x0  }
0xf5: {  	[sflag:s21] =	ssyncadd.s32 $0xFFFFC000  }
0xf6: {  	_ =	swait.ge [sflag:s28], $0x4000  }
.Ltmp6:
0xf7: {  	[sflag:s28] =	ssyncset.done $0x0;
	(pc) =	sbr.rel @p4 .LBB2_9-.Ltmp6, $4  }
0xf8: {  	s2 =	sadd.s32 $0x1480, s11;
	[sflag:s28] =	ssyncadd.s32 $0xFFFFC000  }
0xf9: {  	[spmem:s1] =	stream.indirect.scatter.add.f32 [tilespmem:s25], [sflag:$0x3], $0x80, s2, s23, $0xb8;
	[tilespmem:$0x1E0C0] =	vst v63  }
0xfa: {  	_ =	swait.ge [sflag:s21], $0x4000  }
0xfb: {  	s2 =	smov.u32 s12;
	[sflag:s21] =	ssyncset.done $0x0  }
0xfc: {  	s2 =	sshra.s32 s10, $0x2;
	[sflag:s21] =	ssyncadd.s32 $0xFFFFC000  }
0xfd: {  	[tilespmem:s24], [sflag:$0x1] =	stream.indirect.gather [hbm4b:s5+s23], $0x80, s2, s23, $0xb8;
	[tilespmem:$0x1E0C0] =	vst v63  }
0xfe: {  	s10 =	sadd.s32 $0x80, s2  }
0xff: {  	[tilespmem:s25], [sflag:$0x2] =	stream.indirect.gather [hbm4b:s5+s23], $0x80, s10, s23, $0xb8;
	[tilespmem:$0x1E0C0] =	vst v63  }
0x100: {  	_ =	swait.ge [sflag:s26], $0x4000  }
0x101: {  	[sflag:s26] =	ssyncset.done $0x0  }
0x102: {  	s12 =	sadd.s32 $0x1400, s2;
	[sflag:s26] =	ssyncadd.s32 $0xFFFFC000  }
0x103: {  	[spmem:s1] =	stream.indirect.scatter.add.f32 [tilespmem:s24], [sflag:$0x3], $0x80, s12, s23, $0xb8;
	[tilespmem:$0x1E0C0] =	vst v63  }
0x104: {  	_ =	swait.ge [sflag:s21], $0x4000  }
0x105: {  	[sflag:s21] =	ssyncset.done $0x0  }
0x106: {  	[sflag:s21] =	ssyncadd.s32 $0xFFFFC000  }
0x107: {  	_ =	swait.ge [sflag:s28], $0x4000  }
0x108: {  	[sflag:s28] =	ssyncset.done $0x0  }
0x109: {  	s2 =	sadd.s32 $0x1480, s2;
	[sflag:s28] =	ssyncadd.s32 $0xFFFFC000  }
0x10a: {  	[spmem:s1] =	stream.indirect.scatter.add.f32 [tilespmem:s25], [sflag:$0x3], $0x80, s2, s23, $0xb8;
	[tilespmem:$0x1E0C0] =	vst v63  }
0x10b: {  	_ =	swait.ge [sflag:s21], $0x4000  }
0x10c: {  	[sflag:s21] =	ssyncset.done $0x0  }
0x10d: {  	s11 =	simm.s32 $0x0;
	[sflag:s21] =	ssyncadd.s32 $0xFFFFC000  }
0x10e: {  	[tilespmem:s11], [sflag:$0x3] =	stream.linear.gather [hbm4b:s19+s11], $0x1400, $0x38;
	[tilespmem:$0x1E0C0] =	vst v63  }
0x10f: {  	_ =	swait.ge [sflag:s21], $0x1400  }
0x110: {  	[sflag:s21] =	ssyncset.done $0x0  }
0x111: {  	[sflag:s21] =	ssyncadd.s32 $0xFFFFEC00  }
0x112: {  	[tilespmem:s22], [sflag:$0x3] =	stream.linear.gather [hbm4b:s20+s11], $0x1400, $0x38;
	[tilespmem:$0x1E0C0] =	vst v63  }
0x113: {  	_ =	swait.ge [sflag:s21], $0x1400  }
0x114: {  	[sflag:s21] =	ssyncset.done $0x0  }
0x115: {  	s12 =	simm.s32 $0x0;
	[sflag:s21] =	ssyncadd.s32 $0xFFFFEC00  }
0x116: {  	[tilespmem:s24], [sflag:$0x1] =	stream.indirect.gather [hbm4b:s5+s23], $0x80, s12, s23, $0xb8;
	[tilespmem:$0x1E0C0] =	vst v63  }
0x117: {  	s10 =	simm.s32 $0x80  }
0x118: {  	[tilespmem:s25], [sflag:$0x2] =	stream.indirect.gather [hbm4b:s5+s23], $0x80, s10, s23, $0xb8;
	[tilespmem:$0x1E0C0] =	vst v63  }
0x119: {  	_ =	swait.ge [sflag:s26], $0x4000  }
0x11a: {  	[sflag:s26] =	ssyncset.done $0x0  }
0x11b: {  	s11 =	simm.s32 $0x1400;
	[sflag:s26] =	ssyncadd.s32 $0xFFFFC000  }
0x11c: {  	[spmem:s1] =	stream.indirect.scatter.add.f32 [tilespmem:s24], [sflag:$0x3], $0x80, s11, s23, $0xb8;
	[tilespmem:$0x1E0C0] =	vst v63  }
0x11d: {  	_ =	swait.ge [sflag:s21], $0x4000  }
0x11e: {  	[sflag:s21] =	ssyncset.done $0x0  }
0x11f: {  	[sflag:s21] =	ssyncadd.s32 $0xFFFFC000  }
0x120: {  	_ =	swait.ge [sflag:s28], $0x4000  }
0x121: {  	[sflag:s28] =	ssyncset.done $0x0  }
0x122: {  	s12 =	simm.s32 $0x1480;
	[sflag:s28] =	ssyncadd.s32 $0xFFFFC000  }
0x123: {  	[spmem:s1] =	stream.indirect.scatter.add.f32 [tilespmem:s25], [sflag:$0x3], $0x80, s12, s23, $0xb8;
	[tilespmem:$0x1E0C0] =	vst v63  }
0x124: {  	_ =	swait.ge [sflag:s21], $0x4000  }
0x125: {  	s2 =	simm.s32 $0x800;
	s10 =	simm.s32 $0x400;
	[sflag:s21] =	ssyncset.done $0x0  }
.LBB2_11:
0x126: {  	s11 =	sshra.s32 s10, $0x2  }
0x127: {  	[sflag:s21] =	ssyncadd.s32 $0xFFFFC000;
	s10 =	smov.u32 s2;
	s12 =	sadd.s32 $0x400, s2  }
0x128: {  	[tilespmem:s24], [sflag:$0x1] =	stream.indirect.gather [hbm4b:s5+s23], $0x80, s11, s23, $0xb8;
	[tilespmem:$0x1E0C0] =	vst v63  }
0x129: {  	p4 =	sne.s32 s2, $0x4C00;
	s2 =	sadd.s32 $0x80, s11  }
0x12a: {  	[tilespmem:s25], [sflag:$0x2] =	stream.indirect.gather [hbm4b:s5+s23], $0x80, s2, s23, $0xb8;
	[tilespmem:$0x1E0C0] =	vst v63  }
0x12b: {  	_ =	swait.ge [sflag:s26], $0x4000  }
0x12c: {  	[sflag:s26] =	ssyncset.done $0x0  }
0x12d: {  	s2 =	sadd.s32 $0x1400, s11;
	[sflag:s26] =	ssyncadd.s32 $0xFFFFC000  }
0x12e: {  	[spmem:s1] =	stream.indirect.scatter.add.f32 [tilespmem:s24], [sflag:$0x3], $0x80, s2, s23, $0xb8;
	[tilespmem:$0x1E0C0] =	vst v63  }
0x12f: {  	_ =	swait.ge [sflag:s21], $0x4000  }
0x130: {  	[sflag:s21] =	ssyncset.done $0x0  }
0x131: {  	[sflag:s21] =	ssyncadd.s32 $0xFFFFC000  }
0x132: {  	_ =	swait.ge [sflag:s28], $0x4000  }
.Ltmp7:
0x133: {  	[sflag:s28] =	ssyncset.done $0x0;
	(pc) =	sbr.rel @p4 .LBB2_11-.Ltmp7, $4  }
0x134: {  	s2 =	sadd.s32 $0x1480, s11;
	[sflag:s28] =	ssyncadd.s32 $0xFFFFC000  }
0x135: {  	[spmem:s1] =	stream.indirect.scatter.add.f32 [tilespmem:s25], [sflag:$0x3], $0x80, s2, s23, $0xb8;
	[tilespmem:$0x1E0C0] =	vst v63  }
0x136: {  	_ =	swait.ge [sflag:s21], $0x4000  }
0x137: {  	s2 =	smov.u32 s12;
	[sflag:s21] =	ssyncset.done $0x0  }
.Ltmp8:
0x138: {  	_ = 	snop;
	(pc) =	sbr.rel .LBB2_12-.Ltmp8, $1  }
0x139: {  	_ =	sdelay $0x3  }
.LBB2_14:
0x13a: {  	_ =	sfence.sel $0x180000  }
0x13b: {  	[bflag:$0x0] =	sbarrier.arrive $0xFFFF  }
0x13c: {  	_ =	strace $0x90000047  }
0x13d: {  	s0 =	stileid.u32;
	[bflag:$0x2] =	sbarrier.arrive $0xFFFF  }
0x13e: {  	p0 =	sne.s32 s0, $0x0;
	s0 =	rddreg [dreg:$0x2]  }
0x13f: {  	s0 =	sadd.s32 @!p0 $0x100000, s0  }
0x140: {  	[sflag:s0] =	ssyncadd.tile.s32 @!p0 $0x1;
	_ =	shalt  }
.Lfunc_end2:
_tile_overlayer_lowered:
.L_overlay_start_2:
0x141: {  	(tag) =	ssettag $0x2  }
0x142: {  	s0 =	rddreg [dreg:$0x0];
	s2 =	stileid.u32  }
0x143: {  	s1 =	rddreg [dreg:$0x1];
	p0 =	sne.s32 s2, $0x0  }
0x144: {  	s3 =	rddreg [dreg:$0x2];
	[bflag:$0x3] =	sbarrier.arrive $0xFFFF;
	s2 =	simm.s32 @!p0 $0x1C03  }
0x145: {  	[timem:s3], [sflag:s2] =	dma.local @!p0 [hbm:s0], s1  }
0x146: {  	s0 =	simm.s32 @!p0 $0x3  }
0x147: {  	_ =	swait.ge @!p0 [sflag:s0], s1  }
0x148: {  	s1 =	ssub.s32 @!p0 $0x0, s1;
	[sflag:s0] =	ssyncset.done @!p0 $0x0  }
0x149: {  	[sflag:s0] =	ssyncadd.s32 @!p0 s1  }
0x14a: {  	[bflag:$0x3] =	sbarrier.arrive $0xFFFF  }
0x14b: {  	_ =	shalt  }

// kernel: kernel.13.cloned.1.call-start
scs
__scs_entry_jumppad:
0x0: {  	(pc) =	sbr.rel $0x88, $3  }
0x1: {  	(tag) =	ssettag $0x0;
	lr =	simm.s32 $0x1  }
0x2: {  	[smem:$0x3F95] =	sst lr;
	_ =	strace $0xD0000000  }
0x3: {  	_ = 	snop  }
0x4: {  	_ = 	snop  }
0x5: {  	_ = 	snop  }
0x6: {  	_ = 	snop  }
0x7: {  	_ = 	snop  }
__scs_overlays_trampoline_lowered:
0x8: {  	[smem:$0x3FA4] =	sst s0  }
0x9: {  	[smem:$0x3FA5] =	sst s1  }
0xa: {  	[smem:$0x3FA6] =	sst s2  }
0xb: {  	[smem:$0x3FA7] =	sst s3  }
0xc: {  	[smem:$0x3FA8] =	sst s4  }
0xd: {  	[smem:$0x3FA9] =	sst s5  }
0xe: {  	[smem:$0x3FAA] =	sst s6  }
0xf: {  	[smem:$0x3FAB] =	sst s7  }
0x10: {  	[smem:$0x3FAC] =	sst s8  }
0x11: {  	[smem:$0x3FAD] =	sst s9;
	s0 =	simm.s32 @!p0 $0x0  }
0x12: {  	s1 =	sld [smem:$0x3F93];
	s0 =	simm.s32 @p0 $0x1  }
0x13: {  	[smem:$0x3FAE] =	sst s0;
	s0 =	simm.s32 @!p1 $0x0  }
0x14: {  	s2 =	sld [smem:$0x3F92];
	s0 =	simm.s32 @p1 $0x1  }
0x15: {  	[smem:$0x3FAF] =	sst s0;
	s0 =	simm.s32 @!p2 $0x0  }
0x16: {  	s3 =	sld [smem:$0x3FDB];
	s0 =	simm.s32 @p2 $0x1  }
0x17: {  	s4 =	simm.s32 $0x1BF5;
	[smem:$0x3FB1] =	sst s0  }
0x18: {  	s0 =	sld [smem:$0x3F94];
	_ =	swait.ge [sflag:s4], $0x0  }
0x19: {  	s7 =	sld [smem:$0x3F95]  }
0x1a: {  	s8 =	sadd.s32 $0xFFFFE003, lr  }
0x1b: {  	s9 =	sadd.s32 $0xFFFFFEF7, lr;
	s5 =	simm.s32 $0xFFFFFFFF;
	p2 =	slt.u32 s8, $0xFFFFF086  }
0x1c: {  	p1 =	slt.u32 s9, $0xF7A;
	s5 =	simm.s32 @!p2 $0x0  }
0x1d: {  	s5 =	simm.s32 @p1 $0x1;
	p0 =	seq.s32 s7, s2  }
0x1e: {  	s7 =	smul.u32 @!p0 $0xF7A, s2;
	p2 =	seq.s32 @!p0 s5, $0x0  }
0x1f: {  	s9 =	smul.u32 $0xF7A, s1;
	s8 =	simm.s32 @!p0 $0x1BF5;
	p2 =	por !p2, p0  }
0x20: {  	[sflag:s8] =	ssyncset.s32 @!p0 $0xFFFFF086;
	s6 =	sadd.s32 @!p0 s3, s7;
	s7 =	simm.s32 @!p0 $0x108  }
0x21: {  	s3 =	sadd.s32 s3, s9;
	s6 =	sadd.s32 @!p0 $0x88, s6;
	s7 =	simm.s32 @p2 $0x1082  }
0x22: {  	[simem:s7], [sflag:s8] =	dma.local @!p0 [hbm:s6], $0xF7A  }
0x23: {  	s9 =	sor.u32 $0xD0000000, s2;
	s6 =	simm.s32 $0x108;
	_ =	swait.ge @!p0 [sflag:s8], $0x0  }
0x24: {  	s3 =	sadd.s32 $0x88, s3;
	s6 =	simm.s32 @!p1 $0x1082;
	[sflag:s4] =	ssyncset.s32 $0xFFFFF086  }
0x25: {  	[simem:s6], [sflag:s4] =	dma.local [hbm:s3], $0xF7A  }
0x26: {  	[smem:$0x3F95] =	sst s1;
	(tag) =	ssettag s2;
	_ =	strace s9  }
0x27: {  	s1 =	sld [smem:$0x3FA5]  }
0x28: {  	s2 =	sld [smem:$0x3FA6]  }
0x29: {  	s4 =	sld [smem:$0x3FA8]  }
0x2a: {  	p0 =	seq.s32 s5, $0x0;
	s5 =	sld [smem:$0x3FA9]  }
0x2b: {  	s6 =	sld [smem:$0x3FAA]  }
0x2c: {  	s7 =	sld [smem:$0x3FAB]  }
0x2d: {  	s3 =	simm.s32 $0x108;
	s8 =	sld [smem:$0x3FAC]  }
0x2e: {  	s3 =	simm.s32 @!p0 $0x1082;
	s9 =	sld [smem:$0x3FAD]  }
0x2f: {  	lr =	sadd.s32 s0, s3;
	s0 =	sld [smem:$0x3FA4]  }
0x30: {  	s3 =	sld [smem:$0x3FA7]  }
0x31: {  	[smem:$0x3FB0] =	sst s10  }
0x32: {  	s10 =	sld [smem:$0x3FAE];
	_ =	sdelay $0x3  }
0x33: {  	p0 =	seq.s32 s10, $0x1;
	s10 =	sld [smem:$0x3FB0];
	_ =	sdelay $0x3  }
0x34: {  	[smem:$0x3FB0] =	sst s10  }
0x35: {  	s10 =	sld [smem:$0x3FAF];
	_ =	sdelay $0x3  }
0x36: {  	p1 =	seq.s32 s10, $0x1;
	s10 =	sld [smem:$0x3FB0];
	_ =	sdelay $0x3  }
0x37: {  	[smem:$0x3FB0] =	sst s10  }
0x38: {  	s10 =	sld [smem:$0x3FB1]  }
0x39: {  	_ = 	snop;
	(pc) =	sbr.ind lr, $3  }
0x3a: {  	_ = 	snop  }
0x3b: {  	_ = 	snop  }
0x3c: {  	p2 =	seq.s32 s10, $0x1;
	s10 =	sld [smem:$0x3FB0]  }
0x3d: {  	_ =	shalt  }
0x3e: {  	_ =	shalt  }
0x3f: {  	_ =	shalt  }
0x40: {  	_ =	shalt  }
0x41: {  	_ =	shalt  }
0x42: {  	_ =	shalt  }
0x43: {  	_ =	shalt  }
0x44: {  	_ =	shalt  }
0x45: {  	_ =	shalt  }
0x46: {  	_ =	shalt  }
0x47: {  	_ =	shalt  }
0x48: {  	_ =	shalt  }
0x49: {  	_ =	shalt  }
0x4a: {  	_ =	shalt  }
0x4b: {  	_ =	shalt  }
0x4c: {  	_ =	shalt  }
0x4d: {  	_ =	shalt  }
0x4e: {  	_ =	shalt  }
0x4f: {  	_ =	shalt  }
0x50: {  	_ =	shalt  }
0x51: {  	_ =	shalt  }
0x52: {  	_ =	shalt  }
0x53: {  	_ =	shalt  }
0x54: {  	_ =	shalt  }
0x55: {  	_ =	shalt  }
0x56: {  	_ =	shalt  }
0x57: {  	_ =	shalt  }
0x58: {  	_ =	shalt  }
0x59: {  	_ =	shalt  }
0x5a: {  	_ =	shalt  }
0x5b: {  	_ =	shalt  }
0x5c: {  	_ =	shalt  }
0x5d: {  	_ =	shalt  }
0x5e: {  	_ =	shalt  }
0x5f: {  	_ =	shalt  }
0x60: {  	_ =	shalt  }
0x61: {  	_ =	shalt  }
0x62: {  	_ =	shalt  }
0x63: {  	_ =	shalt  }
0x64: {  	_ =	shalt  }
0x65: {  	_ =	shalt  }
0x66: {  	_ =	shalt  }
0x67: {  	_ =	shalt  }
0x68: {  	_ =	shalt  }
0x69: {  	_ =	shalt  }
0x6a: {  	_ =	shalt  }
0x6b: {  	_ =	shalt  }
0x6c: {  	_ =	shalt  }
0x6d: {  	_ =	shalt  }
0x6e: {  	_ =	shalt  }
0x6f: {  	_ =	shalt  }
0x70: {  	_ =	shalt  }
0x71: {  	_ =	shalt  }
0x72: {  	_ =	shalt  }
0x73: {  	_ =	shalt  }
0x74: {  	_ =	shalt  }
0x75: {  	_ =	shalt  }
0x76: {  	_ =	shalt  }
0x77: {  	_ =	shalt  }
0x78: {  	_ =	shalt  }
0x79: {  	_ =	shalt  }
0x7a: {  	_ =	shalt  }
0x7b: {  	_ =	shalt  }
0x7c: {  	_ =	shalt  }
0x7d: {  	_ =	shalt  }
0x7e: {  	_ =	shalt  }
0x7f: {  	_ =	shalt  }
0x80: {  	_ =	shalt  }
0x81: {  	_ =	shalt  }
0x82: {  	_ =	shalt  }
0x83: {  	_ =	shalt  }
0x84: {  	_ =	shalt  }
0x85: {  	_ =	shalt  }
0x86: {  	_ =	shalt  }
0x87: {  	_ =	shalt  }
.Lfunc_end0:
.L_simem_size_0:
called_computation.1_lowered:
.L_overlay_start_0:
0x88: {  	s2 =	sld [smem:$0x3FD9]  }
0x89: {  	s3 =	sld [smem:$0x3FFE];
	_ =	sdelay $0x1  }
0x8a: {  	s1 =	srdreg.scid  }
0x8b: {  	s0 =	sand.u32 $0x1, s1  }
0x8c: {  	s16 =	sshll.u32 s0, $0xA;
	s2 =	sadd.s32 s3, s2  }
0x8d: {  	s2 =	sadd.s32 s2, s16  }
0x8e: {  	[smem:$0x3FBC] =	sst s2  }
0x8f: {  	_ = 	snop  }
0x90: {  	(tm) =	ssettm $0x1  }
0x91: {  	s17 =	sld [smem:$0x3FFB];
	_ =	sdelay $0x3  }
0x92: {  	_ =	strace s17  }
0x93: {  	s2 =	sld [smem:$0x3FFC];
	_ =	sdelay $0x3  }
0x94: {  	_ =	strace s2  }
0x95: {  	s2 =	sld [smem:$0x3FFD];
	_ =	sdelay $0x3  }
0x96: {  	_ =	strace s2  }
0x97: {  	_ =	strace $0x8FFFFFFF  }
0x98: {  	s18 =	sld [smem:$0x3FDB];
	_ =	sdelay $0x1  }
0x99: {  	s19 =	simm.s32 $_scs_section_size  }
0x9a: {  	s4 =	simm.s32 $_size__tile_overlayer_lowered;
	s5 =	simm.s32 $_tile_overlayer_lowered  }
0x9b: {  	s22 =	simm.s32 $0x1BFF;
	s21 =	sshll.u32 s5, $0x1;
	s2 =	sadd.s32 s19, s18  }
0x9c: {  	s6 =	simm.s32 $0x0;
	s20 =	sshll.u32 s4, $0x1;
	s4 =	sadd.s32 s21, s2  }
0x9d: {  	[timem:s6], [sflag:s22] =	dma.local [hbm:s4], s20  }
0x9e: {  	_ =	swait.ge [sflag:s22], s20  }
0x9f: {  	s3 =	ssub.s32 $0x0, s20;
	[sflag:s22] =	ssyncset.done $0x0  }
0xa0: {  	[sflag:s22] =	ssyncadd.s32 s3;
	_ =	sdelay $0x1  }
0xa1: {  	s23 =	simm.s32 $0x1B8B  }
0xa2: {  	_ =	swait.ge [sflag:s23], $0x1  }
0xa3: {  	[sflag:s23] =	ssyncset.done $0x0  }
0xa4: {  	s25 =	simm.s32 $0x1B8E;
	s24 =	sld [smem:$0x3FFE];
	[sflag:s23] =	ssyncadd.s32 $0xFFFFFFFF  }
0xa5: {  	s26 =	simm.s32 $execute0_lowered;
	[smem:$0x3FD2] =	sst s25  }
0xa6: {  	s4 =	sshll.u32 s26, $0x1;
	_ =	strace $0x80000049;
	[dreg:$0x1] =	wrdreg $0xFFFFFFFF  }
0xa7: {  	s28 =	simm.s32 $_size_execute0_lowered;
	s2 =	sadd.s32 s2, s4;
	[dreg:$0x0] =	wrdreg $0x0  }
0xa8: {  	s4 =	sshll.u32 s28, $0x1;
	[dreg:$0x2] =	wrdreg s2  }
0xa9: {  	[dreg:$0x3] =	wrdreg s4  }
0xaa: {  	[dreg:$0x4] =	wrdreg $0xC0  }
0xab: {  	_ =	task [dreg:s6], $0x5FFFF  }
0xac: {  	[dreg:$0x1] =	wrdreg $0xFFFFFFFF  }
0xad: {  	[dreg:$0x0] =	wrdreg $0x60  }
0xae: {  	[dreg:$0x2] =	wrdreg s24  }
0xaf: {  	[dreg:$0x3] =	wrdreg $0xA8000  }
0xb0: {  	[dreg:$0x4] =	wrdreg $0x9  }
0xb1: {  	_ =	task.clear_ibuf [dreg:s6], $0x5FFFF;
	_ =	strace $0x90000049  }
0xb2: {  	s29 =	simm.s32 $0x9;
	_ =	strace $0x8000004B  }
0xb3: {  	_ =	swait.ge [sflag:s29], $0x1  }
0xb4: {  	[sflag:s29] =	ssyncadd.s32 $0xFFFFFFFF  }
0xb5: {  	_ =	strace $0x9000004B  }
0xb6: {  	_ =	sfence  }
0xb7: {  	s30 =	sld [smem:$0x0];
	_ =	sdelay $0x2  }
0xb8: {  	s31 =	sshll.u32 s1, $0xD;
	s1 =	sshrl.u32 s1, $0x2  }
0xb9: {  	s3 =	sand.u32 $0x4000, s31;
	s1 =	sadd.s32 s1, s30  }
0xba: {  	s0 =	sor.u32 s3, s0;
	s1 =	sshll.u32 s1, $0x11  }
0xbb: {  	s0 =	sor.u32 s1, s0  }
0xbc: {  	s0 =	sadd.s32 $0x8F2B, s0  }
0xbd: {  	[sflag:s0] =	ssyncadd.remote.s32 $0x1  }
0xbe: {  	_ =	sfence.sel $0xFFFF  }
0xbf: {  	[dreg:$0x0] =	wrdreg $0xFFFFFFFF;
	(pc) =	sbr.abs _section_cstart, $3  }
0xc0: {  	[dreg:$0x1] =	wrdreg $0xFFFFFFFF  }
0xc1: {  	_ =	task.clear_ibuf [dreg:s6], $0x2FFFF;
	_ =	strace $0x9FFFFFFF  }
0xc2: {  	(tm) =	ssettm $0x7FFFFFFF  }
0xc3: {  	_ =	shalt  }
tec
execute0_lowered:
.L_overlay_start_1:
0x0: {  	(tag) =	ssettag $0x1  }
0x1: {  	s0 =	rddreg [dreg:$0x0]  }
0x2: {  	s1 =	rddreg [dreg:$0x1];
	s3 =	simm.s32 $0x0;
	s11 =	stileid.u32  }
0x3: {  	s2 =	srdreg.scid;
	s21 =	simm.s32 $0x3;
	s22 =	simm.s32 $0x1400  }
0x4: {  	s28 =	simm.s32 $0x2;
	[smem:$0x7FF] =	sst s3;
	s4 =	sadd.s32 $0xE400, s0  }
0x5: {  	s7 =	smul.u32 $0x2700, s11;
	s2 =	sand.u32 $0x1, s2;
	s5 =	sadd.s32 $0x35600, s0  }
0x6: {  	s8 =	smul.u32 $0x4E000, s11;
	s10 =	sadd.s32 $0x9400, s0;
	s20 =	sadd.s32 $0x4400, s0  }
0x7: {  	p2 =	seq.s32 s11, $0xF;
	s25 =	sadd.s32 $0x35400, s0;
	s26 =	smul.u32 $0x2800, s11  }
0x8: {  	s29 =	sadd.s32 $0x5C600, s0;
	s14 =	sadd.s32 $0x83800, s0;
	s15 =	sadd.s32 $0xAAA00, s0  }
0x9: {  	_ =	strace $0x8000004A;
	s6 =	ssub.s32 $0x2, s2;
	[dreg:$0x5] =	wrdreg s25  }
0xa: {  	p1 =	seq.s32 s2, $0x0;
	p0 =	seq.s32 s2, $0x1;
	[dreg:$0x6] =	wrdreg s29  }
0xb: {  	p3 =	sne.s32 s2, $0x0;
	s25 =	simm.s32 $0x6800;
	s9 =	sshrl.u32 s6, $0x1  }
0xc: {  	s13 =	sadd.s32 s7, s0;
	s23 =	sshrl.u32 s8, $0x2;
	s24 =	sadd.s32 s4, s7  }
0xd: {  	p1 =	por !p1, !p2;
	s7 =	sadd.s32 s5, s7;
	p2 =	por !p2, !p0  }
0xe: {  	s16 =	ssub.s32 s6, s9;
	s6 =	sadd.s32 s23, s1;
	[dreg:$0x3] =	wrdreg s24  }
0xf: {  	[dreg:$0x4] =	wrdreg s7;
	p1 =	por !p1, !p1;
	s9 =	sadd.s32 $0x138000, s1  }
.Ltmp0:
0x10: {  	p2 =	por !p2, !p2;
	s30 =	sadd.s32 $0x5C800, s13;
	(pc) =	sbr.rel .LBB2_1-.Ltmp0, $4  }
0x11: {  	s13 =	sadd.s32 $0x83A00, s13;
	s7 =	sshrl.u32 s26, $0x3;
	s23 =	simm.s32 $0x80  }
0x12: {  	s24 =	simm.s32 $0x2800;
	s26 =	simm.s32 $0x1;
	[dreg:$0x7] =	wrdreg s30  }
0x13: {  	s16 =	smax.u32 s16, $0x1;
	s31 =	sadd.s32 $0x280, s7;
	s17 =	sadd.s32 s10, s7  }
0x14: {  	s18 =	sadd.s32 s20, s7;
	s19 =	sadd.s32 s10, s31;
	s20 =	sadd.s32 s20, s31  }
.LBB2_12:
0x15: {  	s2 =	sshra.s32 s10, $0x2;
	[sflag:s21] =	ssyncadd.s32 $0xFFFFC000  }
0x16: {  	[tilespmem:s24], [sflag:$0x1] =	stream.indirect.gather [hbm4b:s5+s23], $0x80, s2, s23, $0xb8;
	[tilespmem:$0x1E0C0] =	vst v63  }
0x17: {  	s10 =	sadd.s32 $0x80, s2  }
0x18: {  	[tilespmem:s25], [sflag:$0x2] =	stream.indirect.gather [hbm4b:s5+s23], $0x80, s10, s23, $0xb8;
	[tilespmem:$0x1E0C0] =	vst v63  }
0x19: {  	_ =	swait.ge [sflag:s26], $0x4000  }
0x1a: {  	[sflag:s26] =	ssyncset.done $0x0  }
0x1b: {  	s12 =	sadd.s32 $0x1400, s2;
	[sflag:s26] =	ssyncadd.s32 $0xFFFFC000  }
0x1c: {  	[spmem:s1] =	stream.indirect.scatter.add.f32 [tilespmem:s24], [sflag:$0x3], $0x80, s12, s23, $0xb8;
	[tilespmem:$0x1E0C0] =	vst v63  }
0x1d: {  	_ =	swait.ge [sflag:s21], $0x4000  }
0x1e: {  	[sflag:s21] =	ssyncset.done $0x0  }
0x1f: {  	[sflag:s21] =	ssyncadd.s32 $0xFFFFC000  }
0x20: {  	_ =	swait.ge [sflag:s28], $0x4000  }
0x21: {  	[sflag:s28] =	ssyncset.done $0x0  }
0x22: {  	s2 =	sadd.s32 $0x1480, s2;
	[sflag:s28] =	ssyncadd.s32 $0xFFFFC000  }
0x23: {  	[spmem:s1] =	stream.indirect.scatter.add.f32 [tilespmem:s25], [sflag:$0x3], $0x80, s2, s23, $0xb8;
	[tilespmem:$0x1E0C0] =	vst v63  }
0x24: {  	_ =	swait.ge [sflag:s21], $0x4000  }
0x25: {  	[sflag:s21] =	ssyncset.done $0x0  }
0x26: {  	[sflag:s21] =	ssyncadd.s32 $0xFFFFC000  }
.LBB2_13:
0x27: {  	[bflag:$0x0] =	sbarrier.arrive $0xFFFF  }
0x28: {  	s2 =	rddreg [dreg:$0x7]  }
0x29: {  	[hbm:s2], [sflag:s29] =	dma.local @!p3 [spmem:s30], $0x2700  }
0x2a: {  	s2 =	simm.s32 @!p3 $0x3  }
0x2b: {  	_ =	swait.ge @!p3 [sflag:s2], $0x2700  }
0x2c: {  	[sflag:s2] =	ssyncset.done @!p3 $0x0  }
0x2d: {  	[sflag:s2] =	ssyncadd.s32 @!p3 $0xFFFFD900  }
0x2e: {  	[hbm:s13], [sflag:s31] =	dma.local @p0 [spmem:s0], $0x2700  }
0x2f: {  	s0 =	simm.s32 @p0 $0x3  }
0x30: {  	_ =	swait.ge @p0 [sflag:s0], $0x2700  }
0x31: {  	[sflag:s0] =	ssyncset.done @p0 $0x0  }
0x32: {  	[sflag:s0] =	ssyncadd.s32 @p0 $0xFFFFD900;
	s0 =	simm.s32 @p1 $0x1FC3  }
0x33: {  	[hbm:s14], [sflag:s0] =	dma.local @p1 [spmem:s7], $0x100  }
0x34: {  	s0 =	simm.s32 @p1 $0x3  }
0x35: {  	_ =	swait.ge @p1 [sflag:s0], $0x100  }
0x36: {  	s3 =	sadd.s32 $0x1, s3;
	[sflag:s0] =	ssyncset.done @p1 $0x0  }
0x37: {  	p4 =	sne.s32 s3, s16;
	[sflag:s0] =	ssyncadd.s32 @p1 $0xFFFFFF00;
	s0 =	simm.s32 @p2 $0x1FC3  }
0x38: {  	[hbm:s15], [sflag:s0] =	dma.local @p2 [spmem:s8], $0x100  }
.Ltmp1:
0x39: {  	_ = 	snop;
	(pc) =	sbr.rel @!p4 .LBB2_14-.Ltmp1, $4  }
0x3a: {  	s0 =	simm.s32 @p2 $0x3  }
0x3b: {  	_ =	swait.ge @p2 [sflag:s0], $0x100  }
0x3c: {  	[sflag:s0] =	ssyncset.done @p2 $0x0  }
0x3d: {  	[sflag:s0] =	ssyncadd.s32 @p2 $0xFFFFFF00  }
.LBB2_1:
0x3e: {  	s2 =	stileid.u32  }
0x3f: {  	s0 =	sshll.u32 @!p3 s2, $0x6  }
0x40: {  	s30 =	sshrl.u32 @!p3 s6, $0x3;
	s29 =	sor.u32 @!p3 $0x1C03, s0;
	s0 =	rddreg [dreg:$0x3]  }
0x41: {  	[spmem:s30], [sflag:s29] =	dma.local @!p3 [hbm:s0], $0x2700  }
0x42: {  	s0 =	simm.s32 @!p3 $0x3  }
0x43: {  	s2 =	sshll.u32 @p0 s2, $0x6;
	_ =	swait.ge @!p3 [sflag:s0], $0x2700  }
0x44: {  	s31 =	sor.u32 @p0 $0x1C03, s2;
	[sflag:s0] =	ssyncset.done @!p3 $0x0  }
0x45: {  	s2 =	rddreg [dreg:$0x4];
	[sflag:s0] =	ssyncadd.s32 @!p3 $0xFFFFD900;
	s0 =	sshrl.u32 @p0 s6, $0x3  }
0x46: {  	[spmem:s0], [sflag:s31] =	dma.local @p0 [hbm:s2], $0x2700  }
0x47: {  	s2 =	simm.s32 @p0 $0x3  }
0x48: {  	_ =	swait.ge @p0 [sflag:s2], $0x2700  }
0x49: {  	s7 =	sshrl.u32 @p1 s9, $0x3;
	[sflag:s2] =	ssyncset.done @p0 $0x0  }
0x4a: {  	s8 =	rddreg [dreg:$0x5];
	[sflag:s2] =	ssyncadd.s32 @p0 $0xFFFFD900;
	s2 =	simm.s32 @p1 $0x1FC3  }
0x4b: {  	[spmem:s7], [sflag:s2] =	dma.local @p1 [hbm:s8], $0x100  }
0x4c: {  	s2 =	simm.s32 @p1 $0x3  }
0x4d: {  	_ =	swait.ge @p1 [sflag:s2], $0x100  }
0x4e: {  	s8 =	sshrl.u32 @p2 s9, $0x3;
	[sflag:s2] =	ssyncset.done @p1 $0x0  }
0x4f: {  	s10 =	rddreg [dreg:$0x6];
	[sflag:s2] =	ssyncadd.s32 @p1 $0xFFFFFF00;
	s2 =	simm.s32 @p2 $0x1FC3  }
0x50: {  	[spmem:s8], [sflag:s2] =	dma.local @p2 [hbm:s10], $0x100  }
0x51: {  	s2 =	simm.s32 @p2 $0x3  }
.Ltmp2:
0x52: {  	_ =	swait.ge @p2 [sflag:s2], $0x100;
	(pc) =	sbr.rel @p3 .LBB2_7-.Ltmp2, $3  }
0x53: {  	[sflag:s2] =	ssyncset.done @p2 $0x0  }
0x54: {  	[sflag:s2] =	ssyncadd.s32 @p2 $0xFFFFFF00  }
0x55: {  	[bflag:$0x0] =	sbarrier.arrive $0xFFFF;
	_ =	sdelay $0x1  }
0x56: {  	s2 =	simm.s32 $0x0  }
0x57: {  	[tilespmem:s2], [sflag:$0x3] =	stream.linear.gather [hbm4b:s17+s2], $0x1400, $0x38;
	[tilespmem:$0x1E0C0] =	vst v63  }
0x58: {  	_ =	swait.ge [sflag:s21], $0x1400  }
0x59: {  	[sflag:s21] =	ssyncset.done $0x0  }
0x5a: {  	[sflag:s21] =	ssyncadd.s32 $0xFFFFEC00  }
0x5b: {  	[tilespmem:s22], [sflag:$0x3] =	stream.linear.gather [hbm4b:s18+s2], $0x1400, $0x38;
	[tilespmem:$0x1E0C0] =	vst v63  }
0x5c: {  	_ =	swait.ge [sflag:s21], $0x1400  }
0x5d: {  	[sflag:s21] =	ssyncset.done $0x0  }
0x5e: {  	s12 =	simm.s32 $0x0;
	[sflag:s21] =	ssyncadd.s32 $0xFFFFEC00  }
0x5f: {  	[tilespmem:s24], [sflag:$0x1] =	stream.indirect.gather [hbm4b:s4+s23], $0x80, s12, s23, $0xb8;
	[tilespmem:$0x1E0C0] =	vst v63  }
0x60: {  	s10 =	simm.s32 $0x80  }
0x61: {  	[tilespmem:s25], [sflag:$0x2] =	stream.indirect.gather [hbm4b:s4+s23], $0x80, s10, s23, $0xb8;
	[tilespmem:$0x1E0C0] =	vst v63  }
0x62: {  	_ =	swait.ge [sflag:s26], $0x4000  }
0x63: {  	[sflag:s26] =	ssyncset.done $0x0  }
0x64: {  	s11 =	simm.s32 $0x1400;
	[sflag:s26] =	ssyncadd.s32 $0xFFFFC000  }
0x65: {  	[spmem:s1] =	stream.indirect.scatter.add.f32 [tilespmem:s24], [sflag:$0x3], $0x80, s11, s23, $0xb8;
	[tilespmem:$0x1E0C0] =	vst v63  }
0x66: {  	_ =	swait.ge [sflag:s21], $0x4000  }
0x67: {  	[sflag:s21] =	ssyncset.done $0x0  }
0x68: {  	[sflag:s21] =	ssyncadd.s32 $0xFFFFC000  }
0x69: {  	_ =	swait.ge [sflag:s28], $0x4000  }
0x6a: {  	[sflag:s28] =	ssyncset.done $0x0  }
0x6b: {  	s12 =	simm.s32 $0x1480;
	[sflag:s28] =	ssyncadd.s32 $0xFFFFC000  }
0x6c: {  	[spmem:s1] =	stream.indirect.scatter.add.f32 [tilespmem:s25], [sflag:$0x3], $0x80, s12, s23, $0xb8;
	[tilespmem:$0x1E0C0] =	vst v63  }
0x6d: {  	_ =	swait.ge [sflag:s21], $0x4000  }
0x6e: {  	s2 =	simm.s32 $0x800;
	s10 =	simm.s32 $0x400;
	[sflag:s21] =	ssyncset.done $0x0  }
.LBB2_3:
0x6f: {  	s11 =	sshra.s32 s10, $0x2  }
0x70: {  	[sflag:s21] =	ssyncadd.s32 $0xFFFFC000;
	s10 =	smov.u32 s2;
	s12 =	sadd.s32 $0x400, s2  }
0x71: {  	[tilespmem:s24], [sflag:$0x1] =	stream.indirect.gather [hbm4b:s4+s23], $0x80, s11, s23, $0xb8;
	[tilespmem:$0x1E0C0] =	vst v63  }
0x72: {  	p4 =	sne.s32 s2, $0x4C00;
	s2 =	sadd.s32 $0x80, s11  }
0x73: {  	[tilespmem:s25], [sflag:$0x2] =	stream.indirect.gather [hbm4b:s4+s23], $0x80, s2, s23, $0xb8;
	[tilespmem:$0x1E0C0] =	vst v63  }
0x74: {  	_ =	swait.ge [sflag:s26], $0x4000  }
0x75: {  	[sflag:s26] =	ssyncset.done $0x0  }
0x76: {  	s2 =	sadd.s32 $0x1400, s11;
	[sflag:s26] =	ssyncadd.s32 $0xFFFFC000  }
0x77: {  	[spmem:s1] =	stream.indirect.scatter.add.f32 [tilespmem:s24], [sflag:$0x3], $0x80, s2, s23, $0xb8;
	[tilespmem:$0x1E0C0] =	vst v63  }
0x78: {  	_ =	swait.ge [sflag:s21], $0x4000  }
0x79: {  	[sflag:s21] =	ssyncset.done $0x0  }
0x7a: {  	[sflag:s21] =	ssyncadd.s32 $0xFFFFC000  }
0x7b: {  	_ =	swait.ge [sflag:s28], $0x4000  }
.Ltmp3:
0x7c: {  	[sflag:s28] =	ssyncset.done $0x0;
	(pc) =	sbr.rel @p4 .LBB2_3-.Ltmp3, $4  }
0x7d: {  	s2 =	sadd.s32 $0x1480, s11;
	[sflag:s28] =	ssyncadd.s32 $0xFFFFC000  }
0x7e: {  	[spmem:s1] =	stream.indirect.scatter.add.f32 [tilespmem:s25], [sflag:$0x3], $0x80, s2, s23, $0xb8;
	[tilespmem:$0x1E0C0] =	vst v63  }
0x7f: {  	_ =	swait.ge [sflag:s21], $0x4000  }
0x80: {  	s2 =	smov.u32 s12;
	[sflag:s21] =	ssyncset.done $0x0  }
0x81: {  	s2 =	sshra.s32 s10, $0x2;
	[sflag:s21] =	ssyncadd.s32 $0xFFFFC000  }
0x82: {  	[tilespmem:s24], [sflag:$0x1] =	stream.indirect.gather [hbm4b:s4+s23], $0x80, s2, s23, $0xb8;
	[tilespmem:$0x1E0C0] =	vst v63  }
0x83: {  	s10 =	sadd.s32 $0x80, s2  }
0x84: {  	[tilespmem:s25], [sflag:$0x2] =	stream.indirect.gather [hbm4b:s4+s23], $0x80, s10, s23, $0xb8;
	[tilespmem:$0x1E0C0] =	vst v63  }
0x85: {  	_ =	swait.ge [sflag:s26], $0x4000  }
0x86: {  	[sflag:s26] =	ssyncset.done $0x0  }
0x87: {  	s12 =	sadd.s32 $0x1400, s2;
	[sflag:s26] =	ssyncadd.s32 $0xFFFFC000  }
0x88: {  	[spmem:s1] =	stream.indirect.scatter.add.f32 [tilespmem:s24], [sflag:$0x3], $0x80, s12, s23, $0xb8;
	[tilespmem:$0x1E0C0] =	vst v63  }
0x89: {  	_ =	swait.ge [sflag:s21], $0x4000  }
0x8a: {  	[sflag:s21] =	ssyncset.done $0x0  }
0x8b: {  	[sflag:s21] =	ssyncadd.s32 $0xFFFFC000  }
0x8c: {  	_ =	swait.ge [sflag:s28], $0x4000  }
0x8d: {  	[sflag:s28] =	ssyncset.done $0x0  }
0x8e: {  	s2 =	sadd.s32 $0x1480, s2;
	[sflag:s28] =	ssyncadd.s32 $0xFFFFC000  }
0x8f: {  	[spmem:s1] =	stream.indirect.scatter.add.f32 [tilespmem:s25], [sflag:$0x3], $0x80, s2, s23, $0xb8;
	[tilespmem:$0x1E0C0] =	vst v63  }
0x90: {  	_ =	swait.ge [sflag:s21], $0x4000  }
0x91: {  	[sflag:s21] =	ssyncset.done $0x0  }
0x92: {  	s11 =	simm.s32 $0x0;
	[sflag:s21] =	ssyncadd.s32 $0xFFFFC000  }
0x93: {  	[tilespmem:s11], [sflag:$0x3] =	stream.linear.gather [hbm4b:s19+s11], $0x1400, $0x38;
	[tilespmem:$0x1E0C0] =	vst v63  }
0x94: {  	_ =	swait.ge [sflag:s21], $0x1400  }
0x95: {  	[sflag:s21] =	ssyncset.done $0x0  }
0x96: {  	[sflag:s21] =	ssyncadd.s32 $0xFFFFEC00  }
0x97: {  	[tilespmem:s22], [sflag:$0x3] =	stream.linear.gather [hbm4b:s20+s11], $0x1400, $0x38;
	[tilespmem:$0x1E0C0] =	vst v63  }
0x98: {  	_ =	swait.ge [sflag:s21], $0x1400  }
0x99: {  	[sflag:s21] =	ssyncset.done $0x0  }
0x9a: {  	s12 =	simm.s32 $0x0;
	[sflag:s21] =	ssyncadd.s32 $0xFFFFEC00  }
0x9b: {  	[tilespmem:s24], [sflag:$0x1] =	stream.indirect.gather [hbm4b:s4+s23], $0x80, s12, s23, $0xb8;
	[tilespmem:$0x1E0C0] =	vst v63  }
0x9c: {  	s10 =	simm.s32 $0x80  }
0x9d: {  	[tilespmem:s25], [sflag:$0x2] =	stream.indirect.gather [hbm4b:s4+s23], $0x80, s10, s23, $0xb8;
	[tilespmem:$0x1E0C0] =	vst v63  }
0x9e: {  	_ =	swait.ge [sflag:s26], $0x4000  }
0x9f: {  	[sflag:s26] =	ssyncset.done $0x0  }
0xa0: {  	s11 =	simm.s32 $0x1400;
	[sflag:s26] =	ssyncadd.s32 $0xFFFFC000  }
0xa1: {  	[spmem:s1] =	stream.indirect.scatter.add.f32 [tilespmem:s24], [sflag:$0x3], $0x80, s11, s23, $0xb8;
	[tilespmem:$0x1E0C0] =	vst v63  }
0xa2: {  	_ =	swait.ge [sflag:s21], $0x4000  }
0xa3: {  	[sflag:s21] =	ssyncset.done $0x0  }
0xa4: {  	[sflag:s21] =	ssyncadd.s32 $0xFFFFC000  }
0xa5: {  	_ =	swait.ge [sflag:s28], $0x4000  }
0xa6: {  	[sflag:s28] =	ssyncset.done $0x0  }
0xa7: {  	s12 =	simm.s32 $0x1480;
	[sflag:s28] =	ssyncadd.s32 $0xFFFFC000  }
0xa8: {  	[spmem:s1] =	stream.indirect.scatter.add.f32 [tilespmem:s25], [sflag:$0x3], $0x80, s12, s23, $0xb8;
	[tilespmem:$0x1E0C0] =	vst v63  }
0xa9: {  	_ =	swait.ge [sflag:s21], $0x4000  }
0xaa: {  	s2 =	simm.s32 $0x800;
	s10 =	simm.s32 $0x400;
	[sflag:s21] =	ssyncset.done $0x0  }
.LBB2_5:
0xab: {  	s11 =	sshra.s32 s10, $0x2  }
0xac: {  	[sflag:s21] =	ssyncadd.s32 $0xFFFFC000;
	s10 =	smov.u32 s2;
	s12 =	sadd.s32 $0x400, s2  }
0xad: {  	[tilespmem:s24], [sflag:$0x1] =	stream.indirect.gather [hbm4b:s4+s23], $0x80, s11, s23, $0xb8;
	[tilespmem:$0x1E0C0] =	vst v63  }
0xae: {  	p4 =	sne.s32 s2, $0x4C00;
	s2 =	sadd.s32 $0x80, s11  }
0xaf: {  	[tilespmem:s25], [sflag:$0x2] =	stream.indirect.gather [hbm4b:s4+s23], $0x80, s2, s23, $0xb8;
	[tilespmem:$0x1E0C0] =	vst v63  }
0xb0: {  	_ =	swait.ge [sflag:s26], $0x4000  }
0xb1: {  	[sflag:s26] =	ssyncset.done $0x0  }
0xb2: {  	s2 =	sadd.s32 $0x1400, s11;
	[sflag:s26] =	ssyncadd.s32 $0xFFFFC000  }
0xb3: {  	[spmem:s1] =	stream.indirect.scatter.add.f32 [tilespmem:s24], [sflag:$0x3], $0x80, s2, s23, $0xb8;
	[tilespmem:$0x1E0C0] =	vst v63  }
0xb4: {  	_ =	swait.ge [sflag:s21], $0x4000  }
0xb5: {  	[sflag:s21] =	ssyncset.done $0x0  }
0xb6: {  	[sflag:s21] =	ssyncadd.s32 $0xFFFFC000  }
0xb7: {  	_ =	swait.ge [sflag:s28], $0x4000  }
.Ltmp4:
0xb8: {  	[sflag:s28] =	ssyncset.done $0x0;
	(pc) =	sbr.rel @p4 .LBB2_5-.Ltmp4, $4  }
0xb9: {  	s2 =	sadd.s32 $0x1480, s11;
	[sflag:s28] =	ssyncadd.s32 $0xFFFFC000  }
0xba: {  	[spmem:s1] =	stream.indirect.scatter.add.f32 [tilespmem:s25], [sflag:$0x3], $0x80, s2, s23, $0xb8;
	[tilespmem:$0x1E0C0] =	vst v63  }
0xbb: {  	_ =	swait.ge [sflag:s21], $0x4000  }
0xbc: {  	s2 =	smov.u32 s12;
	[sflag:s21] =	ssyncset.done $0x0  }
0xbd: {  	s2 =	sshra.s32 s10, $0x2;
	[sflag:s21] =	ssyncadd.s32 $0xFFFFC000  }
0xbe: {  	[tilespmem:s24], [sflag:$0x1] =	stream.indirect.gather [hbm4b:s4+s23], $0x80, s2, s23, $0xb8;
	[tilespmem:$0x1E0C0] =	vst v63  }
0xbf: {  	s10 =	sadd.s32 $0x80, s2  }
0xc0: {  	[tilespmem:s25], [sflag:$0x2] =	stream.indirect.gather [hbm4b:s4+s23], $0x80, s10, s23, $0xb8;
	[tilespmem:$0x1E0C0] =	vst v63  }
0xc1: {  	_ =	swait.ge [sflag:s26], $0x4000  }
0xc2: {  	[sflag:s26] =	ssyncset.done $0x0  }
0xc3: {  	s12 =	sadd.s32 $0x1400, s2;
	[sflag:s26] =	ssyncadd.s32 $0xFFFFC000  }
0xc4: {  	[spmem:s1] =	stream.indirect.scatter.add.f32 [tilespmem:s24], [sflag:$0x3], $0x80, s12, s23, $0xb8;
	[tilespmem:$0x1E0C0] =	vst v63  }
0xc5: {  	_ =	swait.ge [sflag:s21], $0x4000  }
0xc6: {  	[sflag:s21] =	ssyncset.done $0x0  }
0xc7: {  	[sflag:s21] =	ssyncadd.s32 $0xFFFFC000  }
0xc8: {  	_ =	swait.ge [sflag:s28], $0x4000  }
0xc9: {  	[sflag:s28] =	ssyncset.done $0x0  }
0xca: {  	s2 =	sadd.s32 $0x1480, s2;
	[sflag:s28] =	ssyncadd.s32 $0xFFFFC000  }
0xcb: {  	[spmem:s1] =	stream.indirect.scatter.add.f32 [tilespmem:s25], [sflag:$0x3], $0x80, s2, s23, $0xb8;
	[tilespmem:$0x1E0C0] =	vst v63  }
0xcc: {  	_ =	swait.ge [sflag:s21], $0x4000  }
0xcd: {  	[sflag:s21] =	ssyncset.done $0x0  }
0xce: {  	[sflag:s21] =	ssyncadd.s32 $0xFFFFC000  }
.LBB2_7:
.Ltmp5:
0xcf: {  	(pc) =	sbr.rel @!p0 .LBB2_13-.Ltmp5, $1  }
0xd0: {  	_ =	sdelay $0x3  }
0xd1: {  	s2 =	simm.s32 $0x0  }
0xd2: {  	[tilespmem:s2], [sflag:$0x3] =	stream.linear.gather [hbm4b:s17+s2], $0x1400, $0x38;
	[tilespmem:$0x1E0C0] =	vst v63  }
0xd3: {  	_ =	swait.ge [sflag:s21], $0x1400  }
0xd4: {  	[sflag:s21] =	ssyncset.done $0x0  }
0xd5: {  	[sflag:s21] =	ssyncadd.s32 $0xFFFFEC00  }
0xd6: {  	[tilespmem:s22], [sflag:$0x3] =	stream.linear.gather [hbm4b:s18+s2], $0x1400, $0x38;
	[tilespmem:$0x1E0C0] =	vst v63  }
0xd7: {  	_ =	swait.ge [sflag:s21], $0x1400  }
0xd8: {  	[sflag:s21] =	ssyncset.done $0x0  }
0xd9: {  	s12 =	simm.s32 $0x0;
	[sflag:s21] =	ssyncadd.s32 $0xFFFFEC00  }
0xda: {  	[tilespmem:s24], [sflag:$0x1] =	stream.indirect.gather [hbm4b:s5+s23], $0x80, s12, s23, $0xb8;
	[tilespmem:$0x1E0C0] =	vst v63  }
0xdb: {  	s10 =	simm.s32 $0x80  }
0xdc: {  	[tilespmem:s25], [sflag:$0x2] =	stream.indirect.gather [hbm4b:s5+s23], $0x80, s10, s23, $0xb8;
	[tilespmem:$0x1E0C0] =	vst v63  }
0xdd: {  	_ =	swait.ge [sflag:s26], $0x4000  }
0xde: {  	[sflag:s26] =	ssyncset.done $0x0  }
0xdf: {  	s11 =	simm.s32 $0x1400;
	[sflag:s26] =	ssyncadd.s32 $0xFFFFC000  }
0xe0: {  	[spmem:s1] =	stream.indirect.scatter.add.f32 [tilespmem:s24], [sflag:$0x3], $0x80, s11, s23, $0xb8;
	[tilespmem:$0x1E0C0] =	vst v63  }
0xe1: {  	_ =	swait.ge [sflag:s21], $0x4000  }
0xe2: {  	[sflag:s21] =	ssyncset.done $0x0  }
0xe3: {  	[sflag:s21] =	ssyncadd.s32 $0xFFFFC000  }
0xe4: {  	_ =	swait.ge [sflag:s28], $0x4000  }
0xe5: {  	[sflag:s28] =	ssyncset.done $0x0  }
0xe6: {  	s12 =	simm.s32 $0x1480;
	[sflag:s28] =	ssyncadd.s32 $0xFFFFC000  }
0xe7: {  	[spmem:s1] =	stream.indirect.scatter.add.f32 [tilespmem:s25], [sflag:$0x3], $0x80, s12, s23, $0xb8;
	[tilespmem:$0x1E0C0] =	vst v63  }
0xe8: {  	_ =	swait.ge [sflag:s21], $0x4000  }
0xe9: {  	s2 =	simm.s32 $0x800;
	s10 =	simm.s32 $0x400;
	[sflag:s21] =	ssyncset.done $0x0  }
.LBB2_9:
0xea: {  	s11 =	sshra.s32 s10, $0x2  }
0xeb: {  	[sflag:s21] =	ssyncadd.s32 $0xFFFFC000;
	s10 =	smov.u32 s2;
	s12 =	sadd.s32 $0x400, s2  }
0xec: {  	[tilespmem:s24], [sflag:$0x1] =	stream.indirect.gather [hbm4b:s5+s23], $0x80, s11, s23, $0xb8;
	[tilespmem:$0x1E0C0] =	vst v63  }
0xed: {  	p4 =	sne.s32 s2, $0x4C00;
	s2 =	sadd.s32 $0x80, s11  }
0xee: {  	[tilespmem:s25], [sflag:$0x2] =	stream.indirect.gather [hbm4b:s5+s23], $0x80, s2, s23, $0xb8;
	[tilespmem:$0x1E0C0] =	vst v63  }
0xef: {  	_ =	swait.ge [sflag:s26], $0x4000  }
0xf0: {  	[sflag:s26] =	ssyncset.done $0x0  }
0xf1: {  	s2 =	sadd.s32 $0x1400, s11;
	[sflag:s26] =	ssyncadd.s32 $0xFFFFC000  }
0xf2: {  	[spmem:s1] =	stream.indirect.scatter.add.f32 [tilespmem:s24], [sflag:$0x3], $0x80, s2, s23, $0xb8;
	[tilespmem:$0x1E0C0] =	vst v63  }
0xf3: {  	_ =	swait.ge [sflag:s21], $0x4000  }
0xf4: {  	[sflag:s21] =	ssyncset.done $0x0  }
0xf5: {  	[sflag:s21] =	ssyncadd.s32 $0xFFFFC000  }
0xf6: {  	_ =	swait.ge [sflag:s28], $0x4000  }
.Ltmp6:
0xf7: {  	[sflag:s28] =	ssyncset.done $0x0;
	(pc) =	sbr.rel @p4 .LBB2_9-.Ltmp6, $4  }
0xf8: {  	s2 =	sadd.s32 $0x1480, s11;
	[sflag:s28] =	ssyncadd.s32 $0xFFFFC000  }
0xf9: {  	[spmem:s1] =	stream.indirect.scatter.add.f32 [tilespmem:s25], [sflag:$0x3], $0x80, s2, s23, $0xb8;
	[tilespmem:$0x1E0C0] =	vst v63  }
0xfa: {  	_ =	swait.ge [sflag:s21], $0x4000  }
0xfb: {  	s2 =	smov.u32 s12;
	[sflag:s21] =	ssyncset.done $0x0  }
0xfc: {  	s2 =	sshra.s32 s10, $0x2;
	[sflag:s21] =	ssyncadd.s32 $0xFFFFC000  }
0xfd: {  	[tilespmem:s24], [sflag:$0x1] =	stream.indirect.gather [hbm4b:s5+s23], $0x80, s2, s23, $0xb8;
	[tilespmem:$0x1E0C0] =	vst v63  }
0xfe: {  	s10 =	sadd.s32 $0x80, s2  }
0xff: {  	[tilespmem:s25], [sflag:$0x2] =	stream.indirect.gather [hbm4b:s5+s23], $0x80, s10, s23, $0xb8;
	[tilespmem:$0x1E0C0] =	vst v63  }
0x100: {  	_ =	swait.ge [sflag:s26], $0x4000  }
0x101: {  	[sflag:s26] =	ssyncset.done $0x0  }
0x102: {  	s12 =	sadd.s32 $0x1400, s2;
	[sflag:s26] =	ssyncadd.s32 $0xFFFFC000  }
0x103: {  	[spmem:s1] =	stream.indirect.scatter.add.f32 [tilespmem:s24], [sflag:$0x3], $0x80, s12, s23, $0xb8;
	[tilespmem:$0x1E0C0] =	vst v63  }
0x104: {  	_ =	swait.ge [sflag:s21], $0x4000  }
0x105: {  	[sflag:s21] =	ssyncset.done $0x0  }
0x106: {  	[sflag:s21] =	ssyncadd.s32 $0xFFFFC000  }
0x107: {  	_ =	swait.ge [sflag:s28], $0x4000  }
0x108: {  	[sflag:s28] =	ssyncset.done $0x0  }
0x109: {  	s2 =	sadd.s32 $0x1480, s2;
	[sflag:s28] =	ssyncadd.s32 $0xFFFFC000  }
0x10a: {  	[spmem:s1] =	stream.indirect.scatter.add.f32 [tilespmem:s25], [sflag:$0x3], $0x80, s2, s23, $0xb8;
	[tilespmem:$0x1E0C0] =	vst v63  }
0x10b: {  	_ =	swait.ge [sflag:s21], $0x4000  }
0x10c: {  	[sflag:s21] =	ssyncset.done $0x0  }
0x10d: {  	s11 =	simm.s32 $0x0;
	[sflag:s21] =	ssyncadd.s32 $0xFFFFC000  }
0x10e: {  	[tilespmem:s11], [sflag:$0x3] =	stream.linear.gather [hbm4b:s19+s11], $0x1400, $0x38;
	[tilespmem:$0x1E0C0] =	vst v63  }
0x10f: {  	_ =	swait.ge [sflag:s21], $0x1400  }
0x110: {  	[sflag:s21] =	ssyncset.done $0x0  }
0x111: {  	[sflag:s21] =	ssyncadd.s32 $0xFFFFEC00  }
0x112: {  	[tilespmem:s22], [sflag:$0x3] =	stream.linear.gather [hbm4b:s20+s11], $0x1400, $0x38;
	[tilespmem:$0x1E0C0] =	vst v63  }
0x113: {  	_ =	swait.ge [sflag:s21], $0x1400  }
0x114: {  	[sflag:s21] =	ssyncset.done $0x0  }
0x115: {  	s12 =	simm.s32 $0x0;
	[sflag:s21] =	ssyncadd.s32 $0xFFFFEC00  }
0x116: {  	[tilespmem:s24], [sflag:$0x1] =	stream.indirect.gather [hbm4b:s5+s23], $0x80, s12, s23, $0xb8;
	[tilespmem:$0x1E0C0] =	vst v63  }
0x117: {  	s10 =	simm.s32 $0x80  }
0x118: {  	[tilespmem:s25], [sflag:$0x2] =	stream.indirect.gather [hbm4b:s5+s23], $0x80, s10, s23, $0xb8;
	[tilespmem:$0x1E0C0] =	vst v63  }
0x119: {  	_ =	swait.ge [sflag:s26], $0x4000  }
0x11a: {  	[sflag:s26] =	ssyncset.done $0x0  }
0x11b: {  	s11 =	simm.s32 $0x1400;
	[sflag:s26] =	ssyncadd.s32 $0xFFFFC000  }
0x11c: {  	[spmem:s1] =	stream.indirect.scatter.add.f32 [tilespmem:s24], [sflag:$0x3], $0x80, s11, s23, $0xb8;
	[tilespmem:$0x1E0C0] =	vst v63  }
0x11d: {  	_ =	swait.ge [sflag:s21], $0x4000  }
0x11e: {  	[sflag:s21] =	ssyncset.done $0x0  }
0x11f: {  	[sflag:s21] =	ssyncadd.s32 $0xFFFFC000  }
0x120: {  	_ =	swait.ge [sflag:s28], $0x4000  }
0x121: {  	[sflag:s28] =	ssyncset.done $0x0  }
0x122: {  	s12 =	simm.s32 $0x1480;
	[sflag:s28] =	ssyncadd.s32 $0xFFFFC000  }
0x123: {  	[spmem:s1] =	stream.indirect.scatter.add.f32 [tilespmem:s25], [sflag:$0x3], $0x80, s12, s23, $0xb8;
	[tilespmem:$0x1E0C0] =	vst v63  }
0x124: {  	_ =	swait.ge [sflag:s21], $0x4000  }
0x125: {  	s2 =	simm.s32 $0x800;
	s10 =	simm.s32 $0x400;
	[sflag:s21] =	ssyncset.done $0x0  }
.LBB2_11:
0x126: {  	s11 =	sshra.s32 s10, $0x2  }
0x127: {  	[sflag:s21] =	ssyncadd.s32 $0xFFFFC000;
	s10 =	smov.u32 s2;
	s12 =	sadd.s32 $0x400, s2  }
0x128: {  	[tilespmem:s24], [sflag:$0x1] =	stream.indirect.gather [hbm4b:s5+s23], $0x80, s11, s23, $0xb8;
	[tilespmem:$0x1E0C0] =	vst v63  }
0x129: {  	p4 =	sne.s32 s2, $0x4C00;
	s2 =	sadd.s32 $0x80, s11  }
0x12a: {  	[tilespmem:s25], [sflag:$0x2] =	stream.indirect.gather [hbm4b:s5+s23], $0x80, s2, s23, $0xb8;
	[tilespmem:$0x1E0C0] =	vst v63  }
0x12b: {  	_ =	swait.ge [sflag:s26], $0x4000  }
0x12c: {  	[sflag:s26] =	ssyncset.done $0x0  }
0x12d: {  	s2 =	sadd.s32 $0x1400, s11;
	[sflag:s26] =	ssyncadd.s32 $0xFFFFC000  }
0x12e: {  	[spmem:s1] =	stream.indirect.scatter.add.f32 [tilespmem:s24], [sflag:$0x3], $0x80, s2, s23, $0xb8;
	[tilespmem:$0x1E0C0] =	vst v63  }
0x12f: {  	_ =	swait.ge [sflag:s21], $0x4000  }
0x130: {  	[sflag:s21] =	ssyncset.done $0x0  }
0x131: {  	[sflag:s21] =	ssyncadd.s32 $0xFFFFC000  }
0x132: {  	_ =	swait.ge [sflag:s28], $0x4000  }
.Ltmp7:
0x133: {  	[sflag:s28] =	ssyncset.done $0x0;
	(pc) =	sbr.rel @p4 .LBB2_11-.Ltmp7, $4  }
0x134: {  	s2 =	sadd.s32 $0x1480, s11;
	[sflag:s28] =	ssyncadd.s32 $0xFFFFC000  }
0x135: {  	[spmem:s1] =	stream.indirect.scatter.add.f32 [tilespmem:s25], [sflag:$0x3], $0x80, s2, s23, $0xb8;
	[tilespmem:$0x1E0C0] =	vst v63  }
0x136: {  	_ =	swait.ge [sflag:s21], $0x4000  }
0x137: {  	s2 =	smov.u32 s12;
	[sflag:s21] =	ssyncset.done $0x0  }
.Ltmp8:
0x138: {  	_ = 	snop;
	(pc) =	sbr.rel .LBB2_12-.Ltmp8, $1  }
0x139: {  	_ =	sdelay $0x3  }
.LBB2_14:
0x13a: {  	_ =	sfence.sel $0x180000  }
0x13b: {  	[bflag:$0x0] =	sbarrier.arrive $0xFFFF  }
0x13c: {  	_ =	strace $0x9000004A  }
0x13d: {  	s0 =	stileid.u32;
	[bflag:$0x2] =	sbarrier.arrive $0xFFFF  }
0x13e: {  	p0 =	sne.s32 s0, $0x0;
	s0 =	rddreg [dreg:$0x2]  }
0x13f: {  	s0 =	sadd.s32 @!p0 $0x100000, s0  }
0x140: {  	[sflag:s0] =	ssyncadd.tile.s32 @!p0 $0x1;
	_ =	shalt  }
.Lfunc_end2:
_tile_overlayer_lowered:
.L_overlay_start_2:
0x141: {  	(tag) =	ssettag $0x2  }
0x142: {  	s0 =	rddreg [dreg:$0x0];
	s2 =	stileid.u32  }
0x143: {  	s1 =	rddreg [dreg:$0x1];
	p0 =	sne.s32 s2, $0x0  }
0x144: {  	s3 =	rddreg [dreg:$0x2];
	[bflag:$0x3] =	sbarrier.arrive $0xFFFF;
	s2 =	simm.s32 @!p0 $0x1C03  }
0x145: {  	[timem:s3], [sflag:s2] =	dma.local @!p0 [hbm:s0], s1  }
0x146: {  	s0 =	simm.s32 @!p0 $0x3  }
0x147: {  	_ =	swait.ge @!p0 [sflag:s0], s1  }
0x148: {  	s1 =	ssub.s32 @!p0 $0x0, s1;
	[sflag:s0] =	ssyncset.done @!p0 $0x0  }
0x149: {  	[sflag:s0] =	ssyncadd.s32 @!p0 s1  }
0x14a: {  	[bflag:$0x3] =	sbarrier.arrive $0xFFFF  }
0x14b: {  	_ =	shalt  }

// kernel: kernel.16.cloned.1.call-start
scs
__scs_entry_jumppad:
0x0: {  	(pc) =	sbr.rel $0x88, $3  }
0x1: {  	(tag) =	ssettag $0x0;
	lr =	simm.s32 $0x1  }
0x2: {  	[smem:$0x3F95] =	sst lr;
	_ =	strace $0xD0000000  }
0x3: {  	_ = 	snop  }
0x4: {  	_ = 	snop  }
0x5: {  	_ = 	snop  }
0x6: {  	_ = 	snop  }
0x7: {  	_ = 	snop  }
__scs_overlays_trampoline_lowered:
0x8: {  	[smem:$0x3FA4] =	sst s0  }
0x9: {  	[smem:$0x3FA5] =	sst s1  }
0xa: {  	[smem:$0x3FA6] =	sst s2  }
0xb: {  	[smem:$0x3FA7] =	sst s3  }
0xc: {  	[smem:$0x3FA8] =	sst s4  }
0xd: {  	[smem:$0x3FA9] =	sst s5  }
0xe: {  	[smem:$0x3FAA] =	sst s6  }
0xf: {  	[smem:$0x3FAB] =	sst s7  }
0x10: {  	[smem:$0x3FAC] =	sst s8  }
0x11: {  	[smem:$0x3FAD] =	sst s9;
	s0 =	simm.s32 @!p0 $0x0  }
0x12: {  	s1 =	sld [smem:$0x3F93];
	s0 =	simm.s32 @p0 $0x1  }
0x13: {  	[smem:$0x3FAE] =	sst s0;
	s0 =	simm.s32 @!p1 $0x0  }
0x14: {  	s2 =	sld [smem:$0x3F92];
	s0 =	simm.s32 @p1 $0x1  }
0x15: {  	[smem:$0x3FAF] =	sst s0;
	s0 =	simm.s32 @!p2 $0x0  }
0x16: {  	s3 =	sld [smem:$0x3FDB];
	s0 =	simm.s32 @p2 $0x1  }
0x17: {  	s4 =	simm.s32 $0x1BF5;
	[smem:$0x3FB1] =	sst s0  }
0x18: {  	s0 =	sld [smem:$0x3F94];
	_ =	swait.ge [sflag:s4], $0x0  }
0x19: {  	s7 =	sld [smem:$0x3F95]  }
0x1a: {  	s8 =	sadd.s32 $0xFFFFE003, lr  }
0x1b: {  	s9 =	sadd.s32 $0xFFFFFEF7, lr;
	s5 =	simm.s32 $0xFFFFFFFF;
	p2 =	slt.u32 s8, $0xFFFFF086  }
0x1c: {  	p1 =	slt.u32 s9, $0xF7A;
	s5 =	simm.s32 @!p2 $0x0  }
0x1d: {  	s5 =	simm.s32 @p1 $0x1;
	p0 =	seq.s32 s7, s2  }
0x1e: {  	s7 =	smul.u32 @!p0 $0xF7A, s2;
	p2 =	seq.s32 @!p0 s5, $0x0  }
0x1f: {  	s9 =	smul.u32 $0xF7A, s1;
	s8 =	simm.s32 @!p0 $0x1BF5;
	p2 =	por !p2, p0  }
0x20: {  	[sflag:s8] =	ssyncset.s32 @!p0 $0xFFFFF086;
	s6 =	sadd.s32 @!p0 s3, s7;
	s7 =	simm.s32 @!p0 $0x108  }
0x21: {  	s3 =	sadd.s32 s3, s9;
	s6 =	sadd.s32 @!p0 $0x88, s6;
	s7 =	simm.s32 @p2 $0x1082  }
0x22: {  	[simem:s7], [sflag:s8] =	dma.local @!p0 [hbm:s6], $0xF7A  }
0x23: {  	s9 =	sor.u32 $0xD0000000, s2;
	s6 =	simm.s32 $0x108;
	_ =	swait.ge @!p0 [sflag:s8], $0x0  }
0x24: {  	s3 =	sadd.s32 $0x88, s3;
	s6 =	simm.s32 @!p1 $0x1082;
	[sflag:s4] =	ssyncset.s32 $0xFFFFF086  }
0x25: {  	[simem:s6], [sflag:s4] =	dma.local [hbm:s3], $0xF7A  }
0x26: {  	[smem:$0x3F95] =	sst s1;
	(tag) =	ssettag s2;
	_ =	strace s9  }
0x27: {  	s1 =	sld [smem:$0x3FA5]  }
0x28: {  	s2 =	sld [smem:$0x3FA6]  }
0x29: {  	s4 =	sld [smem:$0x3FA8]  }
0x2a: {  	p0 =	seq.s32 s5, $0x0;
	s5 =	sld [smem:$0x3FA9]  }
0x2b: {  	s6 =	sld [smem:$0x3FAA]  }
0x2c: {  	s7 =	sld [smem:$0x3FAB]  }
0x2d: {  	s3 =	simm.s32 $0x108;
	s8 =	sld [smem:$0x3FAC]  }
0x2e: {  	s3 =	simm.s32 @!p0 $0x1082;
	s9 =	sld [smem:$0x3FAD]  }
0x2f: {  	lr =	sadd.s32 s0, s3;
	s0 =	sld [smem:$0x3FA4]  }
0x30: {  	s3 =	sld [smem:$0x3FA7]  }
0x31: {  	[smem:$0x3FB0] =	sst s10  }
0x32: {  	s10 =	sld [smem:$0x3FAE];
	_ =	sdelay $0x3  }
0x33: {  	p0 =	seq.s32 s10, $0x1;
	s10 =	sld [smem:$0x3FB0];
	_ =	sdelay $0x3  }
0x34: {  	[smem:$0x3FB0] =	sst s10  }
0x35: {  	s10 =	sld [smem:$0x3FAF];
	_ =	sdelay $0x3  }
0x36: {  	p1 =	seq.s32 s10, $0x1;
	s10 =	sld [smem:$0x3FB0];
	_ =	sdelay $0x3  }
0x37: {  	[smem:$0x3FB0] =	sst s10  }
0x38: {  	s10 =	sld [smem:$0x3FB1]  }
0x39: {  	_ = 	snop;
	(pc) =	sbr.ind lr, $3  }
0x3a: {  	_ = 	snop  }
0x3b: {  	_ = 	snop  }
0x3c: {  	p2 =	seq.s32 s10, $0x1;
	s10 =	sld [smem:$0x3FB0]  }
0x3d: {  	_ =	shalt  }
0x3e: {  	_ =	shalt  }
0x3f: {  	_ =	shalt  }
0x40: {  	_ =	shalt  }
0x41: {  	_ =	shalt  }
0x42: {  	_ =	shalt  }
0x43: {  	_ =	shalt  }
0x44: {  	_ =	shalt  }
0x45: {  	_ =	shalt  }
0x46: {  	_ =	shalt  }
0x47: {  	_ =	shalt  }
0x48: {  	_ =	shalt  }
0x49: {  	_ =	shalt  }
0x4a: {  	_ =	shalt  }
0x4b: {  	_ =	shalt  }
0x4c: {  	_ =	shalt  }
0x4d: {  	_ =	shalt  }
0x4e: {  	_ =	shalt  }
0x4f: {  	_ =	shalt  }
0x50: {  	_ =	shalt  }
0x51: {  	_ =	shalt  }
0x52: {  	_ =	shalt  }
0x53: {  	_ =	shalt  }
0x54: {  	_ =	shalt  }
0x55: {  	_ =	shalt  }
0x56: {  	_ =	shalt  }
0x57: {  	_ =	shalt  }
0x58: {  	_ =	shalt  }
0x59: {  	_ =	shalt  }
0x5a: {  	_ =	shalt  }
0x5b: {  	_ =	shalt  }
0x5c: {  	_ =	shalt  }
0x5d: {  	_ =	shalt  }
0x5e: {  	_ =	shalt  }
0x5f: {  	_ =	shalt  }
0x60: {  	_ =	shalt  }
0x61: {  	_ =	shalt  }
0x62: {  	_ =	shalt  }
0x63: {  	_ =	shalt  }
0x64: {  	_ =	shalt  }
0x65: {  	_ =	shalt  }
0x66: {  	_ =	shalt  }
0x67: {  	_ =	shalt  }
0x68: {  	_ =	shalt  }
0x69: {  	_ =	shalt  }
0x6a: {  	_ =	shalt  }
0x6b: {  	_ =	shalt  }
0x6c: {  	_ =	shalt  }
0x6d: {  	_ =	shalt  }
0x6e: {  	_ =	shalt  }
0x6f: {  	_ =	shalt  }
0x70: {  	_ =	shalt  }
0x71: {  	_ =	shalt  }
0x72: {  	_ =	shalt  }
0x73: {  	_ =	shalt  }
0x74: {  	_ =	shalt  }
0x75: {  	_ =	shalt  }
0x76: {  	_ =	shalt  }
0x77: {  	_ =	shalt  }
0x78: {  	_ =	shalt  }
0x79: {  	_ =	shalt  }
0x7a: {  	_ =	shalt  }
0x7b: {  	_ =	shalt  }
0x7c: {  	_ =	shalt  }
0x7d: {  	_ =	shalt  }
0x7e: {  	_ =	shalt  }
0x7f: {  	_ =	shalt  }
0x80: {  	_ =	shalt  }
0x81: {  	_ =	shalt  }
0x82: {  	_ =	shalt  }
0x83: {  	_ =	shalt  }
0x84: {  	_ =	shalt  }
0x85: {  	_ =	shalt  }
0x86: {  	_ =	shalt  }
0x87: {  	_ =	shalt  }
.Lfunc_end0:
.L_simem_size_0:
called_computation.2_lowered:
.L_overlay_start_0:
0x88: {  	s2 =	sld [smem:$0x3FD9]  }
0x89: {  	s3 =	sld [smem:$0x3FFE];
	_ =	sdelay $0x1  }
0x8a: {  	s1 =	srdreg.scid  }
0x8b: {  	s0 =	sand.u32 $0x1, s1  }
0x8c: {  	s16 =	sshll.u32 s0, $0xA;
	s2 =	sadd.s32 s3, s2  }
0x8d: {  	s2 =	sadd.s32 s2, s16  }
0x8e: {  	[smem:$0x3FBC] =	sst s2  }
0x8f: {  	_ = 	snop  }
0x90: {  	(tm) =	ssettm $0x1  }
0x91: {  	s17 =	sld [smem:$0x3FFB];
	_ =	sdelay $0x3  }
0x92: {  	_ =	strace s17  }
0x93: {  	s2 =	sld [smem:$0x3FFC];
	_ =	sdelay $0x3  }
0x94: {  	_ =	strace s2  }
0x95: {  	s2 =	sld [smem:$0x3FFD];
	_ =	sdelay $0x3  }
0x96: {  	_ =	strace s2  }
0x97: {  	_ =	strace $0x8FFFFFFF  }
0x98: {  	s18 =	sld [smem:$0x3FDB];
	_ =	sdelay $0x1  }
0x99: {  	s19 =	simm.s32 $_scs_section_size  }
0x9a: {  	s4 =	simm.s32 $_size__tile_overlayer_lowered;
	s5 =	simm.s32 $_tile_overlayer_lowered  }
0x9b: {  	s22 =	simm.s32 $0x1BFF;
	s21 =	sshll.u32 s5, $0x1;
	s2 =	sadd.s32 s19, s18  }
0x9c: {  	s6 =	simm.s32 $0x0;
	s20 =	sshll.u32 s4, $0x1;
	s4 =	sadd.s32 s21, s2  }
0x9d: {  	[timem:s6], [sflag:s22] =	dma.local [hbm:s4], s20  }
0x9e: {  	_ =	swait.ge [sflag:s22], s20  }
0x9f: {  	s3 =	ssub.s32 $0x0, s20;
	[sflag:s22] =	ssyncset.done $0x0  }
0xa0: {  	[sflag:s22] =	ssyncadd.s32 s3;
	_ =	sdelay $0x1  }
0xa1: {  	s23 =	simm.s32 $0x1B8B  }
0xa2: {  	_ =	swait.ge [sflag:s23], $0x1  }
0xa3: {  	[sflag:s23] =	ssyncset.done $0x0  }
0xa4: {  	s25 =	simm.s32 $0x1B8E;
	s24 =	sld [smem:$0x3FFE];
	[sflag:s23] =	ssyncadd.s32 $0xFFFFFFFF  }
0xa5: {  	s26 =	simm.s32 $execute0_lowered;
	[smem:$0x3FD2] =	sst s25  }
0xa6: {  	s4 =	sshll.u32 s26, $0x1;
	_ =	strace $0x8000004C;
	[dreg:$0x1] =	wrdreg $0xFFFFFFFF  }
0xa7: {  	s28 =	simm.s32 $_size_execute0_lowered;
	s2 =	sadd.s32 s2, s4;
	[dreg:$0x0] =	wrdreg $0x0  }
0xa8: {  	s4 =	sshll.u32 s28, $0x1;
	[dreg:$0x2] =	wrdreg s2  }
0xa9: {  	[dreg:$0x3] =	wrdreg s4  }
0xaa: {  	[dreg:$0x4] =	wrdreg $0xC0  }
0xab: {  	_ =	task [dreg:s6], $0x5FFFF  }
0xac: {  	[dreg:$0x1] =	wrdreg $0xFFFFFFFF  }
0xad: {  	[dreg:$0x0] =	wrdreg $0x60  }
0xae: {  	[dreg:$0x2] =	wrdreg s24  }
0xaf: {  	[dreg:$0x3] =	wrdreg $0xA8000  }
0xb0: {  	[dreg:$0x4] =	wrdreg $0x9  }
0xb1: {  	_ =	task.clear_ibuf [dreg:s6], $0x5FFFF;
	_ =	strace $0x9000004C  }
0xb2: {  	s29 =	simm.s32 $0x9;
	_ =	strace $0x8000004E  }
0xb3: {  	_ =	swait.ge [sflag:s29], $0x1  }
0xb4: {  	[sflag:s29] =	ssyncadd.s32 $0xFFFFFFFF  }
0xb5: {  	_ =	strace $0x9000004E  }
0xb6: {  	_ =	sfence  }
0xb7: {  	s30 =	sld [smem:$0x0];
	_ =	sdelay $0x2  }
0xb8: {  	s31 =	sshll.u32 s1, $0xD;
	s1 =	sshrl.u32 s1, $0x2  }
0xb9: {  	s3 =	sand.u32 $0x4000, s31;
	s1 =	sadd.s32 s1, s30  }
0xba: {  	s0 =	sor.u32 s3, s0;
	s1 =	sshll.u32 s1, $0x11  }
0xbb: {  	s0 =	sor.u32 s1, s0  }
0xbc: {  	s0 =	sadd.s32 $0x8F2B, s0  }
0xbd: {  	[sflag:s0] =	ssyncadd.remote.s32 $0x1  }
0xbe: {  	_ =	sfence.sel $0xFFFF  }
0xbf: {  	[dreg:$0x0] =	wrdreg $0xFFFFFFFF;
	(pc) =	sbr.abs _section_cstart, $3  }
0xc0: {  	[dreg:$0x1] =	wrdreg $0xFFFFFFFF  }
0xc1: {  	_ =	task.clear_ibuf [dreg:s6], $0x2FFFF;
	_ =	strace $0x9FFFFFFF  }
0xc2: {  	(tm) =	ssettm $0x7FFFFFFF  }
0xc3: {  	_ =	shalt  }
tec
execute0_lowered:
.L_overlay_start_1:
0x0: {  	(tag) =	ssettag $0x1  }
0x1: {  	s0 =	rddreg [dreg:$0x0]  }
0x2: {  	s1 =	rddreg [dreg:$0x1];
	s3 =	simm.s32 $0x0;
	s11 =	stileid.u32  }
0x3: {  	s2 =	srdreg.scid;
	s21 =	simm.s32 $0x3;
	s22 =	simm.s32 $0x1400  }
0x4: {  	s28 =	simm.s32 $0x2;
	[smem:$0x7FF] =	sst s3;
	s4 =	sadd.s32 $0xE400, s0  }
0x5: {  	s7 =	smul.u32 $0x2700, s11;
	s2 =	sand.u32 $0x1, s2;
	s5 =	sadd.s32 $0x35600, s0  }
0x6: {  	s8 =	smul.u32 $0x4E000, s11;
	s10 =	sadd.s32 $0x9400, s0;
	s20 =	sadd.s32 $0x4400, s0  }
0x7: {  	p2 =	seq.s32 s11, $0xF;
	s25 =	sadd.s32 $0x35400, s0;
	s26 =	smul.u32 $0x2800, s11  }
0x8: {  	s29 =	sadd.s32 $0x5C600, s0;
	s14 =	sadd.s32 $0x83800, s0;
	s15 =	sadd.s32 $0xAAA00, s0  }
0x9: {  	_ =	strace $0x8000004D;
	s6 =	ssub.s32 $0x2, s2;
	[dreg:$0x5] =	wrdreg s25  }
0xa: {  	p1 =	seq.s32 s2, $0x0;
	p0 =	seq.s32 s2, $0x1;
	[dreg:$0x6] =	wrdreg s29  }
0xb: {  	p3 =	sne.s32 s2, $0x0;
	s25 =	simm.s32 $0x6800;
	s9 =	sshrl.u32 s6, $0x1  }
0xc: {  	s13 =	sadd.s32 s7, s0;
	s23 =	sshrl.u32 s8, $0x2;
	s24 =	sadd.s32 s4, s7  }
0xd: {  	p1 =	por !p1, !p2;
	s7 =	sadd.s32 s5, s7;
	p2 =	por !p2, !p0  }
0xe: {  	s16 =	ssub.s32 s6, s9;
	s6 =	sadd.s32 s23, s1;
	[dreg:$0x3] =	wrdreg s24  }
0xf: {  	[dreg:$0x4] =	wrdreg s7;
	p1 =	por !p1, !p1;
	s9 =	sadd.s32 $0x138000, s1  }
.Ltmp0:
0x10: {  	p2 =	por !p2, !p2;
	s30 =	sadd.s32 $0x5C800, s13;
	(pc) =	sbr.rel .LBB2_1-.Ltmp0, $4  }
0x11: {  	s13 =	sadd.s32 $0x83A00, s13;
	s7 =	sshrl.u32 s26, $0x3;
	s23 =	simm.s32 $0x80  }
0x12: {  	s24 =	simm.s32 $0x2800;
	s26 =	simm.s32 $0x1;
	[dreg:$0x7] =	wrdreg s30  }
0x13: {  	s16 =	smax.u32 s16, $0x1;
	s31 =	sadd.s32 $0x280, s7;
	s17 =	sadd.s32 s10, s7  }
0x14: {  	s18 =	sadd.s32 s20, s7;
	s19 =	sadd.s32 s10, s31;
	s20 =	sadd.s32 s20, s31  }
.LBB2_12:
0x15: {  	s2 =	sshra.s32 s10, $0x2;
	[sflag:s21] =	ssyncadd.s32 $0xFFFFC000  }
0x16: {  	[tilespmem:s24], [sflag:$0x1] =	stream.indirect.gather [hbm4b:s5+s23], $0x80, s2, s23, $0xb8;
	[tilespmem:$0x1E0C0] =	vst v63  }
0x17: {  	s10 =	sadd.s32 $0x80, s2  }
0x18: {  	[tilespmem:s25], [sflag:$0x2] =	stream.indirect.gather [hbm4b:s5+s23], $0x80, s10, s23, $0xb8;
	[tilespmem:$0x1E0C0] =	vst v63  }
0x19: {  	_ =	swait.ge [sflag:s26], $0x4000  }
0x1a: {  	[sflag:s26] =	ssyncset.done $0x0  }
0x1b: {  	s12 =	sadd.s32 $0x1400, s2;
	[sflag:s26] =	ssyncadd.s32 $0xFFFFC000  }
0x1c: {  	[spmem:s1] =	stream.indirect.scatter.add.f32 [tilespmem:s24], [sflag:$0x3], $0x80, s12, s23, $0xb8;
	[tilespmem:$0x1E0C0] =	vst v63  }
0x1d: {  	_ =	swait.ge [sflag:s21], $0x4000  }
0x1e: {  	[sflag:s21] =	ssyncset.done $0x0  }
0x1f: {  	[sflag:s21] =	ssyncadd.s32 $0xFFFFC000  }
0x20: {  	_ =	swait.ge [sflag:s28], $0x4000  }
0x21: {  	[sflag:s28] =	ssyncset.done $0x0  }
0x22: {  	s2 =	sadd.s32 $0x1480, s2;
	[sflag:s28] =	ssyncadd.s32 $0xFFFFC000  }
0x23: {  	[spmem:s1] =	stream.indirect.scatter.add.f32 [tilespmem:s25], [sflag:$0x3], $0x80, s2, s23, $0xb8;
	[tilespmem:$0x1E0C0] =	vst v63  }
0x24: {  	_ =	swait.ge [sflag:s21], $0x4000  }
0x25: {  	[sflag:s21] =	ssyncset.done $0x0  }
0x26: {  	[sflag:s21] =	ssyncadd.s32 $0xFFFFC000  }
.LBB2_13:
0x27: {  	[bflag:$0x0] =	sbarrier.arrive $0xFFFF  }
0x28: {  	s2 =	rddreg [dreg:$0x7]  }
0x29: {  	[hbm:s2], [sflag:s29] =	dma.local @!p3 [spmem:s30], $0x2700  }
0x2a: {  	s2 =	simm.s32 @!p3 $0x3  }
0x2b: {  	_ =	swait.ge @!p3 [sflag:s2], $0x2700  }
0x2c: {  	[sflag:s2] =	ssyncset.done @!p3 $0x0  }
0x2d: {  	[sflag:s2] =	ssyncadd.s32 @!p3 $0xFFFFD900  }
0x2e: {  	[hbm:s13], [sflag:s31] =	dma.local @p0 [spmem:s0], $0x2700  }
0x2f: {  	s0 =	simm.s32 @p0 $0x3  }
0x30: {  	_ =	swait.ge @p0 [sflag:s0], $0x2700  }
0x31: {  	[sflag:s0] =	ssyncset.done @p0 $0x0  }
0x32: {  	[sflag:s0] =	ssyncadd.s32 @p0 $0xFFFFD900;
	s0 =	simm.s32 @p1 $0x1FC3  }
0x33: {  	[hbm:s14], [sflag:s0] =	dma.local @p1 [spmem:s7], $0x100  }
0x34: {  	s0 =	simm.s32 @p1 $0x3  }
0x35: {  	_ =	swait.ge @p1 [sflag:s0], $0x100  }
0x36: {  	s3 =	sadd.s32 $0x1, s3;
	[sflag:s0] =	ssyncset.done @p1 $0x0  }
0x37: {  	p4 =	sne.s32 s3, s16;
	[sflag:s0] =	ssyncadd.s32 @p1 $0xFFFFFF00;
	s0 =	simm.s32 @p2 $0x1FC3  }
0x38: {  	[hbm:s15], [sflag:s0] =	dma.local @p2 [spmem:s8], $0x100  }
.Ltmp1:
0x39: {  	_ = 	snop;
	(pc) =	sbr.rel @!p4 .LBB2_14-.Ltmp1, $4  }
0x3a: {  	s0 =	simm.s32 @p2 $0x3  }
0x3b: {  	_ =	swait.ge @p2 [sflag:s0], $0x100  }
0x3c: {  	[sflag:s0] =	ssyncset.done @p2 $0x0  }
0x3d: {  	[sflag:s0] =	ssyncadd.s32 @p2 $0xFFFFFF00  }
.LBB2_1:
0x3e: {  	s2 =	stileid.u32  }
0x3f: {  	s0 =	sshll.u32 @!p3 s2, $0x6  }
0x40: {  	s30 =	sshrl.u32 @!p3 s6, $0x3;
	s29 =	sor.u32 @!p3 $0x1C03, s0;
	s0 =	rddreg [dreg:$0x3]  }
0x41: {  	[spmem:s30], [sflag:s29] =	dma.local @!p3 [hbm:s0], $0x2700  }
0x42: {  	s0 =	simm.s32 @!p3 $0x3  }
0x43: {  	s2 =	sshll.u32 @p0 s2, $0x6;
	_ =	swait.ge @!p3 [sflag:s0], $0x2700  }
0x44: {  	s31 =	sor.u32 @p0 $0x1C03, s2;
	[sflag:s0] =	ssyncset.done @!p3 $0x0  }
0x45: {  	s2 =	rddreg [dreg:$0x4];
	[sflag:s0] =	ssyncadd.s32 @!p3 $0xFFFFD900;
	s0 =	sshrl.u32 @p0 s6, $0x3  }
0x46: {  	[spmem:s0], [sflag:s31] =	dma.local @p0 [hbm:s2], $0x2700  }
0x47: {  	s2 =	simm.s32 @p0 $0x3  }
0x48: {  	_ =	swait.ge @p0 [sflag:s2], $0x2700  }
0x49: {  	s7 =	sshrl.u32 @p1 s9, $0x3;
	[sflag:s2] =	ssyncset.done @p0 $0x0  }
0x4a: {  	s8 =	rddreg [dreg:$0x5];
	[sflag:s2] =	ssyncadd.s32 @p0 $0xFFFFD900;
	s2 =	simm.s32 @p1 $0x1FC3  }
0x4b: {  	[spmem:s7], [sflag:s2] =	dma.local @p1 [hbm:s8], $0x100  }
0x4c: {  	s2 =	simm.s32 @p1 $0x3  }
0x4d: {  	_ =	swait.ge @p1 [sflag:s2], $0x100  }
0x4e: {  	s8 =	sshrl.u32 @p2 s9, $0x3;
	[sflag:s2] =	ssyncset.done @p1 $0x0  }
0x4f: {  	s10 =	rddreg [dreg:$0x6];
	[sflag:s2] =	ssyncadd.s32 @p1 $0xFFFFFF00;
	s2 =	simm.s32 @p2 $0x1FC3  }
0x50: {  	[spmem:s8], [sflag:s2] =	dma.local @p2 [hbm:s10], $0x100  }
0x51: {  	s2 =	simm.s32 @p2 $0x3  }
.Ltmp2:
0x52: {  	_ =	swait.ge @p2 [sflag:s2], $0x100;
	(pc) =	sbr.rel @p3 .LBB2_7-.Ltmp2, $3  }
0x53: {  	[sflag:s2] =	ssyncset.done @p2 $0x0  }
0x54: {  	[sflag:s2] =	ssyncadd.s32 @p2 $0xFFFFFF00  }
0x55: {  	[bflag:$0x0] =	sbarrier.arrive $0xFFFF;
	_ =	sdelay $0x1  }
0x56: {  	s2 =	simm.s32 $0x0  }
0x57: {  	[tilespmem:s2], [sflag:$0x3] =	stream.linear.gather [hbm4b:s17+s2], $0x1400, $0x38;
	[tilespmem:$0x1E0C0] =	vst v63  }
0x58: {  	_ =	swait.ge [sflag:s21], $0x1400  }
0x59: {  	[sflag:s21] =	ssyncset.done $0x0  }
0x5a: {  	[sflag:s21] =	ssyncadd.s32 $0xFFFFEC00  }
0x5b: {  	[tilespmem:s22], [sflag:$0x3] =	stream.linear.gather [hbm4b:s18+s2], $0x1400, $0x38;
	[tilespmem:$0x1E0C0] =	vst v63  }
0x5c: {  	_ =	swait.ge [sflag:s21], $0x1400  }
0x5d: {  	[sflag:s21] =	ssyncset.done $0x0  }
0x5e: {  	s12 =	simm.s32 $0x0;
	[sflag:s21] =	ssyncadd.s32 $0xFFFFEC00  }
0x5f: {  	[tilespmem:s24], [sflag:$0x1] =	stream.indirect.gather [hbm4b:s4+s23], $0x80, s12, s23, $0xb8;
	[tilespmem:$0x1E0C0] =	vst v63  }
0x60: {  	s10 =	simm.s32 $0x80  }
0x61: {  	[tilespmem:s25], [sflag:$0x2] =	stream.indirect.gather [hbm4b:s4+s23], $0x80, s10, s23, $0xb8;
	[tilespmem:$0x1E0C0] =	vst v63  }
0x62: {  	_ =	swait.ge [sflag:s26], $0x4000  }
0x63: {  	[sflag:s26] =	ssyncset.done $0x0  }
0x64: {  	s11 =	simm.s32 $0x1400;
	[sflag:s26] =	ssyncadd.s32 $0xFFFFC000  }
0x65: {  	[spmem:s1] =	stream.indirect.scatter.add.f32 [tilespmem:s24], [sflag:$0x3], $0x80, s11, s23, $0xb8;
	[tilespmem:$0x1E0C0] =	vst v63  }
0x66: {  	_ =	swait.ge [sflag:s21], $0x4000  }
0x67: {  	[sflag:s21] =	ssyncset.done $0x0  }
0x68: {  	[sflag:s21] =	ssyncadd.s32 $0xFFFFC000  }
0x69: {  	_ =	swait.ge [sflag:s28], $0x4000  }
0x6a: {  	[sflag:s28] =	ssyncset.done $0x0  }
0x6b: {  	s12 =	simm.s32 $0x1480;
	[sflag:s28] =	ssyncadd.s32 $0xFFFFC000  }
0x6c: {  	[spmem:s1] =	stream.indirect.scatter.add.f32 [tilespmem:s25], [sflag:$0x3], $0x80, s12, s23, $0xb8;
	[tilespmem:$0x1E0C0] =	vst v63  }
0x6d: {  	_ =	swait.ge [sflag:s21], $0x4000  }
0x6e: {  	s2 =	simm.s32 $0x800;
	s10 =	simm.s32 $0x400;
	[sflag:s21] =	ssyncset.done $0x0  }
.LBB2_3:
0x6f: {  	s11 =	sshra.s32 s10, $0x2  }
0x70: {  	[sflag:s21] =	ssyncadd.s32 $0xFFFFC000;
	s10 =	smov.u32 s2;
	s12 =	sadd.s32 $0x400, s2  }
0x71: {  	[tilespmem:s24], [sflag:$0x1] =	stream.indirect.gather [hbm4b:s4+s23], $0x80, s11, s23, $0xb8;
	[tilespmem:$0x1E0C0] =	vst v63  }
0x72: {  	p4 =	sne.s32 s2, $0x4C00;
	s2 =	sadd.s32 $0x80, s11  }
0x73: {  	[tilespmem:s25], [sflag:$0x2] =	stream.indirect.gather [hbm4b:s4+s23], $0x80, s2, s23, $0xb8;
	[tilespmem:$0x1E0C0] =	vst v63  }
0x74: {  	_ =	swait.ge [sflag:s26], $0x4000  }
0x75: {  	[sflag:s26] =	ssyncset.done $0x0  }
0x76: {  	s2 =	sadd.s32 $0x1400, s11;
	[sflag:s26] =	ssyncadd.s32 $0xFFFFC000  }
0x77: {  	[spmem:s1] =	stream.indirect.scatter.add.f32 [tilespmem:s24], [sflag:$0x3], $0x80, s2, s23, $0xb8;
	[tilespmem:$0x1E0C0] =	vst v63  }
0x78: {  	_ =	swait.ge [sflag:s21], $0x4000  }
0x79: {  	[sflag:s21] =	ssyncset.done $0x0  }
0x7a: {  	[sflag:s21] =	ssyncadd.s32 $0xFFFFC000  }
0x7b: {  	_ =	swait.ge [sflag:s28], $0x4000  }
.Ltmp3:
0x7c: {  	[sflag:s28] =	ssyncset.done $0x0;
	(pc) =	sbr.rel @p4 .LBB2_3-.Ltmp3, $4  }
0x7d: {  	s2 =	sadd.s32 $0x1480, s11;
	[sflag:s28] =	ssyncadd.s32 $0xFFFFC000  }
0x7e: {  	[spmem:s1] =	stream.indirect.scatter.add.f32 [tilespmem:s25], [sflag:$0x3], $0x80, s2, s23, $0xb8;
	[tilespmem:$0x1E0C0] =	vst v63  }
0x7f: {  	_ =	swait.ge [sflag:s21], $0x4000  }
0x80: {  	s2 =	smov.u32 s12;
	[sflag:s21] =	ssyncset.done $0x0  }
0x81: {  	s2 =	sshra.s32 s10, $0x2;
	[sflag:s21] =	ssyncadd.s32 $0xFFFFC000  }
0x82: {  	[tilespmem:s24], [sflag:$0x1] =	stream.indirect.gather [hbm4b:s4+s23], $0x80, s2, s23, $0xb8;
	[tilespmem:$0x1E0C0] =	vst v63  }
0x83: {  	s10 =	sadd.s32 $0x80, s2  }
0x84: {  	[tilespmem:s25], [sflag:$0x2] =	stream.indirect.gather [hbm4b:s4+s23], $0x80, s10, s23, $0xb8;
	[tilespmem:$0x1E0C0] =	vst v63  }
0x85: {  	_ =	swait.ge [sflag:s26], $0x4000  }
0x86: {  	[sflag:s26] =	ssyncset.done $0x0  }
0x87: {  	s12 =	sadd.s32 $0x1400, s2;
	[sflag:s26] =	ssyncadd.s32 $0xFFFFC000  }
0x88: {  	[spmem:s1] =	stream.indirect.scatter.add.f32 [tilespmem:s24], [sflag:$0x3], $0x80, s12, s23, $0xb8;
	[tilespmem:$0x1E0C0] =	vst v63  }
0x89: {  	_ =	swait.ge [sflag:s21], $0x4000  }
0x8a: {  	[sflag:s21] =	ssyncset.done $0x0  }
0x8b: {  	[sflag:s21] =	ssyncadd.s32 $0xFFFFC000  }
0x8c: {  	_ =	swait.ge [sflag:s28], $0x4000  }
0x8d: {  	[sflag:s28] =	ssyncset.done $0x0  }
0x8e: {  	s2 =	sadd.s32 $0x1480, s2;
	[sflag:s28] =	ssyncadd.s32 $0xFFFFC000  }
0x8f: {  	[spmem:s1] =	stream.indirect.scatter.add.f32 [tilespmem:s25], [sflag:$0x3], $0x80, s2, s23, $0xb8;
	[tilespmem:$0x1E0C0] =	vst v63  }
0x90: {  	_ =	swait.ge [sflag:s21], $0x4000  }
0x91: {  	[sflag:s21] =	ssyncset.done $0x0  }
0x92: {  	s11 =	simm.s32 $0x0;
	[sflag:s21] =	ssyncadd.s32 $0xFFFFC000  }
0x93: {  	[tilespmem:s11], [sflag:$0x3] =	stream.linear.gather [hbm4b:s19+s11], $0x1400, $0x38;
	[tilespmem:$0x1E0C0] =	vst v63  }
0x94: {  	_ =	swait.ge [sflag:s21], $0x1400  }
0x95: {  	[sflag:s21] =	ssyncset.done $0x0  }
0x96: {  	[sflag:s21] =	ssyncadd.s32 $0xFFFFEC00  }
0x97: {  	[tilespmem:s22], [sflag:$0x3] =	stream.linear.gather [hbm4b:s20+s11], $0x1400, $0x38;
	[tilespmem:$0x1E0C0] =	vst v63  }
0x98: {  	_ =	swait.ge [sflag:s21], $0x1400  }
0x99: {  	[sflag:s21] =	ssyncset.done $0x0  }
0x9a: {  	s12 =	simm.s32 $0x0;
	[sflag:s21] =	ssyncadd.s32 $0xFFFFEC00  }
0x9b: {  	[tilespmem:s24], [sflag:$0x1] =	stream.indirect.gather [hbm4b:s4+s23], $0x80, s12, s23, $0xb8;
	[tilespmem:$0x1E0C0] =	vst v63  }
0x9c: {  	s10 =	simm.s32 $0x80  }
0x9d: {  	[tilespmem:s25], [sflag:$0x2] =	stream.indirect.gather [hbm4b:s4+s23], $0x80, s10, s23, $0xb8;
	[tilespmem:$0x1E0C0] =	vst v63  }
0x9e: {  	_ =	swait.ge [sflag:s26], $0x4000  }
0x9f: {  	[sflag:s26] =	ssyncset.done $0x0  }
0xa0: {  	s11 =	simm.s32 $0x1400;
	[sflag:s26] =	ssyncadd.s32 $0xFFFFC000  }
0xa1: {  	[spmem:s1] =	stream.indirect.scatter.add.f32 [tilespmem:s24], [sflag:$0x3], $0x80, s11, s23, $0xb8;
	[tilespmem:$0x1E0C0] =	vst v63  }
0xa2: {  	_ =	swait.ge [sflag:s21], $0x4000  }
0xa3: {  	[sflag:s21] =	ssyncset.done $0x0  }
0xa4: {  	[sflag:s21] =	ssyncadd.s32 $0xFFFFC000  }
0xa5: {  	_ =	swait.ge [sflag:s28], $0x4000  }
0xa6: {  	[sflag:s28] =	ssyncset.done $0x0  }
0xa7: {  	s12 =	simm.s32 $0x1480;
	[sflag:s28] =	ssyncadd.s32 $0xFFFFC000  }
0xa8: {  	[spmem:s1] =	stream.indirect.scatter.add.f32 [tilespmem:s25], [sflag:$0x3], $0x80, s12, s23, $0xb8;
	[tilespmem:$0x1E0C0] =	vst v63  }
0xa9: {  	_ =	swait.ge [sflag:s21], $0x4000  }
0xaa: {  	s2 =	simm.s32 $0x800;
	s10 =	simm.s32 $0x400;
	[sflag:s21] =	ssyncset.done $0x0  }
.LBB2_5:
0xab: {  	s11 =	sshra.s32 s10, $0x2  }
0xac: {  	[sflag:s21] =	ssyncadd.s32 $0xFFFFC000;
	s10 =	smov.u32 s2;
	s12 =	sadd.s32 $0x400, s2  }
0xad: {  	[tilespmem:s24], [sflag:$0x1] =	stream.indirect.gather [hbm4b:s4+s23], $0x80, s11, s23, $0xb8;
	[tilespmem:$0x1E0C0] =	vst v63  }
0xae: {  	p4 =	sne.s32 s2, $0x4C00;
	s2 =	sadd.s32 $0x80, s11  }
0xaf: {  	[tilespmem:s25], [sflag:$0x2] =	stream.indirect.gather [hbm4b:s4+s23], $0x80, s2, s23, $0xb8;
	[tilespmem:$0x1E0C0] =	vst v63  }
0xb0: {  	_ =	swait.ge [sflag:s26], $0x4000  }
0xb1: {  	[sflag:s26] =	ssyncset.done $0x0  }
0xb2: {  	s2 =	sadd.s32 $0x1400, s11;
	[sflag:s26] =	ssyncadd.s32 $0xFFFFC000  }
0xb3: {  	[spmem:s1] =	stream.indirect.scatter.add.f32 [tilespmem:s24], [sflag:$0x3], $0x80, s2, s23, $0xb8;
	[tilespmem:$0x1E0C0] =	vst v63  }
0xb4: {  	_ =	swait.ge [sflag:s21], $0x4000  }
0xb5: {  	[sflag:s21] =	ssyncset.done $0x0  }
0xb6: {  	[sflag:s21] =	ssyncadd.s32 $0xFFFFC000  }
0xb7: {  	_ =	swait.ge [sflag:s28], $0x4000  }
.Ltmp4:
0xb8: {  	[sflag:s28] =	ssyncset.done $0x0;
	(pc) =	sbr.rel @p4 .LBB2_5-.Ltmp4, $4  }
0xb9: {  	s2 =	sadd.s32 $0x1480, s11;
	[sflag:s28] =	ssyncadd.s32 $0xFFFFC000  }
0xba: {  	[spmem:s1] =	stream.indirect.scatter.add.f32 [tilespmem:s25], [sflag:$0x3], $0x80, s2, s23, $0xb8;
	[tilespmem:$0x1E0C0] =	vst v63  }
0xbb: {  	_ =	swait.ge [sflag:s21], $0x4000  }
0xbc: {  	s2 =	smov.u32 s12;
	[sflag:s21] =	ssyncset.done $0x0  }
0xbd: {  	s2 =	sshra.s32 s10, $0x2;
	[sflag:s21] =	ssyncadd.s32 $0xFFFFC000  }
0xbe: {  	[tilespmem:s24], [sflag:$0x1] =	stream.indirect.gather [hbm4b:s4+s23], $0x80, s2, s23, $0xb8;
	[tilespmem:$0x1E0C0] =	vst v63  }
0xbf: {  	s10 =	sadd.s32 $0x80, s2  }
0xc0: {  	[tilespmem:s25], [sflag:$0x2] =	stream.indirect.gather [hbm4b:s4+s23], $0x80, s10, s23, $0xb8;
	[tilespmem:$0x1E0C0] =	vst v63  }
0xc1: {  	_ =	swait.ge [sflag:s26], $0x4000  }
0xc2: {  	[sflag:s26] =	ssyncset.done $0x0  }
0xc3: {  	s12 =	sadd.s32 $0x1400, s2;
	[sflag:s26] =	ssyncadd.s32 $0xFFFFC000  }
0xc4: {  	[spmem:s1] =	stream.indirect.scatter.add.f32 [tilespmem:s24], [sflag:$0x3], $0x80, s12, s23, $0xb8;
	[tilespmem:$0x1E0C0] =	vst v63  }
0xc5: {  	_ =	swait.ge [sflag:s21], $0x4000  }
0xc6: {  	[sflag:s21] =	ssyncset.done $0x0  }
0xc7: {  	[sflag:s21] =	ssyncadd.s32 $0xFFFFC000  }
0xc8: {  	_ =	swait.ge [sflag:s28], $0x4000  }
0xc9: {  	[sflag:s28] =	ssyncset.done $0x0  }
0xca: {  	s2 =	sadd.s32 $0x1480, s2;
	[sflag:s28] =	ssyncadd.s32 $0xFFFFC000  }
0xcb: {  	[spmem:s1] =	stream.indirect.scatter.add.f32 [tilespmem:s25], [sflag:$0x3], $0x80, s2, s23, $0xb8;
	[tilespmem:$0x1E0C0] =	vst v63  }
0xcc: {  	_ =	swait.ge [sflag:s21], $0x4000  }
0xcd: {  	[sflag:s21] =	ssyncset.done $0x0  }
0xce: {  	[sflag:s21] =	ssyncadd.s32 $0xFFFFC000  }
.LBB2_7:
.Ltmp5:
0xcf: {  	(pc) =	sbr.rel @!p0 .LBB2_13-.Ltmp5, $1  }
0xd0: {  	_ =	sdelay $0x3  }
0xd1: {  	s2 =	simm.s32 $0x0  }
0xd2: {  	[tilespmem:s2], [sflag:$0x3] =	stream.linear.gather [hbm4b:s17+s2], $0x1400, $0x38;
	[tilespmem:$0x1E0C0] =	vst v63  }
0xd3: {  	_ =	swait.ge [sflag:s21], $0x1400  }
0xd4: {  	[sflag:s21] =	ssyncset.done $0x0  }
0xd5: {  	[sflag:s21] =	ssyncadd.s32 $0xFFFFEC00  }
0xd6: {  	[tilespmem:s22], [sflag:$0x3] =	stream.linear.gather [hbm4b:s18+s2], $0x1400, $0x38;
	[tilespmem:$0x1E0C0] =	vst v63  }
0xd7: {  	_ =	swait.ge [sflag:s21], $0x1400  }
0xd8: {  	[sflag:s21] =	ssyncset.done $0x0  }
0xd9: {  	s12 =	simm.s32 $0x0;
	[sflag:s21] =	ssyncadd.s32 $0xFFFFEC00  }
0xda: {  	[tilespmem:s24], [sflag:$0x1] =	stream.indirect.gather [hbm4b:s5+s23], $0x80, s12, s23, $0xb8;
	[tilespmem:$0x1E0C0] =	vst v63  }
0xdb: {  	s10 =	simm.s32 $0x80  }
0xdc: {  	[tilespmem:s25], [sflag:$0x2] =	stream.indirect.gather [hbm4b:s5+s23], $0x80, s10, s23, $0xb8;
	[tilespmem:$0x1E0C0] =	vst v63  }
0xdd: {  	_ =	swait.ge [sflag:s26], $0x4000  }
0xde: {  	[sflag:s26] =	ssyncset.done $0x0  }
0xdf: {  	s11 =	simm.s32 $0x1400;
	[sflag:s26] =	ssyncadd.s32 $0xFFFFC000  }
0xe0: {  	[spmem:s1] =	stream.indirect.scatter.add.f32 [tilespmem:s24], [sflag:$0x3], $0x80, s11, s23, $0xb8;
	[tilespmem:$0x1E0C0] =	vst v63  }
0xe1: {  	_ =	swait.ge [sflag:s21], $0x4000  }
0xe2: {  	[sflag:s21] =	ssyncset.done $0x0  }
0xe3: {  	[sflag:s21] =	ssyncadd.s32 $0xFFFFC000  }
0xe4: {  	_ =	swait.ge [sflag:s28], $0x4000  }
0xe5: {  	[sflag:s28] =	ssyncset.done $0x0  }
0xe6: {  	s12 =	simm.s32 $0x1480;
	[sflag:s28] =	ssyncadd.s32 $0xFFFFC000  }
0xe7: {  	[spmem:s1] =	stream.indirect.scatter.add.f32 [tilespmem:s25], [sflag:$0x3], $0x80, s12, s23, $0xb8;
	[tilespmem:$0x1E0C0] =	vst v63  }
0xe8: {  	_ =	swait.ge [sflag:s21], $0x4000  }
0xe9: {  	s2 =	simm.s32 $0x800;
	s10 =	simm.s32 $0x400;
	[sflag:s21] =	ssyncset.done $0x0  }
.LBB2_9:
0xea: {  	s11 =	sshra.s32 s10, $0x2  }
0xeb: {  	[sflag:s21] =	ssyncadd.s32 $0xFFFFC000;
	s10 =	smov.u32 s2;
	s12 =	sadd.s32 $0x400, s2  }
0xec: {  	[tilespmem:s24], [sflag:$0x1] =	stream.indirect.gather [hbm4b:s5+s23], $0x80, s11, s23, $0xb8;
	[tilespmem:$0x1E0C0] =	vst v63  }
0xed: {  	p4 =	sne.s32 s2, $0x4C00;
	s2 =	sadd.s32 $0x80, s11  }
0xee: {  	[tilespmem:s25], [sflag:$0x2] =	stream.indirect.gather [hbm4b:s5+s23], $0x80, s2, s23, $0xb8;
	[tilespmem:$0x1E0C0] =	vst v63  }
0xef: {  	_ =	swait.ge [sflag:s26], $0x4000  }
0xf0: {  	[sflag:s26] =	ssyncset.done $0x0  }
0xf1: {  	s2 =	sadd.s32 $0x1400, s11;
	[sflag:s26] =	ssyncadd.s32 $0xFFFFC000  }
0xf2: {  	[spmem:s1] =	stream.indirect.scatter.add.f32 [tilespmem:s24], [sflag:$0x3], $0x80, s2, s23, $0xb8;
	[tilespmem:$0x1E0C0] =	vst v63  }
0xf3: {  	_ =	swait.ge [sflag:s21], $0x4000  }
0xf4: {  	[sflag:s21] =	ssyncset.done $0x0  }
0xf5: {  	[sflag:s21] =	ssyncadd.s32 $0xFFFFC000  }
0xf6: {  	_ =	swait.ge [sflag:s28], $0x4000  }
.Ltmp6:
0xf7: {  	[sflag:s28] =	ssyncset.done $0x0;
	(pc) =	sbr.rel @p4 .LBB2_9-.Ltmp6, $4  }
0xf8: {  	s2 =	sadd.s32 $0x1480, s11;
	[sflag:s28] =	ssyncadd.s32 $0xFFFFC000  }
0xf9: {  	[spmem:s1] =	stream.indirect.scatter.add.f32 [tilespmem:s25], [sflag:$0x3], $0x80, s2, s23, $0xb8;
	[tilespmem:$0x1E0C0] =	vst v63  }
0xfa: {  	_ =	swait.ge [sflag:s21], $0x4000  }
0xfb: {  	s2 =	smov.u32 s12;
	[sflag:s21] =	ssyncset.done $0x0  }
0xfc: {  	s2 =	sshra.s32 s10, $0x2;
	[sflag:s21] =	ssyncadd.s32 $0xFFFFC000  }
0xfd: {  	[tilespmem:s24], [sflag:$0x1] =	stream.indirect.gather [hbm4b:s5+s23], $0x80, s2, s23, $0xb8;
	[tilespmem:$0x1E0C0] =	vst v63  }
0xfe: {  	s10 =	sadd.s32 $0x80, s2  }
0xff: {  	[tilespmem:s25], [sflag:$0x2] =	stream.indirect.gather [hbm4b:s5+s23], $0x80, s10, s23, $0xb8;
	[tilespmem:$0x1E0C0] =	vst v63  }
0x100: {  	_ =	swait.ge [sflag:s26], $0x4000  }
0x101: {  	[sflag:s26] =	ssyncset.done $0x0  }
0x102: {  	s12 =	sadd.s32 $0x1400, s2;
	[sflag:s26] =	ssyncadd.s32 $0xFFFFC000  }
0x103: {  	[spmem:s1] =	stream.indirect.scatter.add.f32 [tilespmem:s24], [sflag:$0x3], $0x80, s12, s23, $0xb8;
	[tilespmem:$0x1E0C0] =	vst v63  }
0x104: {  	_ =	swait.ge [sflag:s21], $0x4000  }
0x105: {  	[sflag:s21] =	ssyncset.done $0x0  }
0x106: {  	[sflag:s21] =	ssyncadd.s32 $0xFFFFC000  }
0x107: {  	_ =	swait.ge [sflag:s28], $0x4000  }
0x108: {  	[sflag:s28] =	ssyncset.done $0x0  }
0x109: {  	s2 =	sadd.s32 $0x1480, s2;
	[sflag:s28] =	ssyncadd.s32 $0xFFFFC000  }
0x10a: {  	[spmem:s1] =	stream.indirect.scatter.add.f32 [tilespmem:s25], [sflag:$0x3], $0x80, s2, s23, $0xb8;
	[tilespmem:$0x1E0C0] =	vst v63  }
0x10b: {  	_ =	swait.ge [sflag:s21], $0x4000  }
0x10c: {  	[sflag:s21] =	ssyncset.done $0x0  }
0x10d: {  	s11 =	simm.s32 $0x0;
	[sflag:s21] =	ssyncadd.s32 $0xFFFFC000  }
0x10e: {  	[tilespmem:s11], [sflag:$0x3] =	stream.linear.gather [hbm4b:s19+s11], $0x1400, $0x38;
	[tilespmem:$0x1E0C0] =	vst v63  }
0x10f: {  	_ =	swait.ge [sflag:s21], $0x1400  }
0x110: {  	[sflag:s21] =	ssyncset.done $0x0  }
0x111: {  	[sflag:s21] =	ssyncadd.s32 $0xFFFFEC00  }
0x112: {  	[tilespmem:s22], [sflag:$0x3] =	stream.linear.gather [hbm4b:s20+s11], $0x1400, $0x38;
	[tilespmem:$0x1E0C0] =	vst v63  }
0x113: {  	_ =	swait.ge [sflag:s21], $0x1400  }
0x114: {  	[sflag:s21] =	ssyncset.done $0x0  }
0x115: {  	s12 =	simm.s32 $0x0;
	[sflag:s21] =	ssyncadd.s32 $0xFFFFEC00  }
0x116: {  	[tilespmem:s24], [sflag:$0x1] =	stream.indirect.gather [hbm4b:s5+s23], $0x80, s12, s23, $0xb8;
	[tilespmem:$0x1E0C0] =	vst v63  }
0x117: {  	s10 =	simm.s32 $0x80  }
0x118: {  	[tilespmem:s25], [sflag:$0x2] =	stream.indirect.gather [hbm4b:s5+s23], $0x80, s10, s23, $0xb8;
	[tilespmem:$0x1E0C0] =	vst v63  }
0x119: {  	_ =	swait.ge [sflag:s26], $0x4000  }
0x11a: {  	[sflag:s26] =	ssyncset.done $0x0  }
0x11b: {  	s11 =	simm.s32 $0x1400;
	[sflag:s26] =	ssyncadd.s32 $0xFFFFC000  }
0x11c: {  	[spmem:s1] =	stream.indirect.scatter.add.f32 [tilespmem:s24], [sflag:$0x3], $0x80, s11, s23, $0xb8;
	[tilespmem:$0x1E0C0] =	vst v63  }
0x11d: {  	_ =	swait.ge [sflag:s21], $0x4000  }
0x11e: {  	[sflag:s21] =	ssyncset.done $0x0  }
0x11f: {  	[sflag:s21] =	ssyncadd.s32 $0xFFFFC000  }
0x120: {  	_ =	swait.ge [sflag:s28], $0x4000  }
0x121: {  	[sflag:s28] =	ssyncset.done $0x0  }
0x122: {  	s12 =	simm.s32 $0x1480;
	[sflag:s28] =	ssyncadd.s32 $0xFFFFC000  }
0x123: {  	[spmem:s1] =	stream.indirect.scatter.add.f32 [tilespmem:s25], [sflag:$0x3], $0x80, s12, s23, $0xb8;
	[tilespmem:$0x1E0C0] =	vst v63  }
0x124: {  	_ =	swait.ge [sflag:s21], $0x4000  }
0x125: {  	s2 =	simm.s32 $0x800;
	s10 =	simm.s32 $0x400;
	[sflag:s21] =	ssyncset.done $0x0  }
.LBB2_11:
0x126: {  	s11 =	sshra.s32 s10, $0x2  }
0x127: {  	[sflag:s21] =	ssyncadd.s32 $0xFFFFC000;
	s10 =	smov.u32 s2;
	s12 =	sadd.s32 $0x400, s2  }
0x128: {  	[tilespmem:s24], [sflag:$0x1] =	stream.indirect.gather [hbm4b:s5+s23], $0x80, s11, s23, $0xb8;
	[tilespmem:$0x1E0C0] =	vst v63  }
0x129: {  	p4 =	sne.s32 s2, $0x4C00;
	s2 =	sadd.s32 $0x80, s11  }
0x12a: {  	[tilespmem:s25], [sflag:$0x2] =	stream.indirect.gather [hbm4b:s5+s23], $0x80, s2, s23, $0xb8;
	[tilespmem:$0x1E0C0] =	vst v63  }
0x12b: {  	_ =	swait.ge [sflag:s26], $0x4000  }
0x12c: {  	[sflag:s26] =	ssyncset.done $0x0  }
0x12d: {  	s2 =	sadd.s32 $0x1400, s11;
	[sflag:s26] =	ssyncadd.s32 $0xFFFFC000  }
0x12e: {  	[spmem:s1] =	stream.indirect.scatter.add.f32 [tilespmem:s24], [sflag:$0x3], $0x80, s2, s23, $0xb8;
	[tilespmem:$0x1E0C0] =	vst v63  }
0x12f: {  	_ =	swait.ge [sflag:s21], $0x4000  }
0x130: {  	[sflag:s21] =	ssyncset.done $0x0  }
0x131: {  	[sflag:s21] =	ssyncadd.s32 $0xFFFFC000  }
0x132: {  	_ =	swait.ge [sflag:s28], $0x4000  }
.Ltmp7:
0x133: {  	[sflag:s28] =	ssyncset.done $0x0;
	(pc) =	sbr.rel @p4 .LBB2_11-.Ltmp7, $4  }
0x134: {  	s2 =	sadd.s32 $0x1480, s11;
	[sflag:s28] =	ssyncadd.s32 $0xFFFFC000  }
0x135: {  	[spmem:s1] =	stream.indirect.scatter.add.f32 [tilespmem:s25], [sflag:$0x3], $0x80, s2, s23, $0xb8;
	[tilespmem:$0x1E0C0] =	vst v63  }
0x136: {  	_ =	swait.ge [sflag:s21], $0x4000  }
0x137: {  	s2 =	smov.u32 s12;
	[sflag:s21] =	ssyncset.done $0x0  }
.Ltmp8:
0x138: {  	_ = 	snop;
	(pc) =	sbr.rel .LBB2_12-.Ltmp8, $1  }
0x139: {  	_ =	sdelay $0x3  }
.LBB2_14:
0x13a: {  	_ =	sfence.sel $0x180000  }
0x13b: {  	[bflag:$0x0] =	sbarrier.arrive $0xFFFF  }
0x13c: {  	_ =	strace $0x9000004D  }
0x13d: {  	s0 =	stileid.u32;
	[bflag:$0x2] =	sbarrier.arrive $0xFFFF  }
0x13e: {  	p0 =	sne.s32 s0, $0x0;
	s0 =	rddreg [dreg:$0x2]  }
0x13f: {  	s0 =	sadd.s32 @!p0 $0x100000, s0  }
0x140: {  	[sflag:s0] =	ssyncadd.tile.s32 @!p0 $0x1;
	_ =	shalt  }
.Lfunc_end2:
_tile_overlayer_lowered:
.L_overlay_start_2:
0x141: {  	(tag) =	ssettag $0x2  }
0x142: {  	s0 =	rddreg [dreg:$0x0];
	s2 =	stileid.u32  }
0x143: {  	s1 =	rddreg [dreg:$0x1];
	p0 =	sne.s32 s2, $0x0  }
0x144: {  	s3 =	rddreg [dreg:$0x2];
	[bflag:$0x3] =	sbarrier.arrive $0xFFFF;
	s2 =	simm.s32 @!p0 $0x1C03  }
0x145: {  	[timem:s3], [sflag:s2] =	dma.local @!p0 [hbm:s0], s1  }
0x146: {  	s0 =	simm.s32 @!p0 $0x3  }
0x147: {  	_ =	swait.ge @!p0 [sflag:s0], s1  }
0x148: {  	s1 =	ssub.s32 @!p0 $0x0, s1;
	[sflag:s0] =	ssyncset.done @!p0 $0x0  }
0x149: {  	[sflag:s0] =	ssyncadd.s32 @!p0 s1  }
0x14a: {  	[bflag:$0x3] =	sbarrier.arrive $0xFFFF  }
0x14b: {  	_ =	shalt  }

</sc_bundles>
